<compile_context>
chip_gen: v7x
topology: tpu7x:2x2x1
jax: 0.10.2.dev20260603
libtpu: 0.0.44.dev20260713+nightly
codegen_flags: <defaults>
</compile_context>

<pallas_src>
import functools

import jax
import jax.numpy as jnp
from jax import lax
from jax.experimental import pallas as pl
from jax.experimental.pallas import tpu as pltpu
from jax.experimental.pallas import tpu_sc as plsc

TOTAL_TOKENS = 2097152
BATCH = 1024
MAX_LEN = 4096

NUM_CORES = 2
NUM_SUBCORES = 16
LANES = 16
NW = NUM_CORES * NUM_SUBCORES
ROWS_PER_W = BATCH // NW
PAIRS = ROWS_PER_W // 2

UNROLL = 8
GROUP = UNROLL * LANES
NGROUPS = MAX_LEN // GROUP

WIN = MAX_LEN + LANES
WIN_CLASSES = (512 + LANES, 1024 + LANES, 2048 + LANES, WIN)
BUF = WIN + MAX_LEN + GROUP
CU_BUF = BATCH + LANES


def _row_params(cu_v, b):
    se = cu_v[pl.ds(b, LANES)]
    start = se[0]
    end = se[1]
    seq_len = jnp.minimum(end - start, MAX_LEN)
    base0 = (start >> 3) << 3
    return start, seq_len, base0


def _class_preds(seq_len):
    preds = []
    lo = -1
    for w in WIN_CLASSES:
        hi = w - LANES
        preds.append((seq_len > lo) & (seq_len <= hi) if lo >= 0 else seq_len <= hi)
        lo = hi
    return preds


def _issue_win(flat_hbm, cu_v, win_ref, sem, b):
    _, seq_len, base0 = _row_params(cu_v, b)
    for pred, w in zip(_class_preds(seq_len), WIN_CLASSES):
        @pl.when(pred)
        def _(w=w):
            base = pl.multiple_of(jnp.minimum(base0, TOTAL_TOKENS - w), 8)
            pltpu.async_copy(flat_hbm.at[pl.ds(base, w)],
                             win_ref.at[pl.ds(0, w)], sem)


def _wait_win(flat_hbm, cu_v, win_ref, sem, b):
    _, seq_len, _ = _row_params(cu_v, b)
    for pred, w in zip(_class_preds(seq_len), WIN_CLASSES):
        @pl.when(pred)
        def _(w=w):
            pltpu.make_async_copy(flat_hbm.at[pl.ds(0, w)],
                                  win_ref.at[pl.ds(0, w)], sem).wait()


def _compute_row(cu_v, win_ref, row_ref, b, iota, zeros):
    start, seq_len, base0 = _row_params(cu_v, b)
    base = base0
    for pred, w in zip(_class_preds(seq_len), WIN_CLASSES):
        base = jnp.where(pred, jnp.minimum(base0, TOTAL_TOKENS - w), base)
    off = start - base
    nfull = seq_len // GROUP
    ngrp = (seq_len + (GROUP - 1)) // GROUP

    def full_body(g, c):
        e0 = g * GROUP
        for j in range(UNROLL):
            e = e0 + j * LANES
            v = win_ref[pl.ds(off + e, LANES)]
            row_ref[pl.ds(e, LANES)] = jnp.where(v == v, v, jnp.float32(0.0))
        return c

    def zero_body(g, c):
        e0 = g * GROUP
        for j in range(UNROLL):
            row_ref[pl.ds(e0 + j * LANES, LANES)] = zeros
        return c

    lax.fori_loop(0, nfull, full_body, 0)

    @pl.when(ngrp > nfull)
    def _():
        e0 = nfull * GROUP
        for j in range(UNROLL):
            e = e0 + j * LANES
            v = win_ref[pl.ds(off + e, LANES)]
            ok = (iota < seq_len - e) & (v == v)
            row_ref[pl.ds(e, LANES)] = jnp.where(ok, v, jnp.float32(0.0))

    lax.fori_loop(ngrp, NGROUPS, zero_body, 0)


def _ts_kernel(flat_hbm, cu_hbm, out_hbm, cu_v, win0, win1, row0, row1,
               cu_sem, win_sem0, win_sem1, out_sem0, out_sem1):
    wid = lax.axis_index("s") * NUM_CORES + lax.axis_index("c")
    row_base = wid * ROWS_PER_W
    iota = lax.iota(jnp.int32, LANES)
    zeros = jnp.zeros((LANES,), jnp.float32)

    pltpu.async_copy(cu_hbm, cu_v.at[pl.ds(0, BATCH + 1)], cu_sem).wait()

    def wait_out(row_ref, sem):
        pltpu.make_async_copy(row_ref, out_hbm.at[0], sem).wait()

    _issue_win(flat_hbm, cu_v, win0, win_sem0, row_base)

    def pair_body(k, carry):
        ra = row_base + 2 * k
        rb = ra + 1
        _issue_win(flat_hbm, cu_v, win1, win_sem1, rb)

        @pl.when(k >= 1)
        def _():
            wait_out(row0, out_sem0)
            wait_out(row1, out_sem1)

        _wait_win(flat_hbm, cu_v, win0, win_sem0, ra)
        _compute_row(cu_v, win0, row0, ra, iota, zeros)
        pltpu.async_copy(row0, out_hbm.at[ra], out_sem0)

        @pl.when(k < PAIRS - 1)
        def _():
            _issue_win(flat_hbm, cu_v, win0, win_sem0, rb + 1)

        _wait_win(flat_hbm, cu_v, win1, win_sem1, rb)
        _compute_row(cu_v, win1, row1, rb, iota, zeros)
        pltpu.async_copy(row1, out_hbm.at[rb], out_sem1)
        return carry

    lax.fori_loop(0, PAIRS, pair_body, 0)
    wait_out(row0, out_sem0)
    wait_out(row1, out_sem1)


@functools.partial(jax.jit, static_argnames=())
def kernel(flat_values, cu_seqlens):
    mesh = plsc.VectorSubcoreMesh(core_axis_name="c", subcore_axis_name="s")
    run = pl.kernel(
        _ts_kernel,
        out_type=jax.ShapeDtypeStruct((BATCH, MAX_LEN), jnp.float32),
        mesh=mesh,
        scratch_types=[
            pltpu.VMEM((CU_BUF,), jnp.int32),
            pltpu.VMEM((BUF,), jnp.float32),
            pltpu.VMEM((BUF,), jnp.float32),
            pltpu.VMEM((MAX_LEN,), jnp.float32),
            pltpu.VMEM((MAX_LEN,), jnp.float32),
            pltpu.SemaphoreType.DMA,
            pltpu.SemaphoreType.DMA,
            pltpu.SemaphoreType.DMA,
            pltpu.SemaphoreType.DMA,
            pltpu.SemaphoreType.DMA,
        ],
    )
    return run(flat_values, cu_seqlens)

# --- scband reference (transcript-rebuilt; emitter-appended) ---
"""Pipeline reference for scband-timeseries-preprocessing-28355374088651 (READ-ONLY COPY).

The authoritative reference and input builder live on the scoring server;
editing this copy changes nothing except your own understanding.
"""

import jax, jax.numpy as jnp
import numpy as np

TOTAL_TOKENS = 2097152
BATCH = 1024
MAX_LEN = 4096
PADDING_VALUE = 0.0


def setup_inputs(seed: int = 0) -> dict:
    key = jax.random.key(seed)
    k1, k2 = jax.random.split(key)
    flat_values = jax.random.normal(k1, (TOTAL_TOKENS,), dtype=jnp.float32)
    inner = jnp.sort(jax.random.randint(k2, (BATCH - 1,), 0, TOTAL_TOKENS)).astype(jnp.int32)
    cu_seqlens = jnp.concatenate([
        jnp.zeros((1,), dtype=jnp.int32),
        inner,
        jnp.full((1,), TOTAL_TOKENS, dtype=jnp.int32),
    ])
    return {"flat_values": flat_values, "cu_seqlens": cu_seqlens}


def reference(flat_values, cu_seqlens):
    # Faithful jax translation of _TimeseriesPreprocessing.forward_list_of_tensors
    # with padding='right': each ragged sequence (delimited by cu_seqlens) is
    # truncated to MAX_LEN and right-padded with PADDING_VALUE into a dense
    # [BATCH, MAX_LEN] matrix. NaN entries are replaced with the computed fill
    # value (0.0), mirroring _nan_to_fill_value.
    starts = cu_seqlens[:-1]                      # [B]
    lengths = cu_seqlens[1:] - starts             # [B] (may exceed MAX_LEN -> truncated)
    pos = jnp.arange(MAX_LEN, dtype=jnp.int32)    # [MAX_LEN]
    idx = starts[:, None] + pos[None, :]          # [B, MAX_LEN]
    valid = pos[None, :] < lengths[:, None]       # [B, MAX_LEN]
    safe_idx = jnp.clip(idx, 0, flat_values.shape[0] - 1)
    gathered = jnp.take(flat_values, safe_idx.reshape(-1), axis=0).reshape(BATCH, MAX_LEN)
    # nan -> computed_fill_value (0.0)
    gathered = jnp.where(jnp.isnan(gathered), jnp.float32(0.0), gathered)
    timeseries_matrix = jnp.where(valid, gathered, jnp.float32(PADDING_VALUE))
    return timeseries_matrix

if __name__ == "__main__":
    import jax
    _d = setup_inputs()
    print(jax.jit(kernel)(*tuple(_d.values())))

</pallas_src>

<mosaic_0001>
#map = affine_map<(d0, d1) -> (0)>
#map1 = affine_map<(d0, d1) -> (0, 0)>
module attributes {stable_mosaic.version = 14 : i64} {
  func.func @_ts_kernel(%arg0: i32, %arg1: i32, %arg2: memref<2097152xf32, #tpu.memory_space<hbm>>, %arg3: memref<1025xi32, #tpu.memory_space<hbm>>, %arg4: memref<1024x4096xf32, #tpu.memory_space<hbm>>, %arg5: memref<1040xi32, #tpu.memory_space<vmem>>, %arg6: memref<8336xf32, #tpu.memory_space<vmem>>, %arg7: memref<8336xf32, #tpu.memory_space<vmem>>, %arg8: memref<4096xf32, #tpu.memory_space<vmem>>, %arg9: memref<4096xf32, #tpu.memory_space<vmem>>, %arg10: memref<!tpu.dma_semaphore, #tpu.memory_space<semaphore_mem>>, %arg11: memref<!tpu.dma_semaphore, #tpu.memory_space<semaphore_mem>>, %arg12: memref<!tpu.dma_semaphore, #tpu.memory_space<semaphore_mem>>, %arg13: memref<!tpu.dma_semaphore, #tpu.memory_space<semaphore_mem>>, %arg14: memref<!tpu.dma_semaphore, #tpu.memory_space<semaphore_mem>>) attributes {dimension_semantics = [#tpu.dimension_semantics<core_parallel>, #tpu.dimension_semantics<subcore_parallel>], iteration_bounds = array<i64: 2, 16>, scalar_prefetch = 0 : i64, scratch_operands = 10 : i64, tpu.core_type = #tpu.core_type<sc_vector_subcore>, window_params = [{transform_indices = #map}, {transform_indices = #map}, {transform_indices = #map1}]} {
    %mul3A = arith.constant 2 : i32
    %mul3A_0 = arith.muli %arg1, %mul3A : i32
    %add3A = arith.addi %mul3A_0, %arg0 : i32
    %mul3A_1 = arith.constant 32 : i32
    %mul3A_2 = arith.muli %add3A, %mul3A_1 : i32
    %iota3A = tpu.iota {dimensions = array<i32: 0>} : vector<16xi32>
    %broadcast_in_dim3A = arith.constant 0.000000e+00 : f32
    %broadcast_in_dim3A_3 = vector.broadcast %broadcast_in_dim3A : f32 to vector<16xf32>
    %dma_start3A = arith.constant 0 : i32
    %dma_start3A_4 = tpu.memref_slice %arg5[%dma_start3A] : memref<1040xi32, #tpu.memory_space<vmem>> -> memref<1025xi32, #tpu.memory_space<vmem>>
    %dma_start3A_5 = arith.constant 0 : i32
    %dma_start3A_6 = tpu.memref_slice %arg5[%dma_start3A_5] : memref<1040xi32, #tpu.memory_space<vmem>> -> memref<1025xi32, #tpu.memory_space<vmem>>
    tpu.enqueue_dma source(%arg3 : memref<1025xi32, #tpu.memory_space<hbm>>) target(%dma_start3A_6 : memref<1025xi32, #tpu.memory_space<vmem>>) target_semaphore(%arg10 : memref<!tpu.dma_semaphore, #tpu.memory_space<semaphore_mem>>)
    %dma_wait3A = arith.constant 0 : i32
    %dma_wait3A_7 = tpu.memref_slice %arg5[%dma_wait3A] : memref<1040xi32, #tpu.memory_space<vmem>> -> memref<1025xi32, #tpu.memory_space<vmem>>
    %dma_wait3A_8 = arith.constant 0 : i32
    %dma_wait3A_9 = tpu.memref_slice %arg5[%dma_wait3A_8] : memref<1040xi32, #tpu.memory_space<vmem>> -> memref<1025xi32, #tpu.memory_space<vmem>>
    tpu.wait_dma2 semaphore(%arg10 : memref<!tpu.dma_semaphore, #tpu.memory_space<semaphore_mem>>) src(%arg3 : memref<1025xi32, #tpu.memory_space<hbm>>) dst(%dma_wait3A_9 : memref<1025xi32, #tpu.memory_space<vmem>>)
    %get3A = arith.index_cast %mul3A_2 : i32 to index
    %get3A_10 = tpu.vector_load %arg5[%get3A] {strides = array<i32>} : memref<1040xi32, #tpu.memory_space<vmem>>, vector<16xi32>,
    %get3A_11 = vector.shape_cast %get3A_10 : vector<16xi32> to vector<16xi32>
    %slice3A = vector.extract_strided_slice %get3A_11 {offsets = [0], sizes = [1], strides = [1]} : vector<16xi32> to vector<1xi32>
    %squeeze3A = vector.extract %slice3A[0] : i32 from vector<1xi32>
    %slice3A_12 = vector.extract_strided_slice %get3A_11 {offsets = [1], sizes = [1], strides = [1]} : vector<16xi32> to vector<1xi32>
    %squeeze3A_13 = vector.extract %slice3A_12[0] : i32 from vector<1xi32>
    %sub3A = arith.subi %squeeze3A_13, %squeeze3A : i32
    %min3A = arith.constant 4096 : i32
    %min3A_14 = arith.minsi %sub3A, %min3A : i32
    %shift_right_arithmetic3A = arith.constant 3 : i32
    %shift_right_arithmetic3A_15 = arith.shrsi %squeeze3A, %shift_right_arithmetic3A : i32
    %shift_left3A = arith.constant 3 : i32
    %shift_left3A_16 = arith.shli %shift_right_arithmetic3A_15, %shift_left3A : i32
    %le3A = arith.constant 512 : i32
    %le3A_17 = arith.cmpi sle, %min3A_14, %le3A : i32
    %gt3A = arith.constant 512 : i32
    %gt3A_18 = arith.cmpi sgt, %min3A_14, %gt3A : i32
    %le3A_19 = arith.constant 1024 : i32
    %le3A_20 = arith.cmpi sle, %min3A_14, %le3A_19 : i32
    %and3A = arith.andi %gt3A_18, %le3A_20 : i1
    %gt3A_21 = arith.constant 1024 : i32
    %gt3A_22 = arith.cmpi sgt, %min3A_14, %gt3A_21 : i32
    %le3A_23 = arith.constant 2048 : i32
    %le3A_24 = arith.cmpi sle, %min3A_14, %le3A_23 : i32
    %and3A_25 = arith.andi %gt3A_22, %le3A_24 : i1
    %gt3A_26 = arith.constant 2048 : i32
    %gt3A_27 = arith.cmpi sgt, %min3A_14, %gt3A_26 : i32
    %le3A_28 = arith.constant 4096 : i32
    %le3A_29 = arith.cmpi sle, %min3A_14, %le3A_28 : i32
    %and3A_30 = arith.andi %gt3A_27, %le3A_29 : i1
    %convert_element_type3A = arith.extui %le3A_17 : i1 to i32
    %cond3A = arith.constant 0 : i32
    %cond3A_31 = arith.cmpi ne, %convert_element_type3A, %cond3A : i32
    scf.if %cond3A_31 {
      %min3A_60 = arith.constant 2096624 : i32
      %min3A_61 = arith.minsi %shift_left3A_16, %min3A_60 : i32
      %multiple_of3A = tpu.assume_multiple %min3A_61, 8 : i32
      %dma_start3A_62 = arith.constant 0 : i32
      %dma_start3A_63 = tpu.memref_slice %arg6[%dma_start3A_62] : memref<8336xf32, #tpu.memory_space<vmem>> -> memref<528xf32, #tpu.memory_space<vmem>>
      %dma_start3A_64 = tpu.memref_slice %arg2[%multiple_of3A] : memref<2097152xf32, #tpu.memory_space<hbm>> -> memref<528xf32, #tpu.memory_space<hbm>>
      %dma_start3A_65 = arith.constant 0 : i32
      %dma_start3A_66 = tpu.memref_slice %arg6[%dma_start3A_65] : memref<8336xf32, #tpu.memory_space<vmem>> -> memref<528xf32, #tpu.memory_space<vmem>>
      %dma_start3A_67 = tpu.memref_slice %arg2[%multiple_of3A] : memref<2097152xf32, #tpu.memory_space<hbm>> -> memref<528xf32, #tpu.memory_space<hbm>>
      tpu.enqueue_dma source(%dma_start3A_67 : memref<528xf32, #tpu.memory_space<hbm>>) target(%dma_start3A_66 : memref<528xf32, #tpu.memory_space<vmem>>) target_semaphore(%arg11 : memref<!tpu.dma_semaphore, #tpu.memory_space<semaphore_mem>>)
    } else {
    }
    %convert_element_type3A_32 = arith.extui %and3A : i1 to i32
    %cond3A_33 = arith.constant 0 : i32
    %cond3A_34 = arith.cmpi ne, %convert_element_type3A_32, %cond3A_33 : i32
    scf.if %cond3A_34 {
      %min3A_60 = arith.constant 2096112 : i32
      %min3A_61 = arith.minsi %shift_left3A_16, %min3A_60 : i32
      %multiple_of3A = tpu.assume_multiple %min3A_61, 8 : i32
      %dma_start3A_62 = arith.constant 0 : i32
      %dma_start3A_63 = tpu.memref_slice %arg6[%dma_start3A_62] : memref<8336xf32, #tpu.memory_space<vmem>> -> memref<1040xf32, #tpu.memory_space<vmem>>
      %dma_start3A_64 = tpu.memref_slice %arg2[%multiple_of3A] : memref<2097152xf32, #tpu.memory_space<hbm>> -> memref<1040xf32, #tpu.memory_space<hbm>>
      %dma_start3A_65 = arith.constant 0 : i32
      %dma_start3A_66 = tpu.memref_slice %arg6[%dma_start3A_65] : memref<8336xf32, #tpu.memory_space<vmem>> -> memref<1040xf32, #tpu.memory_space<vmem>>
      %dma_start3A_67 = tpu.memref_slice %arg2[%multiple_of3A] : memref<2097152xf32, #tpu.memory_space<hbm>> -> memref<1040xf32, #tpu.memory_space<hbm>>
      tpu.enqueue_dma source(%dma_start3A_67 : memref<1040xf32, #tpu.memory_space<hbm>>) target(%dma_start3A_66 : memref<1040xf32, #tpu.memory_space<vmem>>) target_semaphore(%arg11 : memref<!tpu.dma_semaphore, #tpu.memory_space<semaphore_mem>>)
    } else {
    }
    %convert_element_type3A_35 = arith.extui %and3A_25 : i1 to i32
    %cond3A_36 = arith.constant 0 : i32
    %cond3A_37 = arith.cmpi ne, %convert_element_type3A_35, %cond3A_36 : i32
    scf.if %cond3A_37 {
      %min3A_60 = arith.constant 2095088 : i32
      %min3A_61 = arith.minsi %shift_left3A_16, %min3A_60 : i32
      %multiple_of3A = tpu.assume_multiple %min3A_61, 8 : i32
      %dma_start3A_62 = arith.constant 0 : i32
      %dma_start3A_63 = tpu.memref_slice %arg6[%dma_start3A_62] : memref<8336xf32, #tpu.memory_space<vmem>> -> memref<2064xf32, #tpu.memory_space<vmem>>
      %dma_start3A_64 = tpu.memref_slice %arg2[%multiple_of3A] : memref<2097152xf32, #tpu.memory_space<hbm>> -> memref<2064xf32, #tpu.memory_space<hbm>>
      %dma_start3A_65 = arith.constant 0 : i32
      %dma_start3A_66 = tpu.memref_slice %arg6[%dma_start3A_65] : memref<8336xf32, #tpu.memory_space<vmem>> -> memref<2064xf32, #tpu.memory_space<vmem>>
      %dma_start3A_67 = tpu.memref_slice %arg2[%multiple_of3A] : memref<2097152xf32, #tpu.memory_space<hbm>> -> memref<2064xf32, #tpu.memory_space<hbm>>
      tpu.enqueue_dma source(%dma_start3A_67 : memref<2064xf32, #tpu.memory_space<hbm>>) target(%dma_start3A_66 : memref<2064xf32, #tpu.memory_space<vmem>>) target_semaphore(%arg11 : memref<!tpu.dma_semaphore, #tpu.memory_space<semaphore_mem>>)
    } else {
    }
    %convert_element_type3A_38 = arith.extui %and3A_30 : i1 to i32
    %cond3A_39 = arith.constant 0 : i32
    %cond3A_40 = arith.cmpi ne, %convert_element_type3A_38, %cond3A_39 : i32
    scf.if %cond3A_40 {
      %min3A_60 = arith.constant 2093040 : i32
      %min3A_61 = arith.minsi %shift_left3A_16, %min3A_60 : i32
      %multiple_of3A = tpu.assume_multiple %min3A_61, 8 : i32
      %dma_start3A_62 = arith.constant 0 : i32
      %dma_start3A_63 = tpu.memref_slice %arg6[%dma_start3A_62] : memref<8336xf32, #tpu.memory_space<vmem>> -> memref<4112xf32, #tpu.memory_space<vmem>>
      %dma_start3A_64 = tpu.memref_slice %arg2[%multiple_of3A] : memref<2097152xf32, #tpu.memory_space<hbm>> -> memref<4112xf32, #tpu.memory_space<hbm>>
      %dma_start3A_65 = arith.constant 0 : i32
      %dma_start3A_66 = tpu.memref_slice %arg6[%dma_start3A_65] : memref<8336xf32, #tpu.memory_space<vmem>> -> memref<4112xf32, #tpu.memory_space<vmem>>
      %dma_start3A_67 = tpu.memref_slice %arg2[%multiple_of3A] : memref<2097152xf32, #tpu.memory_space<hbm>> -> memref<4112xf32, #tpu.memory_space<hbm>>
      tpu.enqueue_dma source(%dma_start3A_67 : memref<4112xf32, #tpu.memory_space<hbm>>) target(%dma_start3A_66 : memref<4112xf32, #tpu.memory_space<vmem>>) target_semaphore(%arg11 : memref<!tpu.dma_semaphore, #tpu.memory_space<semaphore_mem>>)
    } else {
    }
    %scan3A = arith.constant 0 : i32
    %scan3A_41 = arith.constant 0 : i32
    %scan3A_42 = arith.constant 16 : i32
    %scan3A_43 = arith.addi %scan3A_41, %scan3A_42 : i32
    %scan3A_44 = arith.constant 1 : i32
    scf.for %scan3A_60 = %scan3A_41 to %scan3A_43 step %scan3A_44  : i32 {
      %mul3A_61 = arith.constant 2 : i32
      %mul3A_62 = arith.muli %mul3A_61, %scan3A_60 : i32
      %add3A_63 = arith.addi %mul3A_2, %mul3A_62 : i32
      %add3A_64 = arith.constant 1 : i32
      %add3A_65 = arith.addi %add3A_63, %add3A_64 : i32
      %get3A_66 = arith.index_cast %add3A_65 : i32 to index
      %get3A_67 = tpu.vector_load %arg5[%get3A_66] {strides = array<i32>} : memref<1040xi32, #tpu.memory_space<vmem>>, vector<16xi32>,
      %get3A_68 = vector.shape_cast %get3A_67 : vector<16xi32> to vector<16xi32>
      %slice3A_69 = vector.extract_strided_slice %get3A_68 {offsets = [0], sizes = [1], strides = [1]} : vector<16xi32> to vector<1xi32>
      %squeeze3A_70 = vector.extract %slice3A_69[0] : i32 from vector<1xi32>
      %slice3A_71 = vector.extract_strided_slice %get3A_68 {offsets = [1], sizes = [1], strides = [1]} : vector<16xi32> to vector<1xi32>
      %squeeze3A_72 = vector.extract %slice3A_71[0] : i32 from vector<1xi32>
      %sub3A_73 = arith.subi %squeeze3A_72, %squeeze3A_70 : i32
      %min3A_74 = arith.constant 4096 : i32
      %min3A_75 = arith.minsi %sub3A_73, %min3A_74 : i32
      %shift_right_arithmetic3A_76 = arith.constant 3 : i32
      %shift_right_arithmetic3A_77 = arith.shrsi %squeeze3A_70, %shift_right_arithmetic3A_76 : i32
      %shift_left3A_78 = arith.constant 3 : i32
      %shift_left3A_79 = arith.shli %shift_right_arithmetic3A_77, %shift_left3A_78 : i32
      %le3A_80 = arith.constant 512 : i32
      %le3A_81 = arith.cmpi sle, %min3A_75, %le3A_80 : i32
      %gt3A_82 = arith.constant 512 : i32
      %gt3A_83 = arith.cmpi sgt, %min3A_75, %gt3A_82 : i32
      %le3A_84 = arith.constant 1024 : i32
      %le3A_85 = arith.cmpi sle, %min3A_75, %le3A_84 : i32
      %and3A_86 = arith.andi %gt3A_83, %le3A_85 : i1
      %gt3A_87 = arith.constant 1024 : i32
      %gt3A_88 = arith.cmpi sgt, %min3A_75, %gt3A_87 : i32
      %le3A_89 = arith.constant 2048 : i32
      %le3A_90 = arith.cmpi sle, %min3A_75, %le3A_89 : i32
      %and3A_91 = arith.andi %gt3A_88, %le3A_90 : i1
      %gt3A_92 = arith.constant 2048 : i32
      %gt3A_93 = arith.cmpi sgt, %min3A_75, %gt3A_92 : i32
      %le3A_94 = arith.constant 4096 : i32
      %le3A_95 = arith.cmpi sle, %min3A_75, %le3A_94 : i32
      %and3A_96 = arith.andi %gt3A_93, %le3A_95 : i1
      %convert_element_type3A_97 = arith.extui %le3A_81 : i1 to i32
      %cond3A_98 = arith.constant 0 : i32
      %cond3A_99 = arith.cmpi ne, %convert_element_type3A_97, %cond3A_98 : i32
      scf.if %cond3A_99 {
        %min3A_444 = arith.constant 2096624 : i32
        %min3A_445 = arith.minsi %shift_left3A_79, %min3A_444 : i32
        %multiple_of3A = tpu.assume_multiple %min3A_445, 8 : i32
        %dma_start3A_446 = arith.constant 0 : i32
        %dma_start3A_447 = tpu.memref_slice %arg7[%dma_start3A_446] : memref<8336xf32, #tpu.memory_space<vmem>> -> memref<528xf32, #tpu.memory_space<vmem>>
        %dma_start3A_448 = tpu.memref_slice %arg2[%multiple_of3A] : memref<2097152xf32, #tpu.memory_space<hbm>> -> memref<528xf32, #tpu.memory_space<hbm>>
        %dma_start3A_449 = arith.constant 0 : i32
        %dma_start3A_450 = tpu.memref_slice %arg7[%dma_start3A_449] : memref<8336xf32, #tpu.memory_space<vmem>> -> memref<528xf32, #tpu.memory_space<vmem>>
        %dma_start3A_451 = tpu.memref_slice %arg2[%multiple_of3A] : memref<2097152xf32, #tpu.memory_space<hbm>> -> memref<528xf32, #tpu.memory_space<hbm>>
        tpu.enqueue_dma source(%dma_start3A_451 : memref<528xf32, #tpu.memory_space<hbm>>) target(%dma_start3A_450 : memref<528xf32, #tpu.memory_space<vmem>>) target_semaphore(%arg12 : memref<!tpu.dma_semaphore, #tpu.memory_space<semaphore_mem>>)
      } else {
      }
      %convert_element_type3A_100 = arith.extui %and3A_86 : i1 to i32
      %cond3A_101 = arith.constant 0 : i32
      %cond3A_102 = arith.cmpi ne, %convert_element_type3A_100, %cond3A_101 : i32
      scf.if %cond3A_102 {
        %min3A_444 = arith.constant 2096112 : i32
        %min3A_445 = arith.minsi %shift_left3A_79, %min3A_444 : i32
        %multiple_of3A = tpu.assume_multiple %min3A_445, 8 : i32
        %dma_start3A_446 = arith.constant 0 : i32
        %dma_start3A_447 = tpu.memref_slice %arg7[%dma_start3A_446] : memref<8336xf32, #tpu.memory_space<vmem>> -> memref<1040xf32, #tpu.memory_space<vmem>>
        %dma_start3A_448 = tpu.memref_slice %arg2[%multiple_of3A] : memref<2097152xf32, #tpu.memory_space<hbm>> -> memref<1040xf32, #tpu.memory_space<hbm>>
        %dma_start3A_449 = arith.constant 0 : i32
        %dma_start3A_450 = tpu.memref_slice %arg7[%dma_start3A_449] : memref<8336xf32, #tpu.memory_space<vmem>> -> memref<1040xf32, #tpu.memory_space<vmem>>
        %dma_start3A_451 = tpu.memref_slice %arg2[%multiple_of3A] : memref<2097152xf32, #tpu.memory_space<hbm>> -> memref<1040xf32, #tpu.memory_space<hbm>>
        tpu.enqueue_dma source(%dma_start3A_451 : memref<1040xf32, #tpu.memory_space<hbm>>) target(%dma_start3A_450 : memref<1040xf32, #tpu.memory_space<vmem>>) target_semaphore(%arg12 : memref<!tpu.dma_semaphore, #tpu.memory_space<semaphore_mem>>)
      } else {
      }
      %convert_element_type3A_103 = arith.extui %and3A_91 : i1 to i32
      %cond3A_104 = arith.constant 0 : i32
      %cond3A_105 = arith.cmpi ne, %convert_element_type3A_103, %cond3A_104 : i32
      scf.if %cond3A_105 {
        %min3A_444 = arith.constant 2095088 : i32
        %min3A_445 = arith.minsi %shift_left3A_79, %min3A_444 : i32
        %multiple_of3A = tpu.assume_multiple %min3A_445, 8 : i32
        %dma_start3A_446 = arith.constant 0 : i32
        %dma_start3A_447 = tpu.memref_slice %arg7[%dma_start3A_446] : memref<8336xf32, #tpu.memory_space<vmem>> -> memref<2064xf32, #tpu.memory_space<vmem>>
        %dma_start3A_448 = tpu.memref_slice %arg2[%multiple_of3A] : memref<2097152xf32, #tpu.memory_space<hbm>> -> memref<2064xf32, #tpu.memory_space<hbm>>
        %dma_start3A_449 = arith.constant 0 : i32
        %dma_start3A_450 = tpu.memref_slice %arg7[%dma_start3A_449] : memref<8336xf32, #tpu.memory_space<vmem>> -> memref<2064xf32, #tpu.memory_space<vmem>>
        %dma_start3A_451 = tpu.memref_slice %arg2[%multiple_of3A] : memref<2097152xf32, #tpu.memory_space<hbm>> -> memref<2064xf32, #tpu.memory_space<hbm>>
        tpu.enqueue_dma source(%dma_start3A_451 : memref<2064xf32, #tpu.memory_space<hbm>>) target(%dma_start3A_450 : memref<2064xf32, #tpu.memory_space<vmem>>) target_semaphore(%arg12 : memref<!tpu.dma_semaphore, #tpu.memory_space<semaphore_mem>>)
      } else {
      }
      %convert_element_type3A_106 = arith.extui %and3A_96 : i1 to i32
      %cond3A_107 = arith.constant 0 : i32
      %cond3A_108 = arith.cmpi ne, %convert_element_type3A_106, %cond3A_107 : i32
      scf.if %cond3A_108 {
        %min3A_444 = arith.constant 2093040 : i32
        %min3A_445 = arith.minsi %shift_left3A_79, %min3A_444 : i32
        %multiple_of3A = tpu.assume_multiple %min3A_445, 8 : i32
        %dma_start3A_446 = arith.constant 0 : i32
        %dma_start3A_447 = tpu.memref_slice %arg7[%dma_start3A_446] : memref<8336xf32, #tpu.memory_space<vmem>> -> memref<4112xf32, #tpu.memory_space<vmem>>
        %dma_start3A_448 = tpu.memref_slice %arg2[%multiple_of3A] : memref<2097152xf32, #tpu.memory_space<hbm>> -> memref<4112xf32, #tpu.memory_space<hbm>>
        %dma_start3A_449 = arith.constant 0 : i32
        %dma_start3A_450 = tpu.memref_slice %arg7[%dma_start3A_449] : memref<8336xf32, #tpu.memory_space<vmem>> -> memref<4112xf32, #tpu.memory_space<vmem>>
        %dma_start3A_451 = tpu.memref_slice %arg2[%multiple_of3A] : memref<2097152xf32, #tpu.memory_space<hbm>> -> memref<4112xf32, #tpu.memory_space<hbm>>
        tpu.enqueue_dma source(%dma_start3A_451 : memref<4112xf32, #tpu.memory_space<hbm>>) target(%dma_start3A_450 : memref<4112xf32, #tpu.memory_space<vmem>>) target_semaphore(%arg12 : memref<!tpu.dma_semaphore, #tpu.memory_space<semaphore_mem>>)
      } else {
      }
      %ge3A = arith.constant 1 : i32
      %ge3A_109 = arith.cmpi sge, %scan3A_60, %ge3A : i32
      %convert_element_type3A_110 = arith.extui %ge3A_109 : i1 to i32
      %cond3A_111 = arith.constant 0 : i32
      %cond3A_112 = arith.cmpi ne, %convert_element_type3A_110, %cond3A_111 : i32
      scf.if %cond3A_112 {
        %dma_wait3A_444 = arith.constant 0 : i32
        %dma_wait3A_445 = arith.constant 0 : i32
        %dma_wait3A_446 = tpu.memref_slice %arg4[%dma_wait3A_444, %dma_wait3A_445] : memref<1024x4096xf32, #tpu.memory_space<hbm>> -> memref<1x4096xf32, #tpu.memory_space<hbm>>
        %dma_wait3A_447 = tpu.memref_squeeze %dma_wait3A_446 : memref<1x4096xf32, #tpu.memory_space<hbm>> -> memref<4096xf32, #tpu.memory_space<hbm>>
        %dma_wait3A_448 = arith.constant 0 : i32
        %dma_wait3A_449 = tpu.memref_slice %arg4[%dma_wait3A_444, %dma_wait3A_448] : memref<1024x4096xf32, #tpu.memory_space<hbm>> -> memref<1x4096xf32, #tpu.memory_space<hbm>>
        %dma_wait3A_450 = tpu.memref_squeeze %dma_wait3A_449 : memref<1x4096xf32, #tpu.memory_space<hbm>> -> memref<4096xf32, #tpu.memory_space<hbm>>
        tpu.wait_dma2 semaphore(%arg13 : memref<!tpu.dma_semaphore, #tpu.memory_space<semaphore_mem>>) src(%arg8 : memref<4096xf32, #tpu.memory_space<vmem>>) dst(%dma_wait3A_450 : memref<4096xf32, #tpu.memory_space<hbm>>)
        %dma_wait3A_451 = arith.constant 0 : i32
        %dma_wait3A_452 = arith.constant 0 : i32
        %dma_wait3A_453 = tpu.memref_slice %arg4[%dma_wait3A_451, %dma_wait3A_452] : memref<1024x4096xf32, #tpu.memory_space<hbm>> -> memref<1x4096xf32, #tpu.memory_space<hbm>>
        %dma_wait3A_454 = tpu.memref_squeeze %dma_wait3A_453 : memref<1x4096xf32, #tpu.memory_space<hbm>> -> memref<4096xf32, #tpu.memory_space<hbm>>
        %dma_wait3A_455 = arith.constant 0 : i32
        %dma_wait3A_456 = tpu.memref_slice %arg4[%dma_wait3A_451, %dma_wait3A_455] : memref<1024x4096xf32, #tpu.memory_space<hbm>> -> memref<1x4096xf32, #tpu.memory_space<hbm>>
        %dma_wait3A_457 = tpu.memref_squeeze %dma_wait3A_456 : memref<1x4096xf32, #tpu.memory_space<hbm>> -> memref<4096xf32, #tpu.memory_space<hbm>>
        tpu.wait_dma2 semaphore(%arg14 : memref<!tpu.dma_semaphore, #tpu.memory_space<semaphore_mem>>) src(%arg9 : memref<4096xf32, #tpu.memory_space<vmem>>) dst(%dma_wait3A_457 : memref<4096xf32, #tpu.memory_space<hbm>>)
      } else {
      }
      %get3A_113 = arith.index_cast %add3A_63 : i32 to index
      %get3A_114 = tpu.vector_load %arg5[%get3A_113] {strides = array<i32>} : memref<1040xi32, #tpu.memory_space<vmem>>, vector<16xi32>,
      %get3A_115 = vector.shape_cast %get3A_114 : vector<16xi32> to vector<16xi32>
      %slice3A_116 = vector.extract_strided_slice %get3A_115 {offsets = [0], sizes = [1], strides = [1]} : vector<16xi32> to vector<1xi32>
      %squeeze3A_117 = vector.extract %slice3A_116[0] : i32 from vector<1xi32>
      %slice3A_118 = vector.extract_strided_slice %get3A_115 {offsets = [1], sizes = [1], strides = [1]} : vector<16xi32> to vector<1xi32>
      %squeeze3A_119 = vector.extract %slice3A_118[0] : i32 from vector<1xi32>
      %sub3A_120 = arith.subi %squeeze3A_119, %squeeze3A_117 : i32
      %min3A_121 = arith.constant 4096 : i32
      %min3A_122 = arith.minsi %sub3A_120, %min3A_121 : i32
      %shift_right_arithmetic3A_123 = arith.constant 3 : i32
      %shift_right_arithmetic3A_124 = arith.shrsi %squeeze3A_117, %shift_right_arithmetic3A_123 : i32
      %shift_left3A_125 = arith.constant 3 : i32
      %shift_left3A_126 = arith.shli %shift_right_arithmetic3A_124, %shift_left3A_125 : i32
      %le3A_127 = arith.constant 512 : i32
      %le3A_128 = arith.cmpi sle, %min3A_122, %le3A_127 : i32
      %gt3A_129 = arith.constant 512 : i32
      %gt3A_130 = arith.cmpi sgt, %min3A_122, %gt3A_129 : i32
      %le3A_131 = arith.constant 1024 : i32
      %le3A_132 = arith.cmpi sle, %min3A_122, %le3A_131 : i32
      %and3A_133 = arith.andi %gt3A_130, %le3A_132 : i1
      %gt3A_134 = arith.constant 1024 : i32
      %gt3A_135 = arith.cmpi sgt, %min3A_122, %gt3A_134 : i32
      %le3A_136 = arith.constant 2048 : i32
      %le3A_137 = arith.cmpi sle, %min3A_122, %le3A_136 : i32
      %and3A_138 = arith.andi %gt3A_135, %le3A_137 : i1
      %gt3A_139 = arith.constant 2048 : i32
      %gt3A_140 = arith.cmpi sgt, %min3A_122, %gt3A_139 : i32
      %le3A_141 = arith.constant 4096 : i32
      %le3A_142 = arith.cmpi sle, %min3A_122, %le3A_141 : i32
      %and3A_143 = arith.andi %gt3A_140, %le3A_142 : i1
      %convert_element_type3A_144 = arith.extui %le3A_128 : i1 to i32
      %cond3A_145 = arith.constant 0 : i32
      %cond3A_146 = arith.cmpi ne, %convert_element_type3A_144, %cond3A_145 : i32
      scf.if %cond3A_146 {
        %dma_wait3A_444 = arith.constant 0 : i32
        %dma_wait3A_445 = tpu.memref_slice %arg6[%dma_wait3A_444] : memref<8336xf32, #tpu.memory_space<vmem>> -> memref<528xf32, #tpu.memory_space<vmem>>
        %dma_wait3A_446 = arith.constant 0 : i32
        %dma_wait3A_447 = tpu.memref_slice %arg2[%dma_wait3A_446] : memref<2097152xf32, #tpu.memory_space<hbm>> -> memref<528xf32, #tpu.memory_space<hbm>>
        %dma_wait3A_448 = arith.constant 0 : i32
        %dma_wait3A_449 = tpu.memref_slice %arg6[%dma_wait3A_448] : memref<8336xf32, #tpu.memory_space<vmem>> -> memref<528xf32, #tpu.memory_space<vmem>>
        %dma_wait3A_450 = arith.constant 0 : i32
        %dma_wait3A_451 = tpu.memref_slice %arg2[%dma_wait3A_450] : memref<2097152xf32, #tpu.memory_space<hbm>> -> memref<528xf32, #tpu.memory_space<hbm>>
        tpu.wait_dma2 semaphore(%arg11 : memref<!tpu.dma_semaphore, #tpu.memory_space<semaphore_mem>>) src(%dma_wait3A_451 : memref<528xf32, #tpu.memory_space<hbm>>) dst(%dma_wait3A_449 : memref<528xf32, #tpu.memory_space<vmem>>)
      } else {
      }
      %convert_element_type3A_147 = arith.extui %and3A_133 : i1 to i32
      %cond3A_148 = arith.constant 0 : i32
      %cond3A_149 = arith.cmpi ne, %convert_element_type3A_147, %cond3A_148 : i32
      scf.if %cond3A_149 {
        %dma_wait3A_444 = arith.constant 0 : i32
        %dma_wait3A_445 = tpu.memref_slice %arg6[%dma_wait3A_444] : memref<8336xf32, #tpu.memory_space<vmem>> -> memref<1040xf32, #tpu.memory_space<vmem>>
        %dma_wait3A_446 = arith.constant 0 : i32
        %dma_wait3A_447 = tpu.memref_slice %arg2[%dma_wait3A_446] : memref<2097152xf32, #tpu.memory_space<hbm>> -> memref<1040xf32, #tpu.memory_space<hbm>>
        %dma_wait3A_448 = arith.constant 0 : i32
        %dma_wait3A_449 = tpu.memref_slice %arg6[%dma_wait3A_448] : memref<8336xf32, #tpu.memory_space<vmem>> -> memref<1040xf32, #tpu.memory_space<vmem>>
        %dma_wait3A_450 = arith.constant 0 : i32
        %dma_wait3A_451 = tpu.memref_slice %arg2[%dma_wait3A_450] : memref<2097152xf32, #tpu.memory_space<hbm>> -> memref<1040xf32, #tpu.memory_space<hbm>>
        tpu.wait_dma2 semaphore(%arg11 : memref<!tpu.dma_semaphore, #tpu.memory_space<semaphore_mem>>) src(%dma_wait3A_451 : memref<1040xf32, #tpu.memory_space<hbm>>) dst(%dma_wait3A_449 : memref<1040xf32, #tpu.memory_space<vmem>>)
      } else {
      }
      %convert_element_type3A_150 = arith.extui %and3A_138 : i1 to i32
      %cond3A_151 = arith.constant 0 : i32
      %cond3A_152 = arith.cmpi ne, %convert_element_type3A_150, %cond3A_151 : i32
      scf.if %cond3A_152 {
        %dma_wait3A_444 = arith.constant 0 : i32
        %dma_wait3A_445 = tpu.memref_slice %arg6[%dma_wait3A_444] : memref<8336xf32, #tpu.memory_space<vmem>> -> memref<2064xf32, #tpu.memory_space<vmem>>
        %dma_wait3A_446 = arith.constant 0 : i32
        %dma_wait3A_447 = tpu.memref_slice %arg2[%dma_wait3A_446] : memref<2097152xf32, #tpu.memory_space<hbm>> -> memref<2064xf32, #tpu.memory_space<hbm>>
        %dma_wait3A_448 = arith.constant 0 : i32
        %dma_wait3A_449 = tpu.memref_slice %arg6[%dma_wait3A_448] : memref<8336xf32, #tpu.memory_space<vmem>> -> memref<2064xf32, #tpu.memory_space<vmem>>
        %dma_wait3A_450 = arith.constant 0 : i32
        %dma_wait3A_451 = tpu.memref_slice %arg2[%dma_wait3A_450] : memref<2097152xf32, #tpu.memory_space<hbm>> -> memref<2064xf32, #tpu.memory_space<hbm>>
        tpu.wait_dma2 semaphore(%arg11 : memref<!tpu.dma_semaphore, #tpu.memory_space<semaphore_mem>>) src(%dma_wait3A_451 : memref<2064xf32, #tpu.memory_space<hbm>>) dst(%dma_wait3A_449 : memref<2064xf32, #tpu.memory_space<vmem>>)
      } else {
      }
      %convert_element_type3A_153 = arith.extui %and3A_143 : i1 to i32
      %cond3A_154 = arith.constant 0 : i32
      %cond3A_155 = arith.cmpi ne, %convert_element_type3A_153, %cond3A_154 : i32
      scf.if %cond3A_155 {
        %dma_wait3A_444 = arith.constant 0 : i32
        %dma_wait3A_445 = tpu.memref_slice %arg6[%dma_wait3A_444] : memref<8336xf32, #tpu.memory_space<vmem>> -> memref<4112xf32, #tpu.memory_space<vmem>>
        %dma_wait3A_446 = arith.constant 0 : i32
        %dma_wait3A_447 = tpu.memref_slice %arg2[%dma_wait3A_446] : memref<2097152xf32, #tpu.memory_space<hbm>> -> memref<4112xf32, #tpu.memory_space<hbm>>
        %dma_wait3A_448 = arith.constant 0 : i32
        %dma_wait3A_449 = tpu.memref_slice %arg6[%dma_wait3A_448] : memref<8336xf32, #tpu.memory_space<vmem>> -> memref<4112xf32, #tpu.memory_space<vmem>>
        %dma_wait3A_450 = arith.constant 0 : i32
        %dma_wait3A_451 = tpu.memref_slice %arg2[%dma_wait3A_450] : memref<2097152xf32, #tpu.memory_space<hbm>> -> memref<4112xf32, #tpu.memory_space<hbm>>
        tpu.wait_dma2 semaphore(%arg11 : memref<!tpu.dma_semaphore, #tpu.memory_space<semaphore_mem>>) src(%dma_wait3A_451 : memref<4112xf32, #tpu.memory_space<hbm>>) dst(%dma_wait3A_449 : memref<4112xf32, #tpu.memory_space<vmem>>)
      } else {
      }
      %get3A_156 = arith.index_cast %add3A_63 : i32 to index
      %get3A_157 = tpu.vector_load %arg5[%get3A_156] {strides = array<i32>} : memref<1040xi32, #tpu.memory_space<vmem>>, vector<16xi32>,
      %get3A_158 = vector.shape_cast %get3A_157 : vector<16xi32> to vector<16xi32>
      %slice3A_159 = vector.extract_strided_slice %get3A_158 {offsets = [0], sizes = [1], strides = [1]} : vector<16xi32> to vector<1xi32>
      %squeeze3A_160 = vector.extract %slice3A_159[0] : i32 from vector<1xi32>
      %slice3A_161 = vector.extract_strided_slice %get3A_158 {offsets = [1], sizes = [1], strides = [1]} : vector<16xi32> to vector<1xi32>
      %squeeze3A_162 = vector.extract %slice3A_161[0] : i32 from vector<1xi32>
      %sub3A_163 = arith.subi %squeeze3A_162, %squeeze3A_160 : i32
      %min3A_164 = arith.constant 4096 : i32
      %min3A_165 = arith.minsi %sub3A_163, %min3A_164 : i32
      %shift_right_arithmetic3A_166 = arith.constant 3 : i32
      %shift_right_arithmetic3A_167 = arith.shrsi %squeeze3A_160, %shift_right_arithmetic3A_166 : i32
      %shift_left3A_168 = arith.constant 3 : i32
      %shift_left3A_169 = arith.shli %shift_right_arithmetic3A_167, %shift_left3A_168 : i32
      %le3A_170 = arith.constant 512 : i32
      %le3A_171 = arith.cmpi sle, %min3A_165, %le3A_170 : i32
      %gt3A_172 = arith.constant 512 : i32
      %gt3A_173 = arith.cmpi sgt, %min3A_165, %gt3A_172 : i32
      %le3A_174 = arith.constant 1024 : i32
      %le3A_175 = arith.cmpi sle, %min3A_165, %le3A_174 : i32
      %and3A_176 = arith.andi %gt3A_173, %le3A_175 : i1
      %gt3A_177 = arith.constant 1024 : i32
      %gt3A_178 = arith.cmpi sgt, %min3A_165, %gt3A_177 : i32
      %le3A_179 = arith.constant 2048 : i32
      %le3A_180 = arith.cmpi sle, %min3A_165, %le3A_179 : i32
      %and3A_181 = arith.andi %gt3A_178, %le3A_180 : i1
      %gt3A_182 = arith.constant 2048 : i32
      %gt3A_183 = arith.cmpi sgt, %min3A_165, %gt3A_182 : i32
      %le3A_184 = arith.constant 4096 : i32
      %le3A_185 = arith.cmpi sle, %min3A_165, %le3A_184 : i32
      %and3A_186 = arith.andi %gt3A_183, %le3A_185 : i1
      %min3A_187 = arith.constant 2096624 : i32
      %min3A_188 = arith.minsi %shift_left3A_169, %min3A_187 : i32
      %select_n3A = arith.select %le3A_171, %min3A_188, %shift_left3A_169 : i32
      %min3A_189 = arith.constant 2096112 : i32
      %min3A_190 = arith.minsi %shift_left3A_169, %min3A_189 : i32
      %select_n3A_191 = arith.select %and3A_176, %min3A_190, %select_n3A : i32
      %min3A_192 = arith.constant 2095088 : i32
      %min3A_193 = arith.minsi %shift_left3A_169, %min3A_192 : i32
      %select_n3A_194 = arith.select %and3A_181, %min3A_193, %select_n3A_191 : i32
      %min3A_195 = arith.constant 2093040 : i32
      %min3A_196 = arith.minsi %shift_left3A_169, %min3A_195 : i32
      %select_n3A_197 = arith.select %and3A_186, %min3A_196, %select_n3A_194 : i32
      %sub3A_198 = arith.subi %squeeze3A_160, %select_n3A_197 : i32
      %jit3A = arith.constant 128 : i32
      %div3A = arith.divsi %min3A_165, %jit3A : i32
      %sign3A = arith.constant 0 : i32
      %sign3A_199 = arith.cmpi sgt, %min3A_165, %sign3A : i32
      %sign3A_200 = arith.extui %sign3A_199 : i1 to i32
      %sign3A_201 = arith.constant 0 : i32
      %sign3A_202 = arith.cmpi slt, %min3A_165, %sign3A_201 : i32
      %sign3A_203 = arith.extui %sign3A_202 : i1 to i32
      %sign3A_204 = arith.subi %sign3A_200, %sign3A_203 : i32
      %sign3A_205 = arith.constant 0 : i32
      %sign3A_206 = arith.cmpi sgt, %jit3A, %sign3A_205 : i32
      %sign3A_207 = arith.extui %sign3A_206 : i1 to i32
      %sign3A_208 = arith.constant 0 : i32
      %sign3A_209 = arith.cmpi slt, %jit3A, %sign3A_208 : i32
      %sign3A_210 = arith.extui %sign3A_209 : i1 to i32
      %sign3A_211 = arith.subi %sign3A_207, %sign3A_210 : i32
      %ne3A = arith.cmpi ne, %sign3A_204, %sign3A_211 : i32
      %rem3A = arith.remsi %min3A_165, %jit3A : i32
      %ne3A_212 = arith.constant 0 : i32
      %ne3A_213 = arith.cmpi ne, %rem3A, %ne3A_212 : i32
      %and3A_214 = arith.andi %ne3A, %ne3A_213 : i1
      %sub3A_215 = arith.constant 1 : i32
      %sub3A_216 = arith.subi %div3A, %sub3A_215 : i32
      %select_n3A_217 = arith.select %and3A_214, %sub3A_216, %div3A : i32
      %add3A_218 = arith.constant 127 : i32
      %add3A_219 = arith.addi %min3A_165, %add3A_218 : i32
      %jit3A_220 = arith.constant 128 : i32
      %div3A_221 = arith.divsi %add3A_219, %jit3A_220 : i32
      %sign3A_222 = arith.constant 0 : i32
      %sign3A_223 = arith.cmpi sgt, %add3A_219, %sign3A_222 : i32
      %sign3A_224 = arith.extui %sign3A_223 : i1 to i32
      %sign3A_225 = arith.constant 0 : i32
      %sign3A_226 = arith.cmpi slt, %add3A_219, %sign3A_225 : i32
      %sign3A_227 = arith.extui %sign3A_226 : i1 to i32
      %sign3A_228 = arith.subi %sign3A_224, %sign3A_227 : i32
      %sign3A_229 = arith.constant 0 : i32
      %sign3A_230 = arith.cmpi sgt, %jit3A_220, %sign3A_229 : i32
      %sign3A_231 = arith.extui %sign3A_230 : i1 to i32
      %sign3A_232 = arith.constant 0 : i32
      %sign3A_233 = arith.cmpi slt, %jit3A_220, %sign3A_232 : i32
      %sign3A_234 = arith.extui %sign3A_233 : i1 to i32
      %sign3A_235 = arith.subi %sign3A_231, %sign3A_234 : i32
      %ne3A_236 = arith.cmpi ne, %sign3A_228, %sign3A_235 : i32
      %rem3A_237 = arith.remsi %add3A_219, %jit3A_220 : i32
      %ne3A_238 = arith.constant 0 : i32
      %ne3A_239 = arith.cmpi ne, %rem3A_237, %ne3A_238 : i32
      %and3A_240 = arith.andi %ne3A_236, %ne3A_239 : i1
      %sub3A_241 = arith.constant 1 : i32
      %sub3A_242 = arith.subi %div3A_221, %sub3A_241 : i32
      %select_n3A_243 = arith.select %and3A_240, %sub3A_242, %div3A_221 : i32
      %while3A = arith.constant 0 : i32
      %while3A_244 = arith.constant 0 : i32
      %while3A_245 = arith.subi %select_n3A_217, %while3A_244 : i32
      %while3A_246 = arith.addi %while3A_244, %while3A_245 : i32
      %while3A_247 = arith.constant 1 : i32
      %while3A_248 = arith.divsi %while3A_245, %while3A_247 : i32
      %while3A_249 = arith.muli %while3A_248, %while3A_247 : i32
      %while3A_250 = arith.addi %while3A_244, %while3A_249 : i32
      %while3A_251 = arith.constant 1 : i32
      scf.for %while3A_444 = %while3A_244 to %while3A_250 step %while3A_251  : i32 {
        %mul3A_445 = arith.constant 128 : i32
        %mul3A_446 = arith.muli %while3A_444, %mul3A_445 : i32
        %add3A_447 = arith.constant 0 : i32
        %add3A_448 = arith.addi %mul3A_446, %add3A_447 : i32
        %add3A_449 = arith.addi %sub3A_198, %add3A_448 : i32
        %get3A_450 = arith.index_cast %add3A_449 : i32 to index
        %get3A_451 = tpu.vector_load %arg6[%get3A_450] {strides = array<i32>} : memref<8336xf32, #tpu.memory_space<vmem>>, vector<16xf32>,
        %get3A_452 = vector.shape_cast %get3A_451 : vector<16xf32> to vector<16xf32>
        %eq3A = arith.cmpf oeq, %get3A_452, %get3A_452 : vector<16xf32>
        %jit3A_453 = arith.constant 0.000000e+00 : f32
        %broadcast_in_dim3A_454 = vector.broadcast %jit3A_453 : f32 to vector<16xf32>
        %select_n3A_455 = arith.select %eq3A, %get3A_452, %broadcast_in_dim3A_454 : vector<16xi1>, vector<16xf32>
        %swap3A = arith.index_cast %add3A_448 : i32 to index
        %swap3A_456 = tpu.vector_load %arg8[%swap3A] {strides = array<i32>} : memref<4096xf32, #tpu.memory_space<vmem>>, vector<16xf32>,
        %swap3A_457 = vector.shape_cast %swap3A_456 : vector<16xf32> to vector<16xf32>
        %swap3A_458 = vector.shape_cast %select_n3A_455 : vector<16xf32> to vector<16xf32>
        tpu.vector_store %arg8[%swap3A], %swap3A_458 {strides = array<i32>} : memref<4096xf32, #tpu.memory_space<vmem>>, vector<16xf32>,
        %add3A_459 = arith.constant 16 : i32
        %add3A_460 = arith.addi %mul3A_446, %add3A_459 : i32
        %add3A_461 = arith.addi %sub3A_198, %add3A_460 : i32
        %get3A_462 = arith.index_cast %add3A_461 : i32 to index
        %get3A_463 = tpu.vector_load %arg6[%get3A_462] {strides = array<i32>} : memref<8336xf32, #tpu.memory_space<vmem>>, vector<16xf32>,
        %get3A_464 = vector.shape_cast %get3A_463 : vector<16xf32> to vector<16xf32>
        %eq3A_465 = arith.cmpf oeq, %get3A_464, %get3A_464 : vector<16xf32>
        %jit3A_466 = arith.constant 0.000000e+00 : f32
        %broadcast_in_dim3A_467 = vector.broadcast %jit3A_466 : f32 to vector<16xf32>
        %select_n3A_468 = arith.select %eq3A_465, %get3A_464, %broadcast_in_dim3A_467 : vector<16xi1>, vector<16xf32>
        %swap3A_469 = arith.index_cast %add3A_460 : i32 to index
        %swap3A_470 = tpu.vector_load %arg8[%swap3A_469] {strides = array<i32>} : memref<4096xf32, #tpu.memory_space<vmem>>, vector<16xf32>,
        %swap3A_471 = vector.shape_cast %swap3A_470 : vector<16xf32> to vector<16xf32>
        %swap3A_472 = vector.shape_cast %select_n3A_468 : vector<16xf32> to vector<16xf32>
        tpu.vector_store %arg8[%swap3A_469], %swap3A_472 {strides = array<i32>} : memref<4096xf32, #tpu.memory_space<vmem>>, vector<16xf32>,
        %add3A_473 = arith.constant 32 : i32
        %add3A_474 = arith.addi %mul3A_446, %add3A_473 : i32
        %add3A_475 = arith.addi %sub3A_198, %add3A_474 : i32
        %get3A_476 = arith.index_cast %add3A_475 : i32 to index
        %get3A_477 = tpu.vector_load %arg6[%get3A_476] {strides = array<i32>} : memref<8336xf32, #tpu.memory_space<vmem>>, vector<16xf32>,
        %get3A_478 = vector.shape_cast %get3A_477 : vector<16xf32> to vector<16xf32>
        %eq3A_479 = arith.cmpf oeq, %get3A_478, %get3A_478 : vector<16xf32>
        %jit3A_480 = arith.constant 0.000000e+00 : f32
        %broadcast_in_dim3A_481 = vector.broadcast %jit3A_480 : f32 to vector<16xf32>
        %select_n3A_482 = arith.select %eq3A_479, %get3A_478, %broadcast_in_dim3A_481 : vector<16xi1>, vector<16xf32>
        %swap3A_483 = arith.index_cast %add3A_474 : i32 to index
        %swap3A_484 = tpu.vector_load %arg8[%swap3A_483] {strides = array<i32>} : memref<4096xf32, #tpu.memory_space<vmem>>, vector<16xf32>,
        %swap3A_485 = vector.shape_cast %swap3A_484 : vector<16xf32> to vector<16xf32>
        %swap3A_486 = vector.shape_cast %select_n3A_482 : vector<16xf32> to vector<16xf32>
        tpu.vector_store %arg8[%swap3A_483], %swap3A_486 {strides = array<i32>} : memref<4096xf32, #tpu.memory_space<vmem>>, vector<16xf32>,
        %add3A_487 = arith.constant 48 : i32
        %add3A_488 = arith.addi %mul3A_446, %add3A_487 : i32
        %add3A_489 = arith.addi %sub3A_198, %add3A_488 : i32
        %get3A_490 = arith.index_cast %add3A_489 : i32 to index
        %get3A_491 = tpu.vector_load %arg6[%get3A_490] {strides = array<i32>} : memref<8336xf32, #tpu.memory_space<vmem>>, vector<16xf32>,
        %get3A_492 = vector.shape_cast %get3A_491 : vector<16xf32> to vector<16xf32>
        %eq3A_493 = arith.cmpf oeq, %get3A_492, %get3A_492 : vector<16xf32>
        %jit3A_494 = arith.constant 0.000000e+00 : f32
        %broadcast_in_dim3A_495 = vector.broadcast %jit3A_494 : f32 to vector<16xf32>
        %select_n3A_496 = arith.select %eq3A_493, %get3A_492, %broadcast_in_dim3A_495 : vector<16xi1>, vector<16xf32>
        %swap3A_497 = arith.index_cast %add3A_488 : i32 to index
        %swap3A_498 = tpu.vector_load %arg8[%swap3A_497] {strides = array<i32>} : memref<4096xf32, #tpu.memory_space<vmem>>, vector<16xf32>,
        %swap3A_499 = vector.shape_cast %swap3A_498 : vector<16xf32> to vector<16xf32>
        %swap3A_500 = vector.shape_cast %select_n3A_496 : vector<16xf32> to vector<16xf32>
        tpu.vector_store %arg8[%swap3A_497], %swap3A_500 {strides = array<i32>} : memref<4096xf32, #tpu.memory_space<vmem>>, vector<16xf32>,
        %add3A_501 = arith.constant 64 : i32
        %add3A_502 = arith.addi %mul3A_446, %add3A_501 : i32
        %add3A_503 = arith.addi %sub3A_198, %add3A_502 : i32
        %get3A_504 = arith.index_cast %add3A_503 : i32 to index
        %get3A_505 = tpu.vector_load %arg6[%get3A_504] {strides = array<i32>} : memref<8336xf32, #tpu.memory_space<vmem>>, vector<16xf32>,
        %get3A_506 = vector.shape_cast %get3A_505 : vector<16xf32> to vector<16xf32>
        %eq3A_507 = arith.cmpf oeq, %get3A_506, %get3A_506 : vector<16xf32>
        %jit3A_508 = arith.constant 0.000000e+00 : f32
        %broadcast_in_dim3A_509 = vector.broadcast %jit3A_508 : f32 to vector<16xf32>
        %select_n3A_510 = arith.select %eq3A_507, %get3A_506, %broadcast_in_dim3A_509 : vector<16xi1>, vector<16xf32>
        %swap3A_511 = arith.index_cast %add3A_502 : i32 to index
        %swap3A_512 = tpu.vector_load %arg8[%swap3A_511] {strides = array<i32>} : memref<4096xf32, #tpu.memory_space<vmem>>, vector<16xf32>,
        %swap3A_513 = vector.shape_cast %swap3A_512 : vector<16xf32> to vector<16xf32>
        %swap3A_514 = vector.shape_cast %select_n3A_510 : vector<16xf32> to vector<16xf32>
        tpu.vector_store %arg8[%swap3A_511], %swap3A_514 {strides = array<i32>} : memref<4096xf32, #tpu.memory_space<vmem>>, vector<16xf32>,
        %add3A_515 = arith.constant 80 : i32
        %add3A_516 = arith.addi %mul3A_446, %add3A_515 : i32
        %add3A_517 = arith.addi %sub3A_198, %add3A_516 : i32
        %get3A_518 = arith.index_cast %add3A_517 : i32 to index
        %get3A_519 = tpu.vector_load %arg6[%get3A_518] {strides = array<i32>} : memref<8336xf32, #tpu.memory_space<vmem>>, vector<16xf32>,
        %get3A_520 = vector.shape_cast %get3A_519 : vector<16xf32> to vector<16xf32>
        %eq3A_521 = arith.cmpf oeq, %get3A_520, %get3A_520 : vector<16xf32>
        %jit3A_522 = arith.constant 0.000000e+00 : f32
        %broadcast_in_dim3A_523 = vector.broadcast %jit3A_522 : f32 to vector<16xf32>
        %select_n3A_524 = arith.select %eq3A_521, %get3A_520, %broadcast_in_dim3A_523 : vector<16xi1>, vector<16xf32>
        %swap3A_525 = arith.index_cast %add3A_516 : i32 to index
        %swap3A_526 = tpu.vector_load %arg8[%swap3A_525] {strides = array<i32>} : memref<4096xf32, #tpu.memory_space<vmem>>, vector<16xf32>,
        %swap3A_527 = vector.shape_cast %swap3A_526 : vector<16xf32> to vector<16xf32>
        %swap3A_528 = vector.shape_cast %select_n3A_524 : vector<16xf32> to vector<16xf32>
        tpu.vector_store %arg8[%swap3A_525], %swap3A_528 {strides = array<i32>} : memref<4096xf32, #tpu.memory_space<vmem>>, vector<16xf32>,
        %add3A_529 = arith.constant 96 : i32
        %add3A_530 = arith.addi %mul3A_446, %add3A_529 : i32
        %add3A_531 = arith.addi %sub3A_198, %add3A_530 : i32
        %get3A_532 = arith.index_cast %add3A_531 : i32 to index
        %get3A_533 = tpu.vector_load %arg6[%get3A_532] {strides = array<i32>} : memref<8336xf32, #tpu.memory_space<vmem>>, vector<16xf32>,
        %get3A_534 = vector.shape_cast %get3A_533 : vector<16xf32> to vector<16xf32>
        %eq3A_535 = arith.cmpf oeq, %get3A_534, %get3A_534 : vector<16xf32>
        %jit3A_536 = arith.constant 0.000000e+00 : f32
        %broadcast_in_dim3A_537 = vector.broadcast %jit3A_536 : f32 to vector<16xf32>
        %select_n3A_538 = arith.select %eq3A_535, %get3A_534, %broadcast_in_dim3A_537 : vector<16xi1>, vector<16xf32>
        %swap3A_539 = arith.index_cast %add3A_530 : i32 to index
        %swap3A_540 = tpu.vector_load %arg8[%swap3A_539] {strides = array<i32>} : memref<4096xf32, #tpu.memory_space<vmem>>, vector<16xf32>,
        %swap3A_541 = vector.shape_cast %swap3A_540 : vector<16xf32> to vector<16xf32>
        %swap3A_542 = vector.shape_cast %select_n3A_538 : vector<16xf32> to vector<16xf32>
        tpu.vector_store %arg8[%swap3A_539], %swap3A_542 {strides = array<i32>} : memref<4096xf32, #tpu.memory_space<vmem>>, vector<16xf32>,
        %add3A_543 = arith.constant 112 : i32
        %add3A_544 = arith.addi %mul3A_446, %add3A_543 : i32
        %add3A_545 = arith.addi %sub3A_198, %add3A_544 : i32
        %get3A_546 = arith.index_cast %add3A_545 : i32 to index
        %get3A_547 = tpu.vector_load %arg6[%get3A_546] {strides = array<i32>} : memref<8336xf32, #tpu.memory_space<vmem>>, vector<16xf32>,
        %get3A_548 = vector.shape_cast %get3A_547 : vector<16xf32> to vector<16xf32>
        %eq3A_549 = arith.cmpf oeq, %get3A_548, %get3A_548 : vector<16xf32>
        %jit3A_550 = arith.constant 0.000000e+00 : f32
        %broadcast_in_dim3A_551 = vector.broadcast %jit3A_550 : f32 to vector<16xf32>
        %select_n3A_552 = arith.select %eq3A_549, %get3A_548, %broadcast_in_dim3A_551 : vector<16xi1>, vector<16xf32>
        %swap3A_553 = arith.index_cast %add3A_544 : i32 to index
        %swap3A_554 = tpu.vector_load %arg8[%swap3A_553] {strides = array<i32>} : memref<4096xf32, #tpu.memory_space<vmem>>, vector<16xf32>,
        %swap3A_555 = vector.shape_cast %swap3A_554 : vector<16xf32> to vector<16xf32>
        %swap3A_556 = vector.shape_cast %select_n3A_552 : vector<16xf32> to vector<16xf32>
        tpu.vector_store %arg8[%swap3A_553], %swap3A_556 {strides = array<i32>} : memref<4096xf32, #tpu.memory_space<vmem>>, vector<16xf32>,
      }
      %while3A_252 = arith.constant 1 : i32
      scf.for %while3A_444 = %while3A_250 to %while3A_246 step %while3A_252  : i32 {
        %mul3A_445 = arith.constant 128 : i32
        %mul3A_446 = arith.muli %while3A_444, %mul3A_445 : i32
        %add3A_447 = arith.constant 0 : i32
        %add3A_448 = arith.addi %mul3A_446, %add3A_447 : i32
        %add3A_449 = arith.addi %sub3A_198, %add3A_448 : i32
        %get3A_450 = arith.index_cast %add3A_449 : i32 to index
        %get3A_451 = tpu.vector_load %arg6[%get3A_450] {strides = array<i32>} : memref<8336xf32, #tpu.memory_space<vmem>>, vector<16xf32>,
        %get3A_452 = vector.shape_cast %get3A_451 : vector<16xf32> to vector<16xf32>
        %eq3A = arith.cmpf oeq, %get3A_452, %get3A_452 : vector<16xf32>
        %jit3A_453 = arith.constant 0.000000e+00 : f32
        %broadcast_in_dim3A_454 = vector.broadcast %jit3A_453 : f32 to vector<16xf32>
        %select_n3A_455 = arith.select %eq3A, %get3A_452, %broadcast_in_dim3A_454 : vector<16xi1>, vector<16xf32>
        %swap3A = arith.index_cast %add3A_448 : i32 to index
        %swap3A_456 = tpu.vector_load %arg8[%swap3A] {strides = array<i32>} : memref<4096xf32, #tpu.memory_space<vmem>>, vector<16xf32>,
        %swap3A_457 = vector.shape_cast %swap3A_456 : vector<16xf32> to vector<16xf32>
        %swap3A_458 = vector.shape_cast %select_n3A_455 : vector<16xf32> to vector<16xf32>
        tpu.vector_store %arg8[%swap3A], %swap3A_458 {strides = array<i32>} : memref<4096xf32, #tpu.memory_space<vmem>>, vector<16xf32>,
        %add3A_459 = arith.constant 16 : i32
        %add3A_460 = arith.addi %mul3A_446, %add3A_459 : i32
        %add3A_461 = arith.addi %sub3A_198, %add3A_460 : i32
        %get3A_462 = arith.index_cast %add3A_461 : i32 to index
        %get3A_463 = tpu.vector_load %arg6[%get3A_462] {strides = array<i32>} : memref<8336xf32, #tpu.memory_space<vmem>>, vector<16xf32>,
        %get3A_464 = vector.shape_cast %get3A_463 : vector<16xf32> to vector<16xf32>
        %eq3A_465 = arith.cmpf oeq, %get3A_464, %get3A_464 : vector<16xf32>
        %jit3A_466 = arith.constant 0.000000e+00 : f32
        %broadcast_in_dim3A_467 = vector.broadcast %jit3A_466 : f32 to vector<16xf32>
        %select_n3A_468 = arith.select %eq3A_465, %get3A_464, %broadcast_in_dim3A_467 : vector<16xi1>, vector<16xf32>
        %swap3A_469 = arith.index_cast %add3A_460 : i32 to index
        %swap3A_470 = tpu.vector_load %arg8[%swap3A_469] {strides = array<i32>} : memref<4096xf32, #tpu.memory_space<vmem>>, vector<16xf32>,
        %swap3A_471 = vector.shape_cast %swap3A_470 : vector<16xf32> to vector<16xf32>
        %swap3A_472 = vector.shape_cast %select_n3A_468 : vector<16xf32> to vector<16xf32>
        tpu.vector_store %arg8[%swap3A_469], %swap3A_472 {strides = array<i32>} : memref<4096xf32, #tpu.memory_space<vmem>>, vector<16xf32>,
        %add3A_473 = arith.constant 32 : i32
        %add3A_474 = arith.addi %mul3A_446, %add3A_473 : i32
        %add3A_475 = arith.addi %sub3A_198, %add3A_474 : i32
        %get3A_476 = arith.index_cast %add3A_475 : i32 to index
        %get3A_477 = tpu.vector_load %arg6[%get3A_476] {strides = array<i32>} : memref<8336xf32, #tpu.memory_space<vmem>>, vector<16xf32>,
        %get3A_478 = vector.shape_cast %get3A_477 : vector<16xf32> to vector<16xf32>
        %eq3A_479 = arith.cmpf oeq, %get3A_478, %get3A_478 : vector<16xf32>
        %jit3A_480 = arith.constant 0.000000e+00 : f32
        %broadcast_in_dim3A_481 = vector.broadcast %jit3A_480 : f32 to vector<16xf32>
        %select_n3A_482 = arith.select %eq3A_479, %get3A_478, %broadcast_in_dim3A_481 : vector<16xi1>, vector<16xf32>
        %swap3A_483 = arith.index_cast %add3A_474 : i32 to index
        %swap3A_484 = tpu.vector_load %arg8[%swap3A_483] {strides = array<i32>} : memref<4096xf32, #tpu.memory_space<vmem>>, vector<16xf32>,
        %swap3A_485 = vector.shape_cast %swap3A_484 : vector<16xf32> to vector<16xf32>
        %swap3A_486 = vector.shape_cast %select_n3A_482 : vector<16xf32> to vector<16xf32>
        tpu.vector_store %arg8[%swap3A_483], %swap3A_486 {strides = array<i32>} : memref<4096xf32, #tpu.memory_space<vmem>>, vector<16xf32>,
        %add3A_487 = arith.constant 48 : i32
        %add3A_488 = arith.addi %mul3A_446, %add3A_487 : i32
        %add3A_489 = arith.addi %sub3A_198, %add3A_488 : i32
        %get3A_490 = arith.index_cast %add3A_489 : i32 to index
        %get3A_491 = tpu.vector_load %arg6[%get3A_490] {strides = array<i32>} : memref<8336xf32, #tpu.memory_space<vmem>>, vector<16xf32>,
        %get3A_492 = vector.shape_cast %get3A_491 : vector<16xf32> to vector<16xf32>
        %eq3A_493 = arith.cmpf oeq, %get3A_492, %get3A_492 : vector<16xf32>
        %jit3A_494 = arith.constant 0.000000e+00 : f32
        %broadcast_in_dim3A_495 = vector.broadcast %jit3A_494 : f32 to vector<16xf32>
        %select_n3A_496 = arith.select %eq3A_493, %get3A_492, %broadcast_in_dim3A_495 : vector<16xi1>, vector<16xf32>
        %swap3A_497 = arith.index_cast %add3A_488 : i32 to index
        %swap3A_498 = tpu.vector_load %arg8[%swap3A_497] {strides = array<i32>} : memref<4096xf32, #tpu.memory_space<vmem>>, vector<16xf32>,
        %swap3A_499 = vector.shape_cast %swap3A_498 : vector<16xf32> to vector<16xf32>
        %swap3A_500 = vector.shape_cast %select_n3A_496 : vector<16xf32> to vector<16xf32>
        tpu.vector_store %arg8[%swap3A_497], %swap3A_500 {strides = array<i32>} : memref<4096xf32, #tpu.memory_space<vmem>>, vector<16xf32>,
        %add3A_501 = arith.constant 64 : i32
        %add3A_502 = arith.addi %mul3A_446, %add3A_501 : i32
        %add3A_503 = arith.addi %sub3A_198, %add3A_502 : i32
        %get3A_504 = arith.index_cast %add3A_503 : i32 to index
        %get3A_505 = tpu.vector_load %arg6[%get3A_504] {strides = array<i32>} : memref<8336xf32, #tpu.memory_space<vmem>>, vector<16xf32>,
        %get3A_506 = vector.shape_cast %get3A_505 : vector<16xf32> to vector<16xf32>
        %eq3A_507 = arith.cmpf oeq, %get3A_506, %get3A_506 : vector<16xf32>
        %jit3A_508 = arith.constant 0.000000e+00 : f32
        %broadcast_in_dim3A_509 = vector.broadcast %jit3A_508 : f32 to vector<16xf32>
        %select_n3A_510 = arith.select %eq3A_507, %get3A_506, %broadcast_in_dim3A_509 : vector<16xi1>, vector<16xf32>
        %swap3A_511 = arith.index_cast %add3A_502 : i32 to index
        %swap3A_512 = tpu.vector_load %arg8[%swap3A_511] {strides = array<i32>} : memref<4096xf32, #tpu.memory_space<vmem>>, vector<16xf32>,
        %swap3A_513 = vector.shape_cast %swap3A_512 : vector<16xf32> to vector<16xf32>
        %swap3A_514 = vector.shape_cast %select_n3A_510 : vector<16xf32> to vector<16xf32>
        tpu.vector_store %arg8[%swap3A_511], %swap3A_514 {strides = array<i32>} : memref<4096xf32, #tpu.memory_space<vmem>>, vector<16xf32>,
        %add3A_515 = arith.constant 80 : i32
        %add3A_516 = arith.addi %mul3A_446, %add3A_515 : i32
        %add3A_517 = arith.addi %sub3A_198, %add3A_516 : i32
        %get3A_518 = arith.index_cast %add3A_517 : i32 to index
        %get3A_519 = tpu.vector_load %arg6[%get3A_518] {strides = array<i32>} : memref<8336xf32, #tpu.memory_space<vmem>>, vector<16xf32>,
        %get3A_520 = vector.shape_cast %get3A_519 : vector<16xf32> to vector<16xf32>
        %eq3A_521 = arith.cmpf oeq, %get3A_520, %get3A_520 : vector<16xf32>
        %jit3A_522 = arith.constant 0.000000e+00 : f32
        %broadcast_in_dim3A_523 = vector.broadcast %jit3A_522 : f32 to vector<16xf32>
        %select_n3A_524 = arith.select %eq3A_521, %get3A_520, %broadcast_in_dim3A_523 : vector<16xi1>, vector<16xf32>
        %swap3A_525 = arith.index_cast %add3A_516 : i32 to index
        %swap3A_526 = tpu.vector_load %arg8[%swap3A_525] {strides = array<i32>} : memref<4096xf32, #tpu.memory_space<vmem>>, vector<16xf32>,
        %swap3A_527 = vector.shape_cast %swap3A_526 : vector<16xf32> to vector<16xf32>
        %swap3A_528 = vector.shape_cast %select_n3A_524 : vector<16xf32> to vector<16xf32>
        tpu.vector_store %arg8[%swap3A_525], %swap3A_528 {strides = array<i32>} : memref<4096xf32, #tpu.memory_space<vmem>>, vector<16xf32>,
        %add3A_529 = arith.constant 96 : i32
        %add3A_530 = arith.addi %mul3A_446, %add3A_529 : i32
        %add3A_531 = arith.addi %sub3A_198, %add3A_530 : i32
        %get3A_532 = arith.index_cast %add3A_531 : i32 to index
        %get3A_533 = tpu.vector_load %arg6[%get3A_532] {strides = array<i32>} : memref<8336xf32, #tpu.memory_space<vmem>>, vector<16xf32>,
        %get3A_534 = vector.shape_cast %get3A_533 : vector<16xf32> to vector<16xf32>
        %eq3A_535 = arith.cmpf oeq, %get3A_534, %get3A_534 : vector<16xf32>
        %jit3A_536 = arith.constant 0.000000e+00 : f32
        %broadcast_in_dim3A_537 = vector.broadcast %jit3A_536 : f32 to vector<16xf32>
        %select_n3A_538 = arith.select %eq3A_535, %get3A_534, %broadcast_in_dim3A_537 : vector<16xi1>, vector<16xf32>
        %swap3A_539 = arith.index_cast %add3A_530 : i32 to index
        %swap3A_540 = tpu.vector_load %arg8[%swap3A_539] {strides = array<i32>} : memref<4096xf32, #tpu.memory_space<vmem>>, vector<16xf32>,
        %swap3A_541 = vector.shape_cast %swap3A_540 : vector<16xf32> to vector<16xf32>
        %swap3A_542 = vector.shape_cast %select_n3A_538 : vector<16xf32> to vector<16xf32>
        tpu.vector_store %arg8[%swap3A_539], %swap3A_542 {strides = array<i32>} : memref<4096xf32, #tpu.memory_space<vmem>>, vector<16xf32>,
        %add3A_543 = arith.constant 112 : i32
        %add3A_544 = arith.addi %mul3A_446, %add3A_543 : i32
        %add3A_545 = arith.addi %sub3A_198, %add3A_544 : i32
        %get3A_546 = arith.index_cast %add3A_545 : i32 to index
        %get3A_547 = tpu.vector_load %arg6[%get3A_546] {strides = array<i32>} : memref<8336xf32, #tpu.memory_space<vmem>>, vector<16xf32>,
        %get3A_548 = vector.shape_cast %get3A_547 : vector<16xf32> to vector<16xf32>
        %eq3A_549 = arith.cmpf oeq, %get3A_548, %get3A_548 : vector<16xf32>
        %jit3A_550 = arith.constant 0.000000e+00 : f32
        %broadcast_in_dim3A_551 = vector.broadcast %jit3A_550 : f32 to vector<16xf32>
        %select_n3A_552 = arith.select %eq3A_549, %get3A_548, %broadcast_in_dim3A_551 : vector<16xi1>, vector<16xf32>
        %swap3A_553 = arith.index_cast %add3A_544 : i32 to index
        %swap3A_554 = tpu.vector_load %arg8[%swap3A_553] {strides = array<i32>} : memref<4096xf32, #tpu.memory_space<vmem>>, vector<16xf32>,
        %swap3A_555 = vector.shape_cast %swap3A_554 : vector<16xf32> to vector<16xf32>
        %swap3A_556 = vector.shape_cast %select_n3A_552 : vector<16xf32> to vector<16xf32>
        tpu.vector_store %arg8[%swap3A_553], %swap3A_556 {strides = array<i32>} : memref<4096xf32, #tpu.memory_space<vmem>>, vector<16xf32>,
      }
      %gt3A_253 = arith.cmpi sgt, %select_n3A_243, %select_n3A_217 : i32
      %convert_element_type3A_254 = arith.extui %gt3A_253 : i1 to i32
      %cond3A_255 = arith.constant 0 : i32
      %cond3A_256 = arith.cmpi ne, %convert_element_type3A_254, %cond3A_255 : i32
      scf.if %cond3A_256 {
        %mul3A_444 = arith.constant 128 : i32
        %mul3A_445 = arith.muli %select_n3A_217, %mul3A_444 : i32
        %add3A_446 = arith.constant 0 : i32
        %add3A_447 = arith.addi %mul3A_445, %add3A_446 : i32
        %add3A_448 = arith.addi %sub3A_198, %add3A_447 : i32
        %get3A_449 = arith.index_cast %add3A_448 : i32 to index
        %get3A_450 = tpu.vector_load %arg6[%get3A_449] {strides = array<i32>} : memref<8336xf32, #tpu.memory_space<vmem>>, vector<16xf32>,
        %get3A_451 = vector.shape_cast %get3A_450 : vector<16xf32> to vector<16xf32>
        %sub3A_452 = arith.subi %min3A_165, %add3A_447 : i32
        %lt3A_453 = vector.broadcast %sub3A_452 : i32 to vector<16xi32>
        %lt3A_454 = arith.cmpi slt, %iota3A, %lt3A_453 : vector<16xi32>
        %eq3A = arith.cmpf oeq, %get3A_451, %get3A_451 : vector<16xf32>
        %and3A_455 = arith.andi %lt3A_454, %eq3A : vector<16xi1>
        %jit3A_456 = arith.constant 0.000000e+00 : f32
        %broadcast_in_dim3A_457 = vector.broadcast %jit3A_456 : f32 to vector<16xf32>
        %select_n3A_458 = arith.select %and3A_455, %get3A_451, %broadcast_in_dim3A_457 : vector<16xi1>, vector<16xf32>
        %swap3A = arith.index_cast %add3A_447 : i32 to index
        %swap3A_459 = tpu.vector_load %arg8[%swap3A] {strides = array<i32>} : memref<4096xf32, #tpu.memory_space<vmem>>, vector<16xf32>,
        %swap3A_460 = vector.shape_cast %swap3A_459 : vector<16xf32> to vector<16xf32>
        %swap3A_461 = vector.shape_cast %select_n3A_458 : vector<16xf32> to vector<16xf32>
        tpu.vector_store %arg8[%swap3A], %swap3A_461 {strides = array<i32>} : memref<4096xf32, #tpu.memory_space<vmem>>, vector<16xf32>,
        %add3A_462 = arith.constant 16 : i32
        %add3A_463 = arith.addi %mul3A_445, %add3A_462 : i32
        %add3A_464 = arith.addi %sub3A_198, %add3A_463 : i32
        %get3A_465 = arith.index_cast %add3A_464 : i32 to index
        %get3A_466 = tpu.vector_load %arg6[%get3A_465] {strides = array<i32>} : memref<8336xf32, #tpu.memory_space<vmem>>, vector<16xf32>,
        %get3A_467 = vector.shape_cast %get3A_466 : vector<16xf32> to vector<16xf32>
        %sub3A_468 = arith.subi %min3A_165, %add3A_463 : i32
        %lt3A_469 = vector.broadcast %sub3A_468 : i32 to vector<16xi32>
        %lt3A_470 = arith.cmpi slt, %iota3A, %lt3A_469 : vector<16xi32>
        %eq3A_471 = arith.cmpf oeq, %get3A_467, %get3A_467 : vector<16xf32>
        %and3A_472 = arith.andi %lt3A_470, %eq3A_471 : vector<16xi1>
        %jit3A_473 = arith.constant 0.000000e+00 : f32
        %broadcast_in_dim3A_474 = vector.broadcast %jit3A_473 : f32 to vector<16xf32>
        %select_n3A_475 = arith.select %and3A_472, %get3A_467, %broadcast_in_dim3A_474 : vector<16xi1>, vector<16xf32>
        %swap3A_476 = arith.index_cast %add3A_463 : i32 to index
        %swap3A_477 = tpu.vector_load %arg8[%swap3A_476] {strides = array<i32>} : memref<4096xf32, #tpu.memory_space<vmem>>, vector<16xf32>,
        %swap3A_478 = vector.shape_cast %swap3A_477 : vector<16xf32> to vector<16xf32>
        %swap3A_479 = vector.shape_cast %select_n3A_475 : vector<16xf32> to vector<16xf32>
        tpu.vector_store %arg8[%swap3A_476], %swap3A_479 {strides = array<i32>} : memref<4096xf32, #tpu.memory_space<vmem>>, vector<16xf32>,
        %add3A_480 = arith.constant 32 : i32
        %add3A_481 = arith.addi %mul3A_445, %add3A_480 : i32
        %add3A_482 = arith.addi %sub3A_198, %add3A_481 : i32
        %get3A_483 = arith.index_cast %add3A_482 : i32 to index
        %get3A_484 = tpu.vector_load %arg6[%get3A_483] {strides = array<i32>} : memref<8336xf32, #tpu.memory_space<vmem>>, vector<16xf32>,
        %get3A_485 = vector.shape_cast %get3A_484 : vector<16xf32> to vector<16xf32>
        %sub3A_486 = arith.subi %min3A_165, %add3A_481 : i32
        %lt3A_487 = vector.broadcast %sub3A_486 : i32 to vector<16xi32>
        %lt3A_488 = arith.cmpi slt, %iota3A, %lt3A_487 : vector<16xi32>
        %eq3A_489 = arith.cmpf oeq, %get3A_485, %get3A_485 : vector<16xf32>
        %and3A_490 = arith.andi %lt3A_488, %eq3A_489 : vector<16xi1>
        %jit3A_491 = arith.constant 0.000000e+00 : f32
        %broadcast_in_dim3A_492 = vector.broadcast %jit3A_491 : f32 to vector<16xf32>
        %select_n3A_493 = arith.select %and3A_490, %get3A_485, %broadcast_in_dim3A_492 : vector<16xi1>, vector<16xf32>
        %swap3A_494 = arith.index_cast %add3A_481 : i32 to index
        %swap3A_495 = tpu.vector_load %arg8[%swap3A_494] {strides = array<i32>} : memref<4096xf32, #tpu.memory_space<vmem>>, vector<16xf32>,
        %swap3A_496 = vector.shape_cast %swap3A_495 : vector<16xf32> to vector<16xf32>
        %swap3A_497 = vector.shape_cast %select_n3A_493 : vector<16xf32> to vector<16xf32>
        tpu.vector_store %arg8[%swap3A_494], %swap3A_497 {strides = array<i32>} : memref<4096xf32, #tpu.memory_space<vmem>>, vector<16xf32>,
        %add3A_498 = arith.constant 48 : i32
        %add3A_499 = arith.addi %mul3A_445, %add3A_498 : i32
        %add3A_500 = arith.addi %sub3A_198, %add3A_499 : i32
        %get3A_501 = arith.index_cast %add3A_500 : i32 to index
        %get3A_502 = tpu.vector_load %arg6[%get3A_501] {strides = array<i32>} : memref<8336xf32, #tpu.memory_space<vmem>>, vector<16xf32>,
        %get3A_503 = vector.shape_cast %get3A_502 : vector<16xf32> to vector<16xf32>
        %sub3A_504 = arith.subi %min3A_165, %add3A_499 : i32
        %lt3A_505 = vector.broadcast %sub3A_504 : i32 to vector<16xi32>
        %lt3A_506 = arith.cmpi slt, %iota3A, %lt3A_505 : vector<16xi32>
        %eq3A_507 = arith.cmpf oeq, %get3A_503, %get3A_503 : vector<16xf32>
        %and3A_508 = arith.andi %lt3A_506, %eq3A_507 : vector<16xi1>
        %jit3A_509 = arith.constant 0.000000e+00 : f32
        %broadcast_in_dim3A_510 = vector.broadcast %jit3A_509 : f32 to vector<16xf32>
        %select_n3A_511 = arith.select %and3A_508, %get3A_503, %broadcast_in_dim3A_510 : vector<16xi1>, vector<16xf32>
        %swap3A_512 = arith.index_cast %add3A_499 : i32 to index
        %swap3A_513 = tpu.vector_load %arg8[%swap3A_512] {strides = array<i32>} : memref<4096xf32, #tpu.memory_space<vmem>>, vector<16xf32>,
        %swap3A_514 = vector.shape_cast %swap3A_513 : vector<16xf32> to vector<16xf32>
        %swap3A_515 = vector.shape_cast %select_n3A_511 : vector<16xf32> to vector<16xf32>
        tpu.vector_store %arg8[%swap3A_512], %swap3A_515 {strides = array<i32>} : memref<4096xf32, #tpu.memory_space<vmem>>, vector<16xf32>,
        %add3A_516 = arith.constant 64 : i32
        %add3A_517 = arith.addi %mul3A_445, %add3A_516 : i32
        %add3A_518 = arith.addi %sub3A_198, %add3A_517 : i32
        %get3A_519 = arith.index_cast %add3A_518 : i32 to index
        %get3A_520 = tpu.vector_load %arg6[%get3A_519] {strides = array<i32>} : memref<8336xf32, #tpu.memory_space<vmem>>, vector<16xf32>,
        %get3A_521 = vector.shape_cast %get3A_520 : vector<16xf32> to vector<16xf32>
        %sub3A_522 = arith.subi %min3A_165, %add3A_517 : i32
        %lt3A_523 = vector.broadcast %sub3A_522 : i32 to vector<16xi32>
        %lt3A_524 = arith.cmpi slt, %iota3A, %lt3A_523 : vector<16xi32>
        %eq3A_525 = arith.cmpf oeq, %get3A_521, %get3A_521 : vector<16xf32>
        %and3A_526 = arith.andi %lt3A_524, %eq3A_525 : vector<16xi1>
        %jit3A_527 = arith.constant 0.000000e+00 : f32
        %broadcast_in_dim3A_528 = vector.broadcast %jit3A_527 : f32 to vector<16xf32>
        %select_n3A_529 = arith.select %and3A_526, %get3A_521, %broadcast_in_dim3A_528 : vector<16xi1>, vector<16xf32>
        %swap3A_530 = arith.index_cast %add3A_517 : i32 to index
        %swap3A_531 = tpu.vector_load %arg8[%swap3A_530] {strides = array<i32>} : memref<4096xf32, #tpu.memory_space<vmem>>, vector<16xf32>,
        %swap3A_532 = vector.shape_cast %swap3A_531 : vector<16xf32> to vector<16xf32>
        %swap3A_533 = vector.shape_cast %select_n3A_529 : vector<16xf32> to vector<16xf32>
        tpu.vector_store %arg8[%swap3A_530], %swap3A_533 {strides = array<i32>} : memref<4096xf32, #tpu.memory_space<vmem>>, vector<16xf32>,
        %add3A_534 = arith.constant 80 : i32
        %add3A_535 = arith.addi %mul3A_445, %add3A_534 : i32
        %add3A_536 = arith.addi %sub3A_198, %add3A_535 : i32
        %get3A_537 = arith.index_cast %add3A_536 : i32 to index
        %get3A_538 = tpu.vector_load %arg6[%get3A_537] {strides = array<i32>} : memref<8336xf32, #tpu.memory_space<vmem>>, vector<16xf32>,
        %get3A_539 = vector.shape_cast %get3A_538 : vector<16xf32> to vector<16xf32>
        %sub3A_540 = arith.subi %min3A_165, %add3A_535 : i32
        %lt3A_541 = vector.broadcast %sub3A_540 : i32 to vector<16xi32>
        %lt3A_542 = arith.cmpi slt, %iota3A, %lt3A_541 : vector<16xi32>
        %eq3A_543 = arith.cmpf oeq, %get3A_539, %get3A_539 : vector<16xf32>
        %and3A_544 = arith.andi %lt3A_542, %eq3A_543 : vector<16xi1>
        %jit3A_545 = arith.constant 0.000000e+00 : f32
        %broadcast_in_dim3A_546 = vector.broadcast %jit3A_545 : f32 to vector<16xf32>
        %select_n3A_547 = arith.select %and3A_544, %get3A_539, %broadcast_in_dim3A_546 : vector<16xi1>, vector<16xf32>
        %swap3A_548 = arith.index_cast %add3A_535 : i32 to index
        %swap3A_549 = tpu.vector_load %arg8[%swap3A_548] {strides = array<i32>} : memref<4096xf32, #tpu.memory_space<vmem>>, vector<16xf32>,
        %swap3A_550 = vector.shape_cast %swap3A_549 : vector<16xf32> to vector<16xf32>
        %swap3A_551 = vector.shape_cast %select_n3A_547 : vector<16xf32> to vector<16xf32>
        tpu.vector_store %arg8[%swap3A_548], %swap3A_551 {strides = array<i32>} : memref<4096xf32, #tpu.memory_space<vmem>>, vector<16xf32>,
        %add3A_552 = arith.constant 96 : i32
        %add3A_553 = arith.addi %mul3A_445, %add3A_552 : i32
        %add3A_554 = arith.addi %sub3A_198, %add3A_553 : i32
        %get3A_555 = arith.index_cast %add3A_554 : i32 to index
        %get3A_556 = tpu.vector_load %arg6[%get3A_555] {strides = array<i32>} : memref<8336xf32, #tpu.memory_space<vmem>>, vector<16xf32>,
        %get3A_557 = vector.shape_cast %get3A_556 : vector<16xf32> to vector<16xf32>
        %sub3A_558 = arith.subi %min3A_165, %add3A_553 : i32
        %lt3A_559 = vector.broadcast %sub3A_558 : i32 to vector<16xi32>
        %lt3A_560 = arith.cmpi slt, %iota3A, %lt3A_559 : vector<16xi32>
        %eq3A_561 = arith.cmpf oeq, %get3A_557, %get3A_557 : vector<16xf32>
        %and3A_562 = arith.andi %lt3A_560, %eq3A_561 : vector<16xi1>
        %jit3A_563 = arith.constant 0.000000e+00 : f32
        %broadcast_in_dim3A_564 = vector.broadcast %jit3A_563 : f32 to vector<16xf32>
        %select_n3A_565 = arith.select %and3A_562, %get3A_557, %broadcast_in_dim3A_564 : vector<16xi1>, vector<16xf32>
        %swap3A_566 = arith.index_cast %add3A_553 : i32 to index
        %swap3A_567 = tpu.vector_load %arg8[%swap3A_566] {strides = array<i32>} : memref<4096xf32, #tpu.memory_space<vmem>>, vector<16xf32>,
        %swap3A_568 = vector.shape_cast %swap3A_567 : vector<16xf32> to vector<16xf32>
        %swap3A_569 = vector.shape_cast %select_n3A_565 : vector<16xf32> to vector<16xf32>
        tpu.vector_store %arg8[%swap3A_566], %swap3A_569 {strides = array<i32>} : memref<4096xf32, #tpu.memory_space<vmem>>, vector<16xf32>,
        %add3A_570 = arith.constant 112 : i32
        %add3A_571 = arith.addi %mul3A_445, %add3A_570 : i32
        %add3A_572 = arith.addi %sub3A_198, %add3A_571 : i32
        %get3A_573 = arith.index_cast %add3A_572 : i32 to index
        %get3A_574 = tpu.vector_load %arg6[%get3A_573] {strides = array<i32>} : memref<8336xf32, #tpu.memory_space<vmem>>, vector<16xf32>,
        %get3A_575 = vector.shape_cast %get3A_574 : vector<16xf32> to vector<16xf32>
        %sub3A_576 = arith.subi %min3A_165, %add3A_571 : i32
        %lt3A_577 = vector.broadcast %sub3A_576 : i32 to vector<16xi32>
        %lt3A_578 = arith.cmpi slt, %iota3A, %lt3A_577 : vector<16xi32>
        %eq3A_579 = arith.cmpf oeq, %get3A_575, %get3A_575 : vector<16xf32>
        %and3A_580 = arith.andi %lt3A_578, %eq3A_579 : vector<16xi1>
        %jit3A_581 = arith.constant 0.000000e+00 : f32
        %broadcast_in_dim3A_582 = vector.broadcast %jit3A_581 : f32 to vector<16xf32>
        %select_n3A_583 = arith.select %and3A_580, %get3A_575, %broadcast_in_dim3A_582 : vector<16xi1>, vector<16xf32>
        %swap3A_584 = arith.index_cast %add3A_571 : i32 to index
        %swap3A_585 = tpu.vector_load %arg8[%swap3A_584] {strides = array<i32>} : memref<4096xf32, #tpu.memory_space<vmem>>, vector<16xf32>,
        %swap3A_586 = vector.shape_cast %swap3A_585 : vector<16xf32> to vector<16xf32>
        %swap3A_587 = vector.shape_cast %select_n3A_583 : vector<16xf32> to vector<16xf32>
        tpu.vector_store %arg8[%swap3A_584], %swap3A_587 {strides = array<i32>} : memref<4096xf32, #tpu.memory_space<vmem>>, vector<16xf32>,
      } else {
      }
      %while3A_257 = arith.constant 0 : i32
      %while3A_258 = arith.constant 32 : i32
      %while3A_259 = arith.subi %while3A_258, %select_n3A_243 : i32
      %while3A_260 = arith.addi %select_n3A_243, %while3A_259 : i32
      %while3A_261 = arith.constant 1 : i32
      %while3A_262 = arith.divsi %while3A_259, %while3A_261 : i32
      %while3A_263 = arith.muli %while3A_262, %while3A_261 : i32
      %while3A_264 = arith.addi %select_n3A_243, %while3A_263 : i32
      %while3A_265 = arith.constant 1 : i32
      scf.for %while3A_444 = %select_n3A_243 to %while3A_264 step %while3A_265  : i32 {
        %mul3A_445 = arith.constant 128 : i32
        %mul3A_446 = arith.muli %while3A_444, %mul3A_445 : i32
        %add3A_447 = arith.constant 0 : i32
        %add3A_448 = arith.addi %mul3A_446, %add3A_447 : i32
        %swap3A = arith.index_cast %add3A_448 : i32 to index
        %swap3A_449 = tpu.vector_load %arg8[%swap3A] {strides = array<i32>} : memref<4096xf32, #tpu.memory_space<vmem>>, vector<16xf32>,
        %swap3A_450 = vector.shape_cast %swap3A_449 : vector<16xf32> to vector<16xf32>
        %swap3A_451 = vector.shape_cast %broadcast_in_dim3A_3 : vector<16xf32> to vector<16xf32>
        tpu.vector_store %arg8[%swap3A], %swap3A_451 {strides = array<i32>} : memref<4096xf32, #tpu.memory_space<vmem>>, vector<16xf32>,
        %add3A_452 = arith.constant 16 : i32
        %add3A_453 = arith.addi %mul3A_446, %add3A_452 : i32
        %swap3A_454 = arith.index_cast %add3A_453 : i32 to index
        %swap3A_455 = tpu.vector_load %arg8[%swap3A_454] {strides = array<i32>} : memref<4096xf32, #tpu.memory_space<vmem>>, vector<16xf32>,
        %swap3A_456 = vector.shape_cast %swap3A_455 : vector<16xf32> to vector<16xf32>
        %swap3A_457 = vector.shape_cast %broadcast_in_dim3A_3 : vector<16xf32> to vector<16xf32>
        tpu.vector_store %arg8[%swap3A_454], %swap3A_457 {strides = array<i32>} : memref<4096xf32, #tpu.memory_space<vmem>>, vector<16xf32>,
        %add3A_458 = arith.constant 32 : i32
        %add3A_459 = arith.addi %mul3A_446, %add3A_458 : i32
        %swap3A_460 = arith.index_cast %add3A_459 : i32 to index
        %swap3A_461 = tpu.vector_load %arg8[%swap3A_460] {strides = array<i32>} : memref<4096xf32, #tpu.memory_space<vmem>>, vector<16xf32>,
        %swap3A_462 = vector.shape_cast %swap3A_461 : vector<16xf32> to vector<16xf32>
        %swap3A_463 = vector.shape_cast %broadcast_in_dim3A_3 : vector<16xf32> to vector<16xf32>
        tpu.vector_store %arg8[%swap3A_460], %swap3A_463 {strides = array<i32>} : memref<4096xf32, #tpu.memory_space<vmem>>, vector<16xf32>,
        %add3A_464 = arith.constant 48 : i32
        %add3A_465 = arith.addi %mul3A_446, %add3A_464 : i32
        %swap3A_466 = arith.index_cast %add3A_465 : i32 to index
        %swap3A_467 = tpu.vector_load %arg8[%swap3A_466] {strides = array<i32>} : memref<4096xf32, #tpu.memory_space<vmem>>, vector<16xf32>,
        %swap3A_468 = vector.shape_cast %swap3A_467 : vector<16xf32> to vector<16xf32>
        %swap3A_469 = vector.shape_cast %broadcast_in_dim3A_3 : vector<16xf32> to vector<16xf32>
        tpu.vector_store %arg8[%swap3A_466], %swap3A_469 {strides = array<i32>} : memref<4096xf32, #tpu.memory_space<vmem>>, vector<16xf32>,
        %add3A_470 = arith.constant 64 : i32
        %add3A_471 = arith.addi %mul3A_446, %add3A_470 : i32
        %swap3A_472 = arith.index_cast %add3A_471 : i32 to index
        %swap3A_473 = tpu.vector_load %arg8[%swap3A_472] {strides = array<i32>} : memref<4096xf32, #tpu.memory_space<vmem>>, vector<16xf32>,
        %swap3A_474 = vector.shape_cast %swap3A_473 : vector<16xf32> to vector<16xf32>
        %swap3A_475 = vector.shape_cast %broadcast_in_dim3A_3 : vector<16xf32> to vector<16xf32>
        tpu.vector_store %arg8[%swap3A_472], %swap3A_475 {strides = array<i32>} : memref<4096xf32, #tpu.memory_space<vmem>>, vector<16xf32>,
        %add3A_476 = arith.constant 80 : i32
        %add3A_477 = arith.addi %mul3A_446, %add3A_476 : i32
        %swap3A_478 = arith.index_cast %add3A_477 : i32 to index
        %swap3A_479 = tpu.vector_load %arg8[%swap3A_478] {strides = array<i32>} : memref<4096xf32, #tpu.memory_space<vmem>>, vector<16xf32>,
        %swap3A_480 = vector.shape_cast %swap3A_479 : vector<16xf32> to vector<16xf32>
        %swap3A_481 = vector.shape_cast %broadcast_in_dim3A_3 : vector<16xf32> to vector<16xf32>
        tpu.vector_store %arg8[%swap3A_478], %swap3A_481 {strides = array<i32>} : memref<4096xf32, #tpu.memory_space<vmem>>, vector<16xf32>,
        %add3A_482 = arith.constant 96 : i32
        %add3A_483 = arith.addi %mul3A_446, %add3A_482 : i32
        %swap3A_484 = arith.index_cast %add3A_483 : i32 to index
        %swap3A_485 = tpu.vector_load %arg8[%swap3A_484] {strides = array<i32>} : memref<4096xf32, #tpu.memory_space<vmem>>, vector<16xf32>,
        %swap3A_486 = vector.shape_cast %swap3A_485 : vector<16xf32> to vector<16xf32>
        %swap3A_487 = vector.shape_cast %broadcast_in_dim3A_3 : vector<16xf32> to vector<16xf32>
        tpu.vector_store %arg8[%swap3A_484], %swap3A_487 {strides = array<i32>} : memref<4096xf32, #tpu.memory_space<vmem>>, vector<16xf32>,
        %add3A_488 = arith.constant 112 : i32
        %add3A_489 = arith.addi %mul3A_446, %add3A_488 : i32
        %swap3A_490 = arith.index_cast %add3A_489 : i32 to index
        %swap3A_491 = tpu.vector_load %arg8[%swap3A_490] {strides = array<i32>} : memref<4096xf32, #tpu.memory_space<vmem>>, vector<16xf32>,
        %swap3A_492 = vector.shape_cast %swap3A_491 : vector<16xf32> to vector<16xf32>
        %swap3A_493 = vector.shape_cast %broadcast_in_dim3A_3 : vector<16xf32> to vector<16xf32>
        tpu.vector_store %arg8[%swap3A_490], %swap3A_493 {strides = array<i32>} : memref<4096xf32, #tpu.memory_space<vmem>>, vector<16xf32>,
      }
      %while3A_266 = arith.constant 1 : i32
      scf.for %while3A_444 = %while3A_264 to %while3A_260 step %while3A_266  : i32 {
        %mul3A_445 = arith.constant 128 : i32
        %mul3A_446 = arith.muli %while3A_444, %mul3A_445 : i32
        %add3A_447 = arith.constant 0 : i32
        %add3A_448 = arith.addi %mul3A_446, %add3A_447 : i32
        %swap3A = arith.index_cast %add3A_448 : i32 to index
        %swap3A_449 = tpu.vector_load %arg8[%swap3A] {strides = array<i32>} : memref<4096xf32, #tpu.memory_space<vmem>>, vector<16xf32>,
        %swap3A_450 = vector.shape_cast %swap3A_449 : vector<16xf32> to vector<16xf32>
        %swap3A_451 = vector.shape_cast %broadcast_in_dim3A_3 : vector<16xf32> to vector<16xf32>
        tpu.vector_store %arg8[%swap3A], %swap3A_451 {strides = array<i32>} : memref<4096xf32, #tpu.memory_space<vmem>>, vector<16xf32>,
        %add3A_452 = arith.constant 16 : i32
        %add3A_453 = arith.addi %mul3A_446, %add3A_452 : i32
        %swap3A_454 = arith.index_cast %add3A_453 : i32 to index
        %swap3A_455 = tpu.vector_load %arg8[%swap3A_454] {strides = array<i32>} : memref<4096xf32, #tpu.memory_space<vmem>>, vector<16xf32>,
        %swap3A_456 = vector.shape_cast %swap3A_455 : vector<16xf32> to vector<16xf32>
        %swap3A_457 = vector.shape_cast %broadcast_in_dim3A_3 : vector<16xf32> to vector<16xf32>
        tpu.vector_store %arg8[%swap3A_454], %swap3A_457 {strides = array<i32>} : memref<4096xf32, #tpu.memory_space<vmem>>, vector<16xf32>,
        %add3A_458 = arith.constant 32 : i32
        %add3A_459 = arith.addi %mul3A_446, %add3A_458 : i32
        %swap3A_460 = arith.index_cast %add3A_459 : i32 to index
        %swap3A_461 = tpu.vector_load %arg8[%swap3A_460] {strides = array<i32>} : memref<4096xf32, #tpu.memory_space<vmem>>, vector<16xf32>,
        %swap3A_462 = vector.shape_cast %swap3A_461 : vector<16xf32> to vector<16xf32>
        %swap3A_463 = vector.shape_cast %broadcast_in_dim3A_3 : vector<16xf32> to vector<16xf32>
        tpu.vector_store %arg8[%swap3A_460], %swap3A_463 {strides = array<i32>} : memref<4096xf32, #tpu.memory_space<vmem>>, vector<16xf32>,
        %add3A_464 = arith.constant 48 : i32
        %add3A_465 = arith.addi %mul3A_446, %add3A_464 : i32
        %swap3A_466 = arith.index_cast %add3A_465 : i32 to index
        %swap3A_467 = tpu.vector_load %arg8[%swap3A_466] {strides = array<i32>} : memref<4096xf32, #tpu.memory_space<vmem>>, vector<16xf32>,
        %swap3A_468 = vector.shape_cast %swap3A_467 : vector<16xf32> to vector<16xf32>
        %swap3A_469 = vector.shape_cast %broadcast_in_dim3A_3 : vector<16xf32> to vector<16xf32>
        tpu.vector_store %arg8[%swap3A_466], %swap3A_469 {strides = array<i32>} : memref<4096xf32, #tpu.memory_space<vmem>>, vector<16xf32>,
        %add3A_470 = arith.constant 64 : i32
        %add3A_471 = arith.addi %mul3A_446, %add3A_470 : i32
        %swap3A_472 = arith.index_cast %add3A_471 : i32 to index
        %swap3A_473 = tpu.vector_load %arg8[%swap3A_472] {strides = array<i32>} : memref<4096xf32, #tpu.memory_space<vmem>>, vector<16xf32>,
        %swap3A_474 = vector.shape_cast %swap3A_473 : vector<16xf32> to vector<16xf32>
        %swap3A_475 = vector.shape_cast %broadcast_in_dim3A_3 : vector<16xf32> to vector<16xf32>
        tpu.vector_store %arg8[%swap3A_472], %swap3A_475 {strides = array<i32>} : memref<4096xf32, #tpu.memory_space<vmem>>, vector<16xf32>,
        %add3A_476 = arith.constant 80 : i32
        %add3A_477 = arith.addi %mul3A_446, %add3A_476 : i32
        %swap3A_478 = arith.index_cast %add3A_477 : i32 to index
        %swap3A_479 = tpu.vector_load %arg8[%swap3A_478] {strides = array<i32>} : memref<4096xf32, #tpu.memory_space<vmem>>, vector<16xf32>,
        %swap3A_480 = vector.shape_cast %swap3A_479 : vector<16xf32> to vector<16xf32>
        %swap3A_481 = vector.shape_cast %broadcast_in_dim3A_3 : vector<16xf32> to vector<16xf32>
        tpu.vector_store %arg8[%swap3A_478], %swap3A_481 {strides = array<i32>} : memref<4096xf32, #tpu.memory_space<vmem>>, vector<16xf32>,
        %add3A_482 = arith.constant 96 : i32
        %add3A_483 = arith.addi %mul3A_446, %add3A_482 : i32
        %swap3A_484 = arith.index_cast %add3A_483 : i32 to index
        %swap3A_485 = tpu.vector_load %arg8[%swap3A_484] {strides = array<i32>} : memref<4096xf32, #tpu.memory_space<vmem>>, vector<16xf32>,
        %swap3A_486 = vector.shape_cast %swap3A_485 : vector<16xf32> to vector<16xf32>
        %swap3A_487 = vector.shape_cast %broadcast_in_dim3A_3 : vector<16xf32> to vector<16xf32>
        tpu.vector_store %arg8[%swap3A_484], %swap3A_487 {strides = array<i32>} : memref<4096xf32, #tpu.memory_space<vmem>>, vector<16xf32>,
        %add3A_488 = arith.constant 112 : i32
        %add3A_489 = arith.addi %mul3A_446, %add3A_488 : i32
        %swap3A_490 = arith.index_cast %add3A_489 : i32 to index
        %swap3A_491 = tpu.vector_load %arg8[%swap3A_490] {strides = array<i32>} : memref<4096xf32, #tpu.memory_space<vmem>>, vector<16xf32>,
        %swap3A_492 = vector.shape_cast %swap3A_491 : vector<16xf32> to vector<16xf32>
        %swap3A_493 = vector.shape_cast %broadcast_in_dim3A_3 : vector<16xf32> to vector<16xf32>
        tpu.vector_store %arg8[%swap3A_490], %swap3A_493 {strides = array<i32>} : memref<4096xf32, #tpu.memory_space<vmem>>, vector<16xf32>,
      }
      %dma_start3A_267 = arith.constant 0 : i32
      %dma_start3A_268 = tpu.memref_slice %arg4[%add3A_63, %dma_start3A_267] : memref<1024x4096xf32, #tpu.memory_space<hbm>> -> memref<1x4096xf32, #tpu.memory_space<hbm>>
      %dma_start3A_269 = tpu.memref_squeeze %dma_start3A_268 : memref<1x4096xf32, #tpu.memory_space<hbm>> -> memref<4096xf32, #tpu.memory_space<hbm>>
      %dma_start3A_270 = arith.constant 0 : i32
      %dma_start3A_271 = tpu.memref_slice %arg4[%add3A_63, %dma_start3A_270] : memref<1024x4096xf32, #tpu.memory_space<hbm>> -> memref<1x4096xf32, #tpu.memory_space<hbm>>
      %dma_start3A_272 = tpu.memref_squeeze %dma_start3A_271 : memref<1x4096xf32, #tpu.memory_space<hbm>> -> memref<4096xf32, #tpu.memory_space<hbm>>
      tpu.enqueue_dma source(%arg8 : memref<4096xf32, #tpu.memory_space<vmem>>) target(%dma_start3A_272 : memref<4096xf32, #tpu.memory_space<hbm>>) target_semaphore(%arg13 : memref<!tpu.dma_semaphore, #tpu.memory_space<semaphore_mem>>)
      %lt3A = arith.constant 15 : i32
      %lt3A_273 = arith.cmpi slt, %scan3A_60, %lt3A : i32
      %convert_element_type3A_274 = arith.extui %lt3A_273 : i1 to i32
      %cond3A_275 = arith.constant 0 : i32
      %cond3A_276 = arith.cmpi ne, %convert_element_type3A_274, %cond3A_275 : i32
      scf.if %cond3A_276 {
        %add3A_444 = arith.constant 1 : i32
        %add3A_445 = arith.addi %add3A_65, %add3A_444 : i32
        %get3A_446 = arith.index_cast %add3A_445 : i32 to index
        %get3A_447 = tpu.vector_load %arg5[%get3A_446] {strides = array<i32>} : memref<1040xi32, #tpu.memory_space<vmem>>, vector<16xi32>,
        %get3A_448 = vector.shape_cast %get3A_447 : vector<16xi32> to vector<16xi32>
        %slice3A_449 = vector.extract_strided_slice %get3A_448 {offsets = [0], sizes = [1], strides = [1]} : vector<16xi32> to vector<1xi32>
        %squeeze3A_450 = vector.extract %slice3A_449[0] : i32 from vector<1xi32>
        %slice3A_451 = vector.extract_strided_slice %get3A_448 {offsets = [1], sizes = [1], strides = [1]} : vector<16xi32> to vector<1xi32>
        %squeeze3A_452 = vector.extract %slice3A_451[0] : i32 from vector<1xi32>
        %sub3A_453 = arith.subi %squeeze3A_452, %squeeze3A_450 : i32
        %min3A_454 = arith.constant 4096 : i32
        %min3A_455 = arith.minsi %sub3A_453, %min3A_454 : i32
        %shift_right_arithmetic3A_456 = arith.constant 3 : i32
        %shift_right_arithmetic3A_457 = arith.shrsi %squeeze3A_450, %shift_right_arithmetic3A_456 : i32
        %shift_left3A_458 = arith.constant 3 : i32
        %shift_left3A_459 = arith.shli %shift_right_arithmetic3A_457, %shift_left3A_458 : i32
        %le3A_460 = arith.constant 512 : i32
        %le3A_461 = arith.cmpi sle, %min3A_455, %le3A_460 : i32
        %gt3A_462 = arith.constant 512 : i32
        %gt3A_463 = arith.cmpi sgt, %min3A_455, %gt3A_462 : i32
        %le3A_464 = arith.constant 1024 : i32
        %le3A_465 = arith.cmpi sle, %min3A_455, %le3A_464 : i32
        %and3A_466 = arith.andi %gt3A_463, %le3A_465 : i1
        %gt3A_467 = arith.constant 1024 : i32
        %gt3A_468 = arith.cmpi sgt, %min3A_455, %gt3A_467 : i32
        %le3A_469 = arith.constant 2048 : i32
        %le3A_470 = arith.cmpi sle, %min3A_455, %le3A_469 : i32
        %and3A_471 = arith.andi %gt3A_468, %le3A_470 : i1
        %gt3A_472 = arith.constant 2048 : i32
        %gt3A_473 = arith.cmpi sgt, %min3A_455, %gt3A_472 : i32
        %le3A_474 = arith.constant 4096 : i32
        %le3A_475 = arith.cmpi sle, %min3A_455, %le3A_474 : i32
        %and3A_476 = arith.andi %gt3A_473, %le3A_475 : i1
        %convert_element_type3A_477 = arith.extui %le3A_461 : i1 to i32
        %cond3A_478 = arith.constant 0 : i32
        %cond3A_479 = arith.cmpi ne, %convert_element_type3A_477, %cond3A_478 : i32
        scf.if %cond3A_479 {
          %min3A_489 = arith.constant 2096624 : i32
          %min3A_490 = arith.minsi %shift_left3A_459, %min3A_489 : i32
          %multiple_of3A = tpu.assume_multiple %min3A_490, 8 : i32
          %dma_start3A_491 = arith.constant 0 : i32
          %dma_start3A_492 = tpu.memref_slice %arg6[%dma_start3A_491] : memref<8336xf32, #tpu.memory_space<vmem>> -> memref<528xf32, #tpu.memory_space<vmem>>
          %dma_start3A_493 = tpu.memref_slice %arg2[%multiple_of3A] : memref<2097152xf32, #tpu.memory_space<hbm>> -> memref<528xf32, #tpu.memory_space<hbm>>
          %dma_start3A_494 = arith.constant 0 : i32
          %dma_start3A_495 = tpu.memref_slice %arg6[%dma_start3A_494] : memref<8336xf32, #tpu.memory_space<vmem>> -> memref<528xf32, #tpu.memory_space<vmem>>
          %dma_start3A_496 = tpu.memref_slice %arg2[%multiple_of3A] : memref<2097152xf32, #tpu.memory_space<hbm>> -> memref<528xf32, #tpu.memory_space<hbm>>
          tpu.enqueue_dma source(%dma_start3A_496 : memref<528xf32, #tpu.memory_space<hbm>>) target(%dma_start3A_495 : memref<528xf32, #tpu.memory_space<vmem>>) target_semaphore(%arg11 : memref<!tpu.dma_semaphore, #tpu.memory_space<semaphore_mem>>)
        } else {
        }
        %convert_element_type3A_480 = arith.extui %and3A_466 : i1 to i32
        %cond3A_481 = arith.constant 0 : i32
        %cond3A_482 = arith.cmpi ne, %convert_element_type3A_480, %cond3A_481 : i32
        scf.if %cond3A_482 {
          %min3A_489 = arith.constant 2096112 : i32
          %min3A_490 = arith.minsi %shift_left3A_459, %min3A_489 : i32
          %multiple_of3A = tpu.assume_multiple %min3A_490, 8 : i32
          %dma_start3A_491 = arith.constant 0 : i32
          %dma_start3A_492 = tpu.memref_slice %arg6[%dma_start3A_491] : memref<8336xf32, #tpu.memory_space<vmem>> -> memref<1040xf32, #tpu.memory_space<vmem>>
          %dma_start3A_493 = tpu.memref_slice %arg2[%multiple_of3A] : memref<2097152xf32, #tpu.memory_space<hbm>> -> memref<1040xf32, #tpu.memory_space<hbm>>
          %dma_start3A_494 = arith.constant 0 : i32
          %dma_start3A_495 = tpu.memref_slice %arg6[%dma_start3A_494] : memref<8336xf32, #tpu.memory_space<vmem>> -> memref<1040xf32, #tpu.memory_space<vmem>>
          %dma_start3A_496 = tpu.memref_slice %arg2[%multiple_of3A] : memref<2097152xf32, #tpu.memory_space<hbm>> -> memref<1040xf32, #tpu.memory_space<hbm>>
          tpu.enqueue_dma source(%dma_start3A_496 : memref<1040xf32, #tpu.memory_space<hbm>>) target(%dma_start3A_495 : memref<1040xf32, #tpu.memory_space<vmem>>) target_semaphore(%arg11 : memref<!tpu.dma_semaphore, #tpu.memory_space<semaphore_mem>>)
        } else {
        }
        %convert_element_type3A_483 = arith.extui %and3A_471 : i1 to i32
        %cond3A_484 = arith.constant 0 : i32
        %cond3A_485 = arith.cmpi ne, %convert_element_type3A_483, %cond3A_484 : i32
        scf.if %cond3A_485 {
          %min3A_489 = arith.constant 2095088 : i32
          %min3A_490 = arith.minsi %shift_left3A_459, %min3A_489 : i32
          %multiple_of3A = tpu.assume_multiple %min3A_490, 8 : i32
          %dma_start3A_491 = arith.constant 0 : i32
          %dma_start3A_492 = tpu.memref_slice %arg6[%dma_start3A_491] : memref<8336xf32, #tpu.memory_space<vmem>> -> memref<2064xf32, #tpu.memory_space<vmem>>
          %dma_start3A_493 = tpu.memref_slice %arg2[%multiple_of3A] : memref<2097152xf32, #tpu.memory_space<hbm>> -> memref<2064xf32, #tpu.memory_space<hbm>>
          %dma_start3A_494 = arith.constant 0 : i32
          %dma_start3A_495 = tpu.memref_slice %arg6[%dma_start3A_494] : memref<8336xf32, #tpu.memory_space<vmem>> -> memref<2064xf32, #tpu.memory_space<vmem>>
          %dma_start3A_496 = tpu.memref_slice %arg2[%multiple_of3A] : memref<2097152xf32, #tpu.memory_space<hbm>> -> memref<2064xf32, #tpu.memory_space<hbm>>
          tpu.enqueue_dma source(%dma_start3A_496 : memref<2064xf32, #tpu.memory_space<hbm>>) target(%dma_start3A_495 : memref<2064xf32, #tpu.memory_space<vmem>>) target_semaphore(%arg11 : memref<!tpu.dma_semaphore, #tpu.memory_space<semaphore_mem>>)
        } else {
        }
        %convert_element_type3A_486 = arith.extui %and3A_476 : i1 to i32
        %cond3A_487 = arith.constant 0 : i32
        %cond3A_488 = arith.cmpi ne, %convert_element_type3A_486, %cond3A_487 : i32
        scf.if %cond3A_488 {
          %min3A_489 = arith.constant 2093040 : i32
          %min3A_490 = arith.minsi %shift_left3A_459, %min3A_489 : i32
          %multiple_of3A = tpu.assume_multiple %min3A_490, 8 : i32
          %dma_start3A_491 = arith.constant 0 : i32
          %dma_start3A_492 = tpu.memref_slice %arg6[%dma_start3A_491] : memref<8336xf32, #tpu.memory_space<vmem>> -> memref<4112xf32, #tpu.memory_space<vmem>>
          %dma_start3A_493 = tpu.memref_slice %arg2[%multiple_of3A] : memref<2097152xf32, #tpu.memory_space<hbm>> -> memref<4112xf32, #tpu.memory_space<hbm>>
          %dma_start3A_494 = arith.constant 0 : i32
          %dma_start3A_495 = tpu.memref_slice %arg6[%dma_start3A_494] : memref<8336xf32, #tpu.memory_space<vmem>> -> memref<4112xf32, #tpu.memory_space<vmem>>
          %dma_start3A_496 = tpu.memref_slice %arg2[%multiple_of3A] : memref<2097152xf32, #tpu.memory_space<hbm>> -> memref<4112xf32, #tpu.memory_space<hbm>>
          tpu.enqueue_dma source(%dma_start3A_496 : memref<4112xf32, #tpu.memory_space<hbm>>) target(%dma_start3A_495 : memref<4112xf32, #tpu.memory_space<vmem>>) target_semaphore(%arg11 : memref<!tpu.dma_semaphore, #tpu.memory_space<semaphore_mem>>)
        } else {
        }
      } else {
      }
      %get3A_277 = arith.index_cast %add3A_65 : i32 to index
      %get3A_278 = tpu.vector_load %arg5[%get3A_277] {strides = array<i32>} : memref<1040xi32, #tpu.memory_space<vmem>>, vector<16xi32>,
      %get3A_279 = vector.shape_cast %get3A_278 : vector<16xi32> to vector<16xi32>
      %slice3A_280 = vector.extract_strided_slice %get3A_279 {offsets = [0], sizes = [1], strides = [1]} : vector<16xi32> to vector<1xi32>
      %squeeze3A_281 = vector.extract %slice3A_280[0] : i32 from vector<1xi32>
      %slice3A_282 = vector.extract_strided_slice %get3A_279 {offsets = [1], sizes = [1], strides = [1]} : vector<16xi32> to vector<1xi32>
      %squeeze3A_283 = vector.extract %slice3A_282[0] : i32 from vector<1xi32>
      %sub3A_284 = arith.subi %squeeze3A_283, %squeeze3A_281 : i32
      %min3A_285 = arith.constant 4096 : i32
      %min3A_286 = arith.minsi %sub3A_284, %min3A_285 : i32
      %shift_right_arithmetic3A_287 = arith.constant 3 : i32
      %shift_right_arithmetic3A_288 = arith.shrsi %squeeze3A_281, %shift_right_arithmetic3A_287 : i32
      %shift_left3A_289 = arith.constant 3 : i32
      %shift_left3A_290 = arith.shli %shift_right_arithmetic3A_288, %shift_left3A_289 : i32
      %le3A_291 = arith.constant 512 : i32
      %le3A_292 = arith.cmpi sle, %min3A_286, %le3A_291 : i32
      %gt3A_293 = arith.constant 512 : i32
      %gt3A_294 = arith.cmpi sgt, %min3A_286, %gt3A_293 : i32
      %le3A_295 = arith.constant 1024 : i32
      %le3A_296 = arith.cmpi sle, %min3A_286, %le3A_295 : i32
      %and3A_297 = arith.andi %gt3A_294, %le3A_296 : i1
      %gt3A_298 = arith.constant 1024 : i32
      %gt3A_299 = arith.cmpi sgt, %min3A_286, %gt3A_298 : i32
      %le3A_300 = arith.constant 2048 : i32
      %le3A_301 = arith.cmpi sle, %min3A_286, %le3A_300 : i32
      %and3A_302 = arith.andi %gt3A_299, %le3A_301 : i1
      %gt3A_303 = arith.constant 2048 : i32
      %gt3A_304 = arith.cmpi sgt, %min3A_286, %gt3A_303 : i32
      %le3A_305 = arith.constant 4096 : i32
      %le3A_306 = arith.cmpi sle, %min3A_286, %le3A_305 : i32
      %and3A_307 = arith.andi %gt3A_304, %le3A_306 : i1
      %convert_element_type3A_308 = arith.extui %le3A_292 : i1 to i32
      %cond3A_309 = arith.constant 0 : i32
      %cond3A_310 = arith.cmpi ne, %convert_element_type3A_308, %cond3A_309 : i32
      scf.if %cond3A_310 {
        %dma_wait3A_444 = arith.constant 0 : i32
        %dma_wait3A_445 = tpu.memref_slice %arg7[%dma_wait3A_444] : memref<8336xf32, #tpu.memory_space<vmem>> -> memref<528xf32, #tpu.memory_space<vmem>>
        %dma_wait3A_446 = arith.constant 0 : i32
        %dma_wait3A_447 = tpu.memref_slice %arg2[%dma_wait3A_446] : memref<2097152xf32, #tpu.memory_space<hbm>> -> memref<528xf32, #tpu.memory_space<hbm>>
        %dma_wait3A_448 = arith.constant 0 : i32
        %dma_wait3A_449 = tpu.memref_slice %arg7[%dma_wait3A_448] : memref<8336xf32, #tpu.memory_space<vmem>> -> memref<528xf32, #tpu.memory_space<vmem>>
        %dma_wait3A_450 = arith.constant 0 : i32
        %dma_wait3A_451 = tpu.memref_slice %arg2[%dma_wait3A_450] : memref<2097152xf32, #tpu.memory_space<hbm>> -> memref<528xf32, #tpu.memory_space<hbm>>
        tpu.wait_dma2 semaphore(%arg12 : memref<!tpu.dma_semaphore, #tpu.memory_space<semaphore_mem>>) src(%dma_wait3A_451 : memref<528xf32, #tpu.memory_space<hbm>>) dst(%dma_wait3A_449 : memref<528xf32, #tpu.memory_space<vmem>>)
      } else {
      }
      %convert_element_type3A_311 = arith.extui %and3A_297 : i1 to i32
      %cond3A_312 = arith.constant 0 : i32
      %cond3A_313 = arith.cmpi ne, %convert_element_type3A_311, %cond3A_312 : i32
      scf.if %cond3A_313 {
        %dma_wait3A_444 = arith.constant 0 : i32
        %dma_wait3A_445 = tpu.memref_slice %arg7[%dma_wait3A_444] : memref<8336xf32, #tpu.memory_space<vmem>> -> memref<1040xf32, #tpu.memory_space<vmem>>
        %dma_wait3A_446 = arith.constant 0 : i32
        %dma_wait3A_447 = tpu.memref_slice %arg2[%dma_wait3A_446] : memref<2097152xf32, #tpu.memory_space<hbm>> -> memref<1040xf32, #tpu.memory_space<hbm>>
        %dma_wait3A_448 = arith.constant 0 : i32
        %dma_wait3A_449 = tpu.memref_slice %arg7[%dma_wait3A_448] : memref<8336xf32, #tpu.memory_space<vmem>> -> memref<1040xf32, #tpu.memory_space<vmem>>
        %dma_wait3A_450 = arith.constant 0 : i32
        %dma_wait3A_451 = tpu.memref_slice %arg2[%dma_wait3A_450] : memref<2097152xf32, #tpu.memory_space<hbm>> -> memref<1040xf32, #tpu.memory_space<hbm>>
        tpu.wait_dma2 semaphore(%arg12 : memref<!tpu.dma_semaphore, #tpu.memory_space<semaphore_mem>>) src(%dma_wait3A_451 : memref<1040xf32, #tpu.memory_space<hbm>>) dst(%dma_wait3A_449 : memref<1040xf32, #tpu.memory_space<vmem>>)
      } else {
      }
      %convert_element_type3A_314 = arith.extui %and3A_302 : i1 to i32
      %cond3A_315 = arith.constant 0 : i32
      %cond3A_316 = arith.cmpi ne, %convert_element_type3A_314, %cond3A_315 : i32
      scf.if %cond3A_316 {
        %dma_wait3A_444 = arith.constant 0 : i32
        %dma_wait3A_445 = tpu.memref_slice %arg7[%dma_wait3A_444] : memref<8336xf32, #tpu.memory_space<vmem>> -> memref<2064xf32, #tpu.memory_space<vmem>>
        %dma_wait3A_446 = arith.constant 0 : i32
        %dma_wait3A_447 = tpu.memref_slice %arg2[%dma_wait3A_446] : memref<2097152xf32, #tpu.memory_space<hbm>> -> memref<2064xf32, #tpu.memory_space<hbm>>
        %dma_wait3A_448 = arith.constant 0 : i32
        %dma_wait3A_449 = tpu.memref_slice %arg7[%dma_wait3A_448] : memref<8336xf32, #tpu.memory_space<vmem>> -> memref<2064xf32, #tpu.memory_space<vmem>>
        %dma_wait3A_450 = arith.constant 0 : i32
        %dma_wait3A_451 = tpu.memref_slice %arg2[%dma_wait3A_450] : memref<2097152xf32, #tpu.memory_space<hbm>> -> memref<2064xf32, #tpu.memory_space<hbm>>
        tpu.wait_dma2 semaphore(%arg12 : memref<!tpu.dma_semaphore, #tpu.memory_space<semaphore_mem>>) src(%dma_wait3A_451 : memref<2064xf32, #tpu.memory_space<hbm>>) dst(%dma_wait3A_449 : memref<2064xf32, #tpu.memory_space<vmem>>)
      } else {
      }
      %convert_element_type3A_317 = arith.extui %and3A_307 : i1 to i32
      %cond3A_318 = arith.constant 0 : i32
      %cond3A_319 = arith.cmpi ne, %convert_element_type3A_317, %cond3A_318 : i32
      scf.if %cond3A_319 {
        %dma_wait3A_444 = arith.constant 0 : i32
        %dma_wait3A_445 = tpu.memref_slice %arg7[%dma_wait3A_444] : memref<8336xf32, #tpu.memory_space<vmem>> -> memref<4112xf32, #tpu.memory_space<vmem>>
        %dma_wait3A_446 = arith.constant 0 : i32
        %dma_wait3A_447 = tpu.memref_slice %arg2[%dma_wait3A_446] : memref<2097152xf32, #tpu.memory_space<hbm>> -> memref<4112xf32, #tpu.memory_space<hbm>>
        %dma_wait3A_448 = arith.constant 0 : i32
        %dma_wait3A_449 = tpu.memref_slice %arg7[%dma_wait3A_448] : memref<8336xf32, #tpu.memory_space<vmem>> -> memref<4112xf32, #tpu.memory_space<vmem>>
        %dma_wait3A_450 = arith.constant 0 : i32
        %dma_wait3A_451 = tpu.memref_slice %arg2[%dma_wait3A_450] : memref<2097152xf32, #tpu.memory_space<hbm>> -> memref<4112xf32, #tpu.memory_space<hbm>>
        tpu.wait_dma2 semaphore(%arg12 : memref<!tpu.dma_semaphore, #tpu.memory_space<semaphore_mem>>) src(%dma_wait3A_451 : memref<4112xf32, #tpu.memory_space<hbm>>) dst(%dma_wait3A_449 : memref<4112xf32, #tpu.memory_space<vmem>>)
      } else {
      }
      %get3A_320 = arith.index_cast %add3A_65 : i32 to index
      %get3A_321 = tpu.vector_load %arg5[%get3A_320] {strides = array<i32>} : memref<1040xi32, #tpu.memory_space<vmem>>, vector<16xi32>,
      %get3A_322 = vector.shape_cast %get3A_321 : vector<16xi32> to vector<16xi32>
      %slice3A_323 = vector.extract_strided_slice %get3A_322 {offsets = [0], sizes = [1], strides = [1]} : vector<16xi32> to vector<1xi32>
      %squeeze3A_324 = vector.extract %slice3A_323[0] : i32 from vector<1xi32>
      %slice3A_325 = vector.extract_strided_slice %get3A_322 {offsets = [1], sizes = [1], strides = [1]} : vector<16xi32> to vector<1xi32>
      %squeeze3A_326 = vector.extract %slice3A_325[0] : i32 from vector<1xi32>
      %sub3A_327 = arith.subi %squeeze3A_326, %squeeze3A_324 : i32
      %min3A_328 = arith.constant 4096 : i32
      %min3A_329 = arith.minsi %sub3A_327, %min3A_328 : i32
      %shift_right_arithmetic3A_330 = arith.constant 3 : i32
      %shift_right_arithmetic3A_331 = arith.shrsi %squeeze3A_324, %shift_right_arithmetic3A_330 : i32
      %shift_left3A_332 = arith.constant 3 : i32
      %shift_left3A_333 = arith.shli %shift_right_arithmetic3A_331, %shift_left3A_332 : i32
      %le3A_334 = arith.constant 512 : i32
      %le3A_335 = arith.cmpi sle, %min3A_329, %le3A_334 : i32
      %gt3A_336 = arith.constant 512 : i32
      %gt3A_337 = arith.cmpi sgt, %min3A_329, %gt3A_336 : i32
      %le3A_338 = arith.constant 1024 : i32
      %le3A_339 = arith.cmpi sle, %min3A_329, %le3A_338 : i32
      %and3A_340 = arith.andi %gt3A_337, %le3A_339 : i1
      %gt3A_341 = arith.constant 1024 : i32
      %gt3A_342 = arith.cmpi sgt, %min3A_329, %gt3A_341 : i32
      %le3A_343 = arith.constant 2048 : i32
      %le3A_344 = arith.cmpi sle, %min3A_329, %le3A_343 : i32
      %and3A_345 = arith.andi %gt3A_342, %le3A_344 : i1
      %gt3A_346 = arith.constant 2048 : i32
      %gt3A_347 = arith.cmpi sgt, %min3A_329, %gt3A_346 : i32
      %le3A_348 = arith.constant 4096 : i32
      %le3A_349 = arith.cmpi sle, %min3A_329, %le3A_348 : i32
      %and3A_350 = arith.andi %gt3A_347, %le3A_349 : i1
      %min3A_351 = arith.constant 2096624 : i32
      %min3A_352 = arith.minsi %shift_left3A_333, %min3A_351 : i32
      %select_n3A_353 = arith.select %le3A_335, %min3A_352, %shift_left3A_333 : i32
      %min3A_354 = arith.constant 2096112 : i32
      %min3A_355 = arith.minsi %shift_left3A_333, %min3A_354 : i32
      %select_n3A_356 = arith.select %and3A_340, %min3A_355, %select_n3A_353 : i32
      %min3A_357 = arith.constant 2095088 : i32
      %min3A_358 = arith.minsi %shift_left3A_333, %min3A_357 : i32
      %select_n3A_359 = arith.select %and3A_345, %min3A_358, %select_n3A_356 : i32
      %min3A_360 = arith.constant 2093040 : i32
      %min3A_361 = arith.minsi %shift_left3A_333, %min3A_360 : i32
      %select_n3A_362 = arith.select %and3A_350, %min3A_361, %select_n3A_359 : i32
      %sub3A_363 = arith.subi %squeeze3A_324, %select_n3A_362 : i32
      %jit3A_364 = arith.constant 128 : i32
      %div3A_365 = arith.divsi %min3A_329, %jit3A_364 : i32
      %sign3A_366 = arith.constant 0 : i32
      %sign3A_367 = arith.cmpi sgt, %min3A_329, %sign3A_366 : i32
      %sign3A_368 = arith.extui %sign3A_367 : i1 to i32
      %sign3A_369 = arith.constant 0 : i32
      %sign3A_370 = arith.cmpi slt, %min3A_329, %sign3A_369 : i32
      %sign3A_371 = arith.extui %sign3A_370 : i1 to i32
      %sign3A_372 = arith.subi %sign3A_368, %sign3A_371 : i32
      %sign3A_373 = arith.constant 0 : i32
      %sign3A_374 = arith.cmpi sgt, %jit3A_364, %sign3A_373 : i32
      %sign3A_375 = arith.extui %sign3A_374 : i1 to i32
      %sign3A_376 = arith.constant 0 : i32
      %sign3A_377 = arith.cmpi slt, %jit3A_364, %sign3A_376 : i32
      %sign3A_378 = arith.extui %sign3A_377 : i1 to i32
      %sign3A_379 = arith.subi %sign3A_375, %sign3A_378 : i32
      %ne3A_380 = arith.cmpi ne, %sign3A_372, %sign3A_379 : i32
      %rem3A_381 = arith.remsi %min3A_329, %jit3A_364 : i32
      %ne3A_382 = arith.constant 0 : i32
      %ne3A_383 = arith.cmpi ne, %rem3A_381, %ne3A_382 : i32
      %and3A_384 = arith.andi %ne3A_380, %ne3A_383 : i1
      %sub3A_385 = arith.constant 1 : i32
      %sub3A_386 = arith.subi %div3A_365, %sub3A_385 : i32
      %select_n3A_387 = arith.select %and3A_384, %sub3A_386, %div3A_365 : i32
      %add3A_388 = arith.constant 127 : i32
      %add3A_389 = arith.addi %min3A_329, %add3A_388 : i32
      %jit3A_390 = arith.constant 128 : i32
      %div3A_391 = arith.divsi %add3A_389, %jit3A_390 : i32
      %sign3A_392 = arith.constant 0 : i32
      %sign3A_393 = arith.cmpi sgt, %add3A_389, %sign3A_392 : i32
      %sign3A_394 = arith.extui %sign3A_393 : i1 to i32
      %sign3A_395 = arith.constant 0 : i32
      %sign3A_396 = arith.cmpi slt, %add3A_389, %sign3A_395 : i32
      %sign3A_397 = arith.extui %sign3A_396 : i1 to i32
      %sign3A_398 = arith.subi %sign3A_394, %sign3A_397 : i32
      %sign3A_399 = arith.constant 0 : i32
      %sign3A_400 = arith.cmpi sgt, %jit3A_390, %sign3A_399 : i32
      %sign3A_401 = arith.extui %sign3A_400 : i1 to i32
      %sign3A_402 = arith.constant 0 : i32
      %sign3A_403 = arith.cmpi slt, %jit3A_390, %sign3A_402 : i32
      %sign3A_404 = arith.extui %sign3A_403 : i1 to i32
      %sign3A_405 = arith.subi %sign3A_401, %sign3A_404 : i32
      %ne3A_406 = arith.cmpi ne, %sign3A_398, %sign3A_405 : i32
      %rem3A_407 = arith.remsi %add3A_389, %jit3A_390 : i32
      %ne3A_408 = arith.constant 0 : i32
      %ne3A_409 = arith.cmpi ne, %rem3A_407, %ne3A_408 : i32
      %and3A_410 = arith.andi %ne3A_406, %ne3A_409 : i1
      %sub3A_411 = arith.constant 1 : i32
      %sub3A_412 = arith.subi %div3A_391, %sub3A_411 : i32
      %select_n3A_413 = arith.select %and3A_410, %sub3A_412, %div3A_391 : i32
      %while3A_414 = arith.constant 0 : i32
      %while3A_415 = arith.constant 0 : i32
      %while3A_416 = arith.subi %select_n3A_387, %while3A_415 : i32
      %while3A_417 = arith.addi %while3A_415, %while3A_416 : i32
      %while3A_418 = arith.constant 1 : i32
      %while3A_419 = arith.divsi %while3A_416, %while3A_418 : i32
      %while3A_420 = arith.muli %while3A_419, %while3A_418 : i32
      %while3A_421 = arith.addi %while3A_415, %while3A_420 : i32
      %while3A_422 = arith.constant 1 : i32
      scf.for %while3A_444 = %while3A_415 to %while3A_421 step %while3A_422  : i32 {
        %mul3A_445 = arith.constant 128 : i32
        %mul3A_446 = arith.muli %while3A_444, %mul3A_445 : i32
        %add3A_447 = arith.constant 0 : i32
        %add3A_448 = arith.addi %mul3A_446, %add3A_447 : i32
        %add3A_449 = arith.addi %sub3A_363, %add3A_448 : i32
        %get3A_450 = arith.index_cast %add3A_449 : i32 to index
        %get3A_451 = tpu.vector_load %arg7[%get3A_450] {strides = array<i32>} : memref<8336xf32, #tpu.memory_space<vmem>>, vector<16xf32>,
        %get3A_452 = vector.shape_cast %get3A_451 : vector<16xf32> to vector<16xf32>
        %eq3A = arith.cmpf oeq, %get3A_452, %get3A_452 : vector<16xf32>
        %jit3A_453 = arith.constant 0.000000e+00 : f32
        %broadcast_in_dim3A_454 = vector.broadcast %jit3A_453 : f32 to vector<16xf32>
        %select_n3A_455 = arith.select %eq3A, %get3A_452, %broadcast_in_dim3A_454 : vector<16xi1>, vector<16xf32>
        %swap3A = arith.index_cast %add3A_448 : i32 to index
        %swap3A_456 = tpu.vector_load %arg9[%swap3A] {strides = array<i32>} : memref<4096xf32, #tpu.memory_space<vmem>>, vector<16xf32>,
        %swap3A_457 = vector.shape_cast %swap3A_456 : vector<16xf32> to vector<16xf32>
        %swap3A_458 = vector.shape_cast %select_n3A_455 : vector<16xf32> to vector<16xf32>
        tpu.vector_store %arg9[%swap3A], %swap3A_458 {strides = array<i32>} : memref<4096xf32, #tpu.memory_space<vmem>>, vector<16xf32>,
        %add3A_459 = arith.constant 16 : i32
        %add3A_460 = arith.addi %mul3A_446, %add3A_459 : i32
        %add3A_461 = arith.addi %sub3A_363, %add3A_460 : i32
        %get3A_462 = arith.index_cast %add3A_461 : i32 to index
        %get3A_463 = tpu.vector_load %arg7[%get3A_462] {strides = array<i32>} : memref<8336xf32, #tpu.memory_space<vmem>>, vector<16xf32>,
        %get3A_464 = vector.shape_cast %get3A_463 : vector<16xf32> to vector<16xf32>
        %eq3A_465 = arith.cmpf oeq, %get3A_464, %get3A_464 : vector<16xf32>
        %jit3A_466 = arith.constant 0.000000e+00 : f32
        %broadcast_in_dim3A_467 = vector.broadcast %jit3A_466 : f32 to vector<16xf32>
        %select_n3A_468 = arith.select %eq3A_465, %get3A_464, %broadcast_in_dim3A_467 : vector<16xi1>, vector<16xf32>
        %swap3A_469 = arith.index_cast %add3A_460 : i32 to index
        %swap3A_470 = tpu.vector_load %arg9[%swap3A_469] {strides = array<i32>} : memref<4096xf32, #tpu.memory_space<vmem>>, vector<16xf32>,
        %swap3A_471 = vector.shape_cast %swap3A_470 : vector<16xf32> to vector<16xf32>
        %swap3A_472 = vector.shape_cast %select_n3A_468 : vector<16xf32> to vector<16xf32>
        tpu.vector_store %arg9[%swap3A_469], %swap3A_472 {strides = array<i32>} : memref<4096xf32, #tpu.memory_space<vmem>>, vector<16xf32>,
        %add3A_473 = arith.constant 32 : i32
        %add3A_474 = arith.addi %mul3A_446, %add3A_473 : i32
        %add3A_475 = arith.addi %sub3A_363, %add3A_474 : i32
        %get3A_476 = arith.index_cast %add3A_475 : i32 to index
        %get3A_477 = tpu.vector_load %arg7[%get3A_476] {strides = array<i32>} : memref<8336xf32, #tpu.memory_space<vmem>>, vector<16xf32>,
        %get3A_478 = vector.shape_cast %get3A_477 : vector<16xf32> to vector<16xf32>
        %eq3A_479 = arith.cmpf oeq, %get3A_478, %get3A_478 : vector<16xf32>
        %jit3A_480 = arith.constant 0.000000e+00 : f32
        %broadcast_in_dim3A_481 = vector.broadcast %jit3A_480 : f32 to vector<16xf32>
        %select_n3A_482 = arith.select %eq3A_479, %get3A_478, %broadcast_in_dim3A_481 : vector<16xi1>, vector<16xf32>
        %swap3A_483 = arith.index_cast %add3A_474 : i32 to index
        %swap3A_484 = tpu.vector_load %arg9[%swap3A_483] {strides = array<i32>} : memref<4096xf32, #tpu.memory_space<vmem>>, vector<16xf32>,
        %swap3A_485 = vector.shape_cast %swap3A_484 : vector<16xf32> to vector<16xf32>
        %swap3A_486 = vector.shape_cast %select_n3A_482 : vector<16xf32> to vector<16xf32>
        tpu.vector_store %arg9[%swap3A_483], %swap3A_486 {strides = array<i32>} : memref<4096xf32, #tpu.memory_space<vmem>>, vector<16xf32>,
        %add3A_487 = arith.constant 48 : i32
        %add3A_488 = arith.addi %mul3A_446, %add3A_487 : i32
        %add3A_489 = arith.addi %sub3A_363, %add3A_488 : i32
        %get3A_490 = arith.index_cast %add3A_489 : i32 to index
        %get3A_491 = tpu.vector_load %arg7[%get3A_490] {strides = array<i32>} : memref<8336xf32, #tpu.memory_space<vmem>>, vector<16xf32>,
        %get3A_492 = vector.shape_cast %get3A_491 : vector<16xf32> to vector<16xf32>
        %eq3A_493 = arith.cmpf oeq, %get3A_492, %get3A_492 : vector<16xf32>
        %jit3A_494 = arith.constant 0.000000e+00 : f32
        %broadcast_in_dim3A_495 = vector.broadcast %jit3A_494 : f32 to vector<16xf32>
        %select_n3A_496 = arith.select %eq3A_493, %get3A_492, %broadcast_in_dim3A_495 : vector<16xi1>, vector<16xf32>
        %swap3A_497 = arith.index_cast %add3A_488 : i32 to index
        %swap3A_498 = tpu.vector_load %arg9[%swap3A_497] {strides = array<i32>} : memref<4096xf32, #tpu.memory_space<vmem>>, vector<16xf32>,
        %swap3A_499 = vector.shape_cast %swap3A_498 : vector<16xf32> to vector<16xf32>
        %swap3A_500 = vector.shape_cast %select_n3A_496 : vector<16xf32> to vector<16xf32>
        tpu.vector_store %arg9[%swap3A_497], %swap3A_500 {strides = array<i32>} : memref<4096xf32, #tpu.memory_space<vmem>>, vector<16xf32>,
        %add3A_501 = arith.constant 64 : i32
        %add3A_502 = arith.addi %mul3A_446, %add3A_501 : i32
        %add3A_503 = arith.addi %sub3A_363, %add3A_502 : i32
        %get3A_504 = arith.index_cast %add3A_503 : i32 to index
        %get3A_505 = tpu.vector_load %arg7[%get3A_504] {strides = array<i32>} : memref<8336xf32, #tpu.memory_space<vmem>>, vector<16xf32>,
        %get3A_506 = vector.shape_cast %get3A_505 : vector<16xf32> to vector<16xf32>
        %eq3A_507 = arith.cmpf oeq, %get3A_506, %get3A_506 : vector<16xf32>
        %jit3A_508 = arith.constant 0.000000e+00 : f32
        %broadcast_in_dim3A_509 = vector.broadcast %jit3A_508 : f32 to vector<16xf32>
        %select_n3A_510 = arith.select %eq3A_507, %get3A_506, %broadcast_in_dim3A_509 : vector<16xi1>, vector<16xf32>
        %swap3A_511 = arith.index_cast %add3A_502 : i32 to index
        %swap3A_512 = tpu.vector_load %arg9[%swap3A_511] {strides = array<i32>} : memref<4096xf32, #tpu.memory_space<vmem>>, vector<16xf32>,
        %swap3A_513 = vector.shape_cast %swap3A_512 : vector<16xf32> to vector<16xf32>
        %swap3A_514 = vector.shape_cast %select_n3A_510 : vector<16xf32> to vector<16xf32>
        tpu.vector_store %arg9[%swap3A_511], %swap3A_514 {strides = array<i32>} : memref<4096xf32, #tpu.memory_space<vmem>>, vector<16xf32>,
        %add3A_515 = arith.constant 80 : i32
        %add3A_516 = arith.addi %mul3A_446, %add3A_515 : i32
        %add3A_517 = arith.addi %sub3A_363, %add3A_516 : i32
        %get3A_518 = arith.index_cast %add3A_517 : i32 to index
        %get3A_519 = tpu.vector_load %arg7[%get3A_518] {strides = array<i32>} : memref<8336xf32, #tpu.memory_space<vmem>>, vector<16xf32>,
        %get3A_520 = vector.shape_cast %get3A_519 : vector<16xf32> to vector<16xf32>
        %eq3A_521 = arith.cmpf oeq, %get3A_520, %get3A_520 : vector<16xf32>
        %jit3A_522 = arith.constant 0.000000e+00 : f32
        %broadcast_in_dim3A_523 = vector.broadcast %jit3A_522 : f32 to vector<16xf32>
        %select_n3A_524 = arith.select %eq3A_521, %get3A_520, %broadcast_in_dim3A_523 : vector<16xi1>, vector<16xf32>
        %swap3A_525 = arith.index_cast %add3A_516 : i32 to index
        %swap3A_526 = tpu.vector_load %arg9[%swap3A_525] {strides = array<i32>} : memref<4096xf32, #tpu.memory_space<vmem>>, vector<16xf32>,
        %swap3A_527 = vector.shape_cast %swap3A_526 : vector<16xf32> to vector<16xf32>
        %swap3A_528 = vector.shape_cast %select_n3A_524 : vector<16xf32> to vector<16xf32>
        tpu.vector_store %arg9[%swap3A_525], %swap3A_528 {strides = array<i32>} : memref<4096xf32, #tpu.memory_space<vmem>>, vector<16xf32>,
        %add3A_529 = arith.constant 96 : i32
        %add3A_530 = arith.addi %mul3A_446, %add3A_529 : i32
        %add3A_531 = arith.addi %sub3A_363, %add3A_530 : i32
        %get3A_532 = arith.index_cast %add3A_531 : i32 to index
        %get3A_533 = tpu.vector_load %arg7[%get3A_532] {strides = array<i32>} : memref<8336xf32, #tpu.memory_space<vmem>>, vector<16xf32>,
        %get3A_534 = vector.shape_cast %get3A_533 : vector<16xf32> to vector<16xf32>
        %eq3A_535 = arith.cmpf oeq, %get3A_534, %get3A_534 : vector<16xf32>
        %jit3A_536 = arith.constant 0.000000e+00 : f32
        %broadcast_in_dim3A_537 = vector.broadcast %jit3A_536 : f32 to vector<16xf32>
        %select_n3A_538 = arith.select %eq3A_535, %get3A_534, %broadcast_in_dim3A_537 : vector<16xi1>, vector<16xf32>
        %swap3A_539 = arith.index_cast %add3A_530 : i32 to index
        %swap3A_540 = tpu.vector_load %arg9[%swap3A_539] {strides = array<i32>} : memref<4096xf32, #tpu.memory_space<vmem>>, vector<16xf32>,
        %swap3A_541 = vector.shape_cast %swap3A_540 : vector<16xf32> to vector<16xf32>
        %swap3A_542 = vector.shape_cast %select_n3A_538 : vector<16xf32> to vector<16xf32>
        tpu.vector_store %arg9[%swap3A_539], %swap3A_542 {strides = array<i32>} : memref<4096xf32, #tpu.memory_space<vmem>>, vector<16xf32>,
        %add3A_543 = arith.constant 112 : i32
        %add3A_544 = arith.addi %mul3A_446, %add3A_543 : i32
        %add3A_545 = arith.addi %sub3A_363, %add3A_544 : i32
        %get3A_546 = arith.index_cast %add3A_545 : i32 to index
        %get3A_547 = tpu.vector_load %arg7[%get3A_546] {strides = array<i32>} : memref<8336xf32, #tpu.memory_space<vmem>>, vector<16xf32>,
        %get3A_548 = vector.shape_cast %get3A_547 : vector<16xf32> to vector<16xf32>
        %eq3A_549 = arith.cmpf oeq, %get3A_548, %get3A_548 : vector<16xf32>
        %jit3A_550 = arith.constant 0.000000e+00 : f32
        %broadcast_in_dim3A_551 = vector.broadcast %jit3A_550 : f32 to vector<16xf32>
        %select_n3A_552 = arith.select %eq3A_549, %get3A_548, %broadcast_in_dim3A_551 : vector<16xi1>, vector<16xf32>
        %swap3A_553 = arith.index_cast %add3A_544 : i32 to index
        %swap3A_554 = tpu.vector_load %arg9[%swap3A_553] {strides = array<i32>} : memref<4096xf32, #tpu.memory_space<vmem>>, vector<16xf32>,
        %swap3A_555 = vector.shape_cast %swap3A_554 : vector<16xf32> to vector<16xf32>
        %swap3A_556 = vector.shape_cast %select_n3A_552 : vector<16xf32> to vector<16xf32>
        tpu.vector_store %arg9[%swap3A_553], %swap3A_556 {strides = array<i32>} : memref<4096xf32, #tpu.memory_space<vmem>>, vector<16xf32>,
      }
      %while3A_423 = arith.constant 1 : i32
      scf.for %while3A_444 = %while3A_421 to %while3A_417 step %while3A_423  : i32 {
        %mul3A_445 = arith.constant 128 : i32
        %mul3A_446 = arith.muli %while3A_444, %mul3A_445 : i32
        %add3A_447 = arith.constant 0 : i32
        %add3A_448 = arith.addi %mul3A_446, %add3A_447 : i32
        %add3A_449 = arith.addi %sub3A_363, %add3A_448 : i32
        %get3A_450 = arith.index_cast %add3A_449 : i32 to index
        %get3A_451 = tpu.vector_load %arg7[%get3A_450] {strides = array<i32>} : memref<8336xf32, #tpu.memory_space<vmem>>, vector<16xf32>,
        %get3A_452 = vector.shape_cast %get3A_451 : vector<16xf32> to vector<16xf32>
        %eq3A = arith.cmpf oeq, %get3A_452, %get3A_452 : vector<16xf32>
        %jit3A_453 = arith.constant 0.000000e+00 : f32
        %broadcast_in_dim3A_454 = vector.broadcast %jit3A_453 : f32 to vector<16xf32>
        %select_n3A_455 = arith.select %eq3A, %get3A_452, %broadcast_in_dim3A_454 : vector<16xi1>, vector<16xf32>
        %swap3A = arith.index_cast %add3A_448 : i32 to index
        %swap3A_456 = tpu.vector_load %arg9[%swap3A] {strides = array<i32>} : memref<4096xf32, #tpu.memory_space<vmem>>, vector<16xf32>,
        %swap3A_457 = vector.shape_cast %swap3A_456 : vector<16xf32> to vector<16xf32>
        %swap3A_458 = vector.shape_cast %select_n3A_455 : vector<16xf32> to vector<16xf32>
        tpu.vector_store %arg9[%swap3A], %swap3A_458 {strides = array<i32>} : memref<4096xf32, #tpu.memory_space<vmem>>, vector<16xf32>,
        %add3A_459 = arith.constant 16 : i32
        %add3A_460 = arith.addi %mul3A_446, %add3A_459 : i32
        %add3A_461 = arith.addi %sub3A_363, %add3A_460 : i32
        %get3A_462 = arith.index_cast %add3A_461 : i32 to index
        %get3A_463 = tpu.vector_load %arg7[%get3A_462] {strides = array<i32>} : memref<8336xf32, #tpu.memory_space<vmem>>, vector<16xf32>,
        %get3A_464 = vector.shape_cast %get3A_463 : vector<16xf32> to vector<16xf32>
        %eq3A_465 = arith.cmpf oeq, %get3A_464, %get3A_464 : vector<16xf32>
        %jit3A_466 = arith.constant 0.000000e+00 : f32
        %broadcast_in_dim3A_467 = vector.broadcast %jit3A_466 : f32 to vector<16xf32>
        %select_n3A_468 = arith.select %eq3A_465, %get3A_464, %broadcast_in_dim3A_467 : vector<16xi1>, vector<16xf32>
        %swap3A_469 = arith.index_cast %add3A_460 : i32 to index
        %swap3A_470 = tpu.vector_load %arg9[%swap3A_469] {strides = array<i32>} : memref<4096xf32, #tpu.memory_space<vmem>>, vector<16xf32>,
        %swap3A_471 = vector.shape_cast %swap3A_470 : vector<16xf32> to vector<16xf32>
        %swap3A_472 = vector.shape_cast %select_n3A_468 : vector<16xf32> to vector<16xf32>
        tpu.vector_store %arg9[%swap3A_469], %swap3A_472 {strides = array<i32>} : memref<4096xf32, #tpu.memory_space<vmem>>, vector<16xf32>,
        %add3A_473 = arith.constant 32 : i32
        %add3A_474 = arith.addi %mul3A_446, %add3A_473 : i32
        %add3A_475 = arith.addi %sub3A_363, %add3A_474 : i32
        %get3A_476 = arith.index_cast %add3A_475 : i32 to index
        %get3A_477 = tpu.vector_load %arg7[%get3A_476] {strides = array<i32>} : memref<8336xf32, #tpu.memory_space<vmem>>, vector<16xf32>,
        %get3A_478 = vector.shape_cast %get3A_477 : vector<16xf32> to vector<16xf32>
        %eq3A_479 = arith.cmpf oeq, %get3A_478, %get3A_478 : vector<16xf32>
        %jit3A_480 = arith.constant 0.000000e+00 : f32
        %broadcast_in_dim3A_481 = vector.broadcast %jit3A_480 : f32 to vector<16xf32>
        %select_n3A_482 = arith.select %eq3A_479, %get3A_478, %broadcast_in_dim3A_481 : vector<16xi1>, vector<16xf32>
        %swap3A_483 = arith.index_cast %add3A_474 : i32 to index
        %swap3A_484 = tpu.vector_load %arg9[%swap3A_483] {strides = array<i32>} : memref<4096xf32, #tpu.memory_space<vmem>>, vector<16xf32>,
        %swap3A_485 = vector.shape_cast %swap3A_484 : vector<16xf32> to vector<16xf32>
        %swap3A_486 = vector.shape_cast %select_n3A_482 : vector<16xf32> to vector<16xf32>
        tpu.vector_store %arg9[%swap3A_483], %swap3A_486 {strides = array<i32>} : memref<4096xf32, #tpu.memory_space<vmem>>, vector<16xf32>,
        %add3A_487 = arith.constant 48 : i32
        %add3A_488 = arith.addi %mul3A_446, %add3A_487 : i32
        %add3A_489 = arith.addi %sub3A_363, %add3A_488 : i32
        %get3A_490 = arith.index_cast %add3A_489 : i32 to index
        %get3A_491 = tpu.vector_load %arg7[%get3A_490] {strides = array<i32>} : memref<8336xf32, #tpu.memory_space<vmem>>, vector<16xf32>,
        %get3A_492 = vector.shape_cast %get3A_491 : vector<16xf32> to vector<16xf32>
        %eq3A_493 = arith.cmpf oeq, %get3A_492, %get3A_492 : vector<16xf32>
        %jit3A_494 = arith.constant 0.000000e+00 : f32
        %broadcast_in_dim3A_495 = vector.broadcast %jit3A_494 : f32 to vector<16xf32>
        %select_n3A_496 = arith.select %eq3A_493, %get3A_492, %broadcast_in_dim3A_495 : vector<16xi1>, vector<16xf32>
        %swap3A_497 = arith.index_cast %add3A_488 : i32 to index
        %swap3A_498 = tpu.vector_load %arg9[%swap3A_497] {strides = array<i32>} : memref<4096xf32, #tpu.memory_space<vmem>>, vector<16xf32>,
        %swap3A_499 = vector.shape_cast %swap3A_498 : vector<16xf32> to vector<16xf32>
        %swap3A_500 = vector.shape_cast %select_n3A_496 : vector<16xf32> to vector<16xf32>
        tpu.vector_store %arg9[%swap3A_497], %swap3A_500 {strides = array<i32>} : memref<4096xf32, #tpu.memory_space<vmem>>, vector<16xf32>,
        %add3A_501 = arith.constant 64 : i32
        %add3A_502 = arith.addi %mul3A_446, %add3A_501 : i32
        %add3A_503 = arith.addi %sub3A_363, %add3A_502 : i32
        %get3A_504 = arith.index_cast %add3A_503 : i32 to index
        %get3A_505 = tpu.vector_load %arg7[%get3A_504] {strides = array<i32>} : memref<8336xf32, #tpu.memory_space<vmem>>, vector<16xf32>,
        %get3A_506 = vector.shape_cast %get3A_505 : vector<16xf32> to vector<16xf32>
        %eq3A_507 = arith.cmpf oeq, %get3A_506, %get3A_506 : vector<16xf32>
        %jit3A_508 = arith.constant 0.000000e+00 : f32
        %broadcast_in_dim3A_509 = vector.broadcast %jit3A_508 : f32 to vector<16xf32>
        %select_n3A_510 = arith.select %eq3A_507, %get3A_506, %broadcast_in_dim3A_509 : vector<16xi1>, vector<16xf32>
        %swap3A_511 = arith.index_cast %add3A_502 : i32 to index
        %swap3A_512 = tpu.vector_load %arg9[%swap3A_511] {strides = array<i32>} : memref<4096xf32, #tpu.memory_space<vmem>>, vector<16xf32>,
        %swap3A_513 = vector.shape_cast %swap3A_512 : vector<16xf32> to vector<16xf32>
        %swap3A_514 = vector.shape_cast %select_n3A_510 : vector<16xf32> to vector<16xf32>
        tpu.vector_store %arg9[%swap3A_511], %swap3A_514 {strides = array<i32>} : memref<4096xf32, #tpu.memory_space<vmem>>, vector<16xf32>,
        %add3A_515 = arith.constant 80 : i32
        %add3A_516 = arith.addi %mul3A_446, %add3A_515 : i32
        %add3A_517 = arith.addi %sub3A_363, %add3A_516 : i32
        %get3A_518 = arith.index_cast %add3A_517 : i32 to index
        %get3A_519 = tpu.vector_load %arg7[%get3A_518] {strides = array<i32>} : memref<8336xf32, #tpu.memory_space<vmem>>, vector<16xf32>,
        %get3A_520 = vector.shape_cast %get3A_519 : vector<16xf32> to vector<16xf32>
        %eq3A_521 = arith.cmpf oeq, %get3A_520, %get3A_520 : vector<16xf32>
        %jit3A_522 = arith.constant 0.000000e+00 : f32
        %broadcast_in_dim3A_523 = vector.broadcast %jit3A_522 : f32 to vector<16xf32>
        %select_n3A_524 = arith.select %eq3A_521, %get3A_520, %broadcast_in_dim3A_523 : vector<16xi1>, vector<16xf32>
        %swap3A_525 = arith.index_cast %add3A_516 : i32 to index
        %swap3A_526 = tpu.vector_load %arg9[%swap3A_525] {strides = array<i32>} : memref<4096xf32, #tpu.memory_space<vmem>>, vector<16xf32>,
        %swap3A_527 = vector.shape_cast %swap3A_526 : vector<16xf32> to vector<16xf32>
        %swap3A_528 = vector.shape_cast %select_n3A_524 : vector<16xf32> to vector<16xf32>
        tpu.vector_store %arg9[%swap3A_525], %swap3A_528 {strides = array<i32>} : memref<4096xf32, #tpu.memory_space<vmem>>, vector<16xf32>,
        %add3A_529 = arith.constant 96 : i32
        %add3A_530 = arith.addi %mul3A_446, %add3A_529 : i32
        %add3A_531 = arith.addi %sub3A_363, %add3A_530 : i32
        %get3A_532 = arith.index_cast %add3A_531 : i32 to index
        %get3A_533 = tpu.vector_load %arg7[%get3A_532] {strides = array<i32>} : memref<8336xf32, #tpu.memory_space<vmem>>, vector<16xf32>,
        %get3A_534 = vector.shape_cast %get3A_533 : vector<16xf32> to vector<16xf32>
        %eq3A_535 = arith.cmpf oeq, %get3A_534, %get3A_534 : vector<16xf32>
        %jit3A_536 = arith.constant 0.000000e+00 : f32
        %broadcast_in_dim3A_537 = vector.broadcast %jit3A_536 : f32 to vector<16xf32>
        %select_n3A_538 = arith.select %eq3A_535, %get3A_534, %broadcast_in_dim3A_537 : vector<16xi1>, vector<16xf32>
        %swap3A_539 = arith.index_cast %add3A_530 : i32 to index
        %swap3A_540 = tpu.vector_load %arg9[%swap3A_539] {strides = array<i32>} : memref<4096xf32, #tpu.memory_space<vmem>>, vector<16xf32>,
        %swap3A_541 = vector.shape_cast %swap3A_540 : vector<16xf32> to vector<16xf32>
        %swap3A_542 = vector.shape_cast %select_n3A_538 : vector<16xf32> to vector<16xf32>
        tpu.vector_store %arg9[%swap3A_539], %swap3A_542 {strides = array<i32>} : memref<4096xf32, #tpu.memory_space<vmem>>, vector<16xf32>,
        %add3A_543 = arith.constant 112 : i32
        %add3A_544 = arith.addi %mul3A_446, %add3A_543 : i32
        %add3A_545 = arith.addi %sub3A_363, %add3A_544 : i32
        %get3A_546 = arith.index_cast %add3A_545 : i32 to index
        %get3A_547 = tpu.vector_load %arg7[%get3A_546] {strides = array<i32>} : memref<8336xf32, #tpu.memory_space<vmem>>, vector<16xf32>,
        %get3A_548 = vector.shape_cast %get3A_547 : vector<16xf32> to vector<16xf32>
        %eq3A_549 = arith.cmpf oeq, %get3A_548, %get3A_548 : vector<16xf32>
        %jit3A_550 = arith.constant 0.000000e+00 : f32
        %broadcast_in_dim3A_551 = vector.broadcast %jit3A_550 : f32 to vector<16xf32>
        %select_n3A_552 = arith.select %eq3A_549, %get3A_548, %broadcast_in_dim3A_551 : vector<16xi1>, vector<16xf32>
        %swap3A_553 = arith.index_cast %add3A_544 : i32 to index
        %swap3A_554 = tpu.vector_load %arg9[%swap3A_553] {strides = array<i32>} : memref<4096xf32, #tpu.memory_space<vmem>>, vector<16xf32>,
        %swap3A_555 = vector.shape_cast %swap3A_554 : vector<16xf32> to vector<16xf32>
        %swap3A_556 = vector.shape_cast %select_n3A_552 : vector<16xf32> to vector<16xf32>
        tpu.vector_store %arg9[%swap3A_553], %swap3A_556 {strides = array<i32>} : memref<4096xf32, #tpu.memory_space<vmem>>, vector<16xf32>,
      }
      %gt3A_424 = arith.cmpi sgt, %select_n3A_413, %select_n3A_387 : i32
      %convert_element_type3A_425 = arith.extui %gt3A_424 : i1 to i32
      %cond3A_426 = arith.constant 0 : i32
      %cond3A_427 = arith.cmpi ne, %convert_element_type3A_425, %cond3A_426 : i32
      scf.if %cond3A_427 {
        %mul3A_444 = arith.constant 128 : i32
        %mul3A_445 = arith.muli %select_n3A_387, %mul3A_444 : i32
        %add3A_446 = arith.constant 0 : i32
        %add3A_447 = arith.addi %mul3A_445, %add3A_446 : i32
        %add3A_448 = arith.addi %sub3A_363, %add3A_447 : i32
        %get3A_449 = arith.index_cast %add3A_448 : i32 to index
        %get3A_450 = tpu.vector_load %arg7[%get3A_449] {strides = array<i32>} : memref<8336xf32, #tpu.memory_space<vmem>>, vector<16xf32>,
        %get3A_451 = vector.shape_cast %get3A_450 : vector<16xf32> to vector<16xf32>
        %sub3A_452 = arith.subi %min3A_329, %add3A_447 : i32
        %lt3A_453 = vector.broadcast %sub3A_452 : i32 to vector<16xi32>
        %lt3A_454 = arith.cmpi slt, %iota3A, %lt3A_453 : vector<16xi32>
        %eq3A = arith.cmpf oeq, %get3A_451, %get3A_451 : vector<16xf32>
        %and3A_455 = arith.andi %lt3A_454, %eq3A : vector<16xi1>
        %jit3A_456 = arith.constant 0.000000e+00 : f32
        %broadcast_in_dim3A_457 = vector.broadcast %jit3A_456 : f32 to vector<16xf32>
        %select_n3A_458 = arith.select %and3A_455, %get3A_451, %broadcast_in_dim3A_457 : vector<16xi1>, vector<16xf32>
        %swap3A = arith.index_cast %add3A_447 : i32 to index
        %swap3A_459 = tpu.vector_load %arg9[%swap3A] {strides = array<i32>} : memref<4096xf32, #tpu.memory_space<vmem>>, vector<16xf32>,
        %swap3A_460 = vector.shape_cast %swap3A_459 : vector<16xf32> to vector<16xf32>
        %swap3A_461 = vector.shape_cast %select_n3A_458 : vector<16xf32> to vector<16xf32>
        tpu.vector_store %arg9[%swap3A], %swap3A_461 {strides = array<i32>} : memref<4096xf32, #tpu.memory_space<vmem>>, vector<16xf32>,
        %add3A_462 = arith.constant 16 : i32
        %add3A_463 = arith.addi %mul3A_445, %add3A_462 : i32
        %add3A_464 = arith.addi %sub3A_363, %add3A_463 : i32
        %get3A_465 = arith.index_cast %add3A_464 : i32 to index
        %get3A_466 = tpu.vector_load %arg7[%get3A_465] {strides = array<i32>} : memref<8336xf32, #tpu.memory_space<vmem>>, vector<16xf32>,
        %get3A_467 = vector.shape_cast %get3A_466 : vector<16xf32> to vector<16xf32>
        %sub3A_468 = arith.subi %min3A_329, %add3A_463 : i32
        %lt3A_469 = vector.broadcast %sub3A_468 : i32 to vector<16xi32>
        %lt3A_470 = arith.cmpi slt, %iota3A, %lt3A_469 : vector<16xi32>
        %eq3A_471 = arith.cmpf oeq, %get3A_467, %get3A_467 : vector<16xf32>
        %and3A_472 = arith.andi %lt3A_470, %eq3A_471 : vector<16xi1>
        %jit3A_473 = arith.constant 0.000000e+00 : f32
        %broadcast_in_dim3A_474 = vector.broadcast %jit3A_473 : f32 to vector<16xf32>
        %select_n3A_475 = arith.select %and3A_472, %get3A_467, %broadcast_in_dim3A_474 : vector<16xi1>, vector<16xf32>
        %swap3A_476 = arith.index_cast %add3A_463 : i32 to index
        %swap3A_477 = tpu.vector_load %arg9[%swap3A_476] {strides = array<i32>} : memref<4096xf32, #tpu.memory_space<vmem>>, vector<16xf32>,
        %swap3A_478 = vector.shape_cast %swap3A_477 : vector<16xf32> to vector<16xf32>
        %swap3A_479 = vector.shape_cast %select_n3A_475 : vector<16xf32> to vector<16xf32>
        tpu.vector_store %arg9[%swap3A_476], %swap3A_479 {strides = array<i32>} : memref<4096xf32, #tpu.memory_space<vmem>>, vector<16xf32>,
        %add3A_480 = arith.constant 32 : i32
        %add3A_481 = arith.addi %mul3A_445, %add3A_480 : i32
        %add3A_482 = arith.addi %sub3A_363, %add3A_481 : i32
        %get3A_483 = arith.index_cast %add3A_482 : i32 to index
        %get3A_484 = tpu.vector_load %arg7[%get3A_483] {strides = array<i32>} : memref<8336xf32, #tpu.memory_space<vmem>>, vector<16xf32>,
        %get3A_485 = vector.shape_cast %get3A_484 : vector<16xf32> to vector<16xf32>
        %sub3A_486 = arith.subi %min3A_329, %add3A_481 : i32
        %lt3A_487 = vector.broadcast %sub3A_486 : i32 to vector<16xi32>
        %lt3A_488 = arith.cmpi slt, %iota3A, %lt3A_487 : vector<16xi32>
        %eq3A_489 = arith.cmpf oeq, %get3A_485, %get3A_485 : vector<16xf32>
        %and3A_490 = arith.andi %lt3A_488, %eq3A_489 : vector<16xi1>
        %jit3A_491 = arith.constant 0.000000e+00 : f32
        %broadcast_in_dim3A_492 = vector.broadcast %jit3A_491 : f32 to vector<16xf32>
        %select_n3A_493 = arith.select %and3A_490, %get3A_485, %broadcast_in_dim3A_492 : vector<16xi1>, vector<16xf32>
        %swap3A_494 = arith.index_cast %add3A_481 : i32 to index
        %swap3A_495 = tpu.vector_load %arg9[%swap3A_494] {strides = array<i32>} : memref<4096xf32, #tpu.memory_space<vmem>>, vector<16xf32>,
        %swap3A_496 = vector.shape_cast %swap3A_495 : vector<16xf32> to vector<16xf32>
        %swap3A_497 = vector.shape_cast %select_n3A_493 : vector<16xf32> to vector<16xf32>
        tpu.vector_store %arg9[%swap3A_494], %swap3A_497 {strides = array<i32>} : memref<4096xf32, #tpu.memory_space<vmem>>, vector<16xf32>,
        %add3A_498 = arith.constant 48 : i32
        %add3A_499 = arith.addi %mul3A_445, %add3A_498 : i32
        %add3A_500 = arith.addi %sub3A_363, %add3A_499 : i32
        %get3A_501 = arith.index_cast %add3A_500 : i32 to index
        %get3A_502 = tpu.vector_load %arg7[%get3A_501] {strides = array<i32>} : memref<8336xf32, #tpu.memory_space<vmem>>, vector<16xf32>,
        %get3A_503 = vector.shape_cast %get3A_502 : vector<16xf32> to vector<16xf32>
        %sub3A_504 = arith.subi %min3A_329, %add3A_499 : i32
        %lt3A_505 = vector.broadcast %sub3A_504 : i32 to vector<16xi32>
        %lt3A_506 = arith.cmpi slt, %iota3A, %lt3A_505 : vector<16xi32>
        %eq3A_507 = arith.cmpf oeq, %get3A_503, %get3A_503 : vector<16xf32>
        %and3A_508 = arith.andi %lt3A_506, %eq3A_507 : vector<16xi1>
        %jit3A_509 = arith.constant 0.000000e+00 : f32
        %broadcast_in_dim3A_510 = vector.broadcast %jit3A_509 : f32 to vector<16xf32>
        %select_n3A_511 = arith.select %and3A_508, %get3A_503, %broadcast_in_dim3A_510 : vector<16xi1>, vector<16xf32>
        %swap3A_512 = arith.index_cast %add3A_499 : i32 to index
        %swap3A_513 = tpu.vector_load %arg9[%swap3A_512] {strides = array<i32>} : memref<4096xf32, #tpu.memory_space<vmem>>, vector<16xf32>,
        %swap3A_514 = vector.shape_cast %swap3A_513 : vector<16xf32> to vector<16xf32>
        %swap3A_515 = vector.shape_cast %select_n3A_511 : vector<16xf32> to vector<16xf32>
        tpu.vector_store %arg9[%swap3A_512], %swap3A_515 {strides = array<i32>} : memref<4096xf32, #tpu.memory_space<vmem>>, vector<16xf32>,
        %add3A_516 = arith.constant 64 : i32
        %add3A_517 = arith.addi %mul3A_445, %add3A_516 : i32
        %add3A_518 = arith.addi %sub3A_363, %add3A_517 : i32
        %get3A_519 = arith.index_cast %add3A_518 : i32 to index
        %get3A_520 = tpu.vector_load %arg7[%get3A_519] {strides = array<i32>} : memref<8336xf32, #tpu.memory_space<vmem>>, vector<16xf32>,
        %get3A_521 = vector.shape_cast %get3A_520 : vector<16xf32> to vector<16xf32>
        %sub3A_522 = arith.subi %min3A_329, %add3A_517 : i32
        %lt3A_523 = vector.broadcast %sub3A_522 : i32 to vector<16xi32>
        %lt3A_524 = arith.cmpi slt, %iota3A, %lt3A_523 : vector<16xi32>
        %eq3A_525 = arith.cmpf oeq, %get3A_521, %get3A_521 : vector<16xf32>
        %and3A_526 = arith.andi %lt3A_524, %eq3A_525 : vector<16xi1>
        %jit3A_527 = arith.constant 0.000000e+00 : f32
        %broadcast_in_dim3A_528 = vector.broadcast %jit3A_527 : f32 to vector<16xf32>
        %select_n3A_529 = arith.select %and3A_526, %get3A_521, %broadcast_in_dim3A_528 : vector<16xi1>, vector<16xf32>
        %swap3A_530 = arith.index_cast %add3A_517 : i32 to index
        %swap3A_531 = tpu.vector_load %arg9[%swap3A_530] {strides = array<i32>} : memref<4096xf32, #tpu.memory_space<vmem>>, vector<16xf32>,
        %swap3A_532 = vector.shape_cast %swap3A_531 : vector<16xf32> to vector<16xf32>
        %swap3A_533 = vector.shape_cast %select_n3A_529 : vector<16xf32> to vector<16xf32>
        tpu.vector_store %arg9[%swap3A_530], %swap3A_533 {strides = array<i32>} : memref<4096xf32, #tpu.memory_space<vmem>>, vector<16xf32>,
        %add3A_534 = arith.constant 80 : i32
        %add3A_535 = arith.addi %mul3A_445, %add3A_534 : i32
        %add3A_536 = arith.addi %sub3A_363, %add3A_535 : i32
        %get3A_537 = arith.index_cast %add3A_536 : i32 to index
        %get3A_538 = tpu.vector_load %arg7[%get3A_537] {strides = array<i32>} : memref<8336xf32, #tpu.memory_space<vmem>>, vector<16xf32>,
        %get3A_539 = vector.shape_cast %get3A_538 : vector<16xf32> to vector<16xf32>
        %sub3A_540 = arith.subi %min3A_329, %add3A_535 : i32
        %lt3A_541 = vector.broadcast %sub3A_540 : i32 to vector<16xi32>
        %lt3A_542 = arith.cmpi slt, %iota3A, %lt3A_541 : vector<16xi32>
        %eq3A_543 = arith.cmpf oeq, %get3A_539, %get3A_539 : vector<16xf32>
        %and3A_544 = arith.andi %lt3A_542, %eq3A_543 : vector<16xi1>
        %jit3A_545 = arith.constant 0.000000e+00 : f32
        %broadcast_in_dim3A_546 = vector.broadcast %jit3A_545 : f32 to vector<16xf32>
        %select_n3A_547 = arith.select %and3A_544, %get3A_539, %broadcast_in_dim3A_546 : vector<16xi1>, vector<16xf32>
        %swap3A_548 = arith.index_cast %add3A_535 : i32 to index
        %swap3A_549 = tpu.vector_load %arg9[%swap3A_548] {strides = array<i32>} : memref<4096xf32, #tpu.memory_space<vmem>>, vector<16xf32>,
        %swap3A_550 = vector.shape_cast %swap3A_549 : vector<16xf32> to vector<16xf32>
        %swap3A_551 = vector.shape_cast %select_n3A_547 : vector<16xf32> to vector<16xf32>
        tpu.vector_store %arg9[%swap3A_548], %swap3A_551 {strides = array<i32>} : memref<4096xf32, #tpu.memory_space<vmem>>, vector<16xf32>,
        %add3A_552 = arith.constant 96 : i32
        %add3A_553 = arith.addi %mul3A_445, %add3A_552 : i32
        %add3A_554 = arith.addi %sub3A_363, %add3A_553 : i32
        %get3A_555 = arith.index_cast %add3A_554 : i32 to index
        %get3A_556 = tpu.vector_load %arg7[%get3A_555] {strides = array<i32>} : memref<8336xf32, #tpu.memory_space<vmem>>, vector<16xf32>,
        %get3A_557 = vector.shape_cast %get3A_556 : vector<16xf32> to vector<16xf32>
        %sub3A_558 = arith.subi %min3A_329, %add3A_553 : i32
        %lt3A_559 = vector.broadcast %sub3A_558 : i32 to vector<16xi32>
        %lt3A_560 = arith.cmpi slt, %iota3A, %lt3A_559 : vector<16xi32>
        %eq3A_561 = arith.cmpf oeq, %get3A_557, %get3A_557 : vector<16xf32>
        %and3A_562 = arith.andi %lt3A_560, %eq3A_561 : vector<16xi1>
        %jit3A_563 = arith.constant 0.000000e+00 : f32
        %broadcast_in_dim3A_564 = vector.broadcast %jit3A_563 : f32 to vector<16xf32>
        %select_n3A_565 = arith.select %and3A_562, %get3A_557, %broadcast_in_dim3A_564 : vector<16xi1>, vector<16xf32>
        %swap3A_566 = arith.index_cast %add3A_553 : i32 to index
        %swap3A_567 = tpu.vector_load %arg9[%swap3A_566] {strides = array<i32>} : memref<4096xf32, #tpu.memory_space<vmem>>, vector<16xf32>,
        %swap3A_568 = vector.shape_cast %swap3A_567 : vector<16xf32> to vector<16xf32>
        %swap3A_569 = vector.shape_cast %select_n3A_565 : vector<16xf32> to vector<16xf32>
        tpu.vector_store %arg9[%swap3A_566], %swap3A_569 {strides = array<i32>} : memref<4096xf32, #tpu.memory_space<vmem>>, vector<16xf32>,
        %add3A_570 = arith.constant 112 : i32
        %add3A_571 = arith.addi %mul3A_445, %add3A_570 : i32
        %add3A_572 = arith.addi %sub3A_363, %add3A_571 : i32
        %get3A_573 = arith.index_cast %add3A_572 : i32 to index
        %get3A_574 = tpu.vector_load %arg7[%get3A_573] {strides = array<i32>} : memref<8336xf32, #tpu.memory_space<vmem>>, vector<16xf32>,
        %get3A_575 = vector.shape_cast %get3A_574 : vector<16xf32> to vector<16xf32>
        %sub3A_576 = arith.subi %min3A_329, %add3A_571 : i32
        %lt3A_577 = vector.broadcast %sub3A_576 : i32 to vector<16xi32>
        %lt3A_578 = arith.cmpi slt, %iota3A, %lt3A_577 : vector<16xi32>
        %eq3A_579 = arith.cmpf oeq, %get3A_575, %get3A_575 : vector<16xf32>
        %and3A_580 = arith.andi %lt3A_578, %eq3A_579 : vector<16xi1>
        %jit3A_581 = arith.constant 0.000000e+00 : f32
        %broadcast_in_dim3A_582 = vector.broadcast %jit3A_581 : f32 to vector<16xf32>
        %select_n3A_583 = arith.select %and3A_580, %get3A_575, %broadcast_in_dim3A_582 : vector<16xi1>, vector<16xf32>
        %swap3A_584 = arith.index_cast %add3A_571 : i32 to index
        %swap3A_585 = tpu.vector_load %arg9[%swap3A_584] {strides = array<i32>} : memref<4096xf32, #tpu.memory_space<vmem>>, vector<16xf32>,
        %swap3A_586 = vector.shape_cast %swap3A_585 : vector<16xf32> to vector<16xf32>
        %swap3A_587 = vector.shape_cast %select_n3A_583 : vector<16xf32> to vector<16xf32>
        tpu.vector_store %arg9[%swap3A_584], %swap3A_587 {strides = array<i32>} : memref<4096xf32, #tpu.memory_space<vmem>>, vector<16xf32>,
      } else {
      }
      %while3A_428 = arith.constant 0 : i32
      %while3A_429 = arith.constant 32 : i32
      %while3A_430 = arith.subi %while3A_429, %select_n3A_413 : i32
      %while3A_431 = arith.addi %select_n3A_413, %while3A_430 : i32
      %while3A_432 = arith.constant 1 : i32
      %while3A_433 = arith.divsi %while3A_430, %while3A_432 : i32
      %while3A_434 = arith.muli %while3A_433, %while3A_432 : i32
      %while3A_435 = arith.addi %select_n3A_413, %while3A_434 : i32
      %while3A_436 = arith.constant 1 : i32
      scf.for %while3A_444 = %select_n3A_413 to %while3A_435 step %while3A_436  : i32 {
        %mul3A_445 = arith.constant 128 : i32
        %mul3A_446 = arith.muli %while3A_444, %mul3A_445 : i32
        %add3A_447 = arith.constant 0 : i32
        %add3A_448 = arith.addi %mul3A_446, %add3A_447 : i32
        %swap3A = arith.index_cast %add3A_448 : i32 to index
        %swap3A_449 = tpu.vector_load %arg9[%swap3A] {strides = array<i32>} : memref<4096xf32, #tpu.memory_space<vmem>>, vector<16xf32>,
        %swap3A_450 = vector.shape_cast %swap3A_449 : vector<16xf32> to vector<16xf32>
        %swap3A_451 = vector.shape_cast %broadcast_in_dim3A_3 : vector<16xf32> to vector<16xf32>
        tpu.vector_store %arg9[%swap3A], %swap3A_451 {strides = array<i32>} : memref<4096xf32, #tpu.memory_space<vmem>>, vector<16xf32>,
        %add3A_452 = arith.constant 16 : i32
        %add3A_453 = arith.addi %mul3A_446, %add3A_452 : i32
        %swap3A_454 = arith.index_cast %add3A_453 : i32 to index
        %swap3A_455 = tpu.vector_load %arg9[%swap3A_454] {strides = array<i32>} : memref<4096xf32, #tpu.memory_space<vmem>>, vector<16xf32>,
        %swap3A_456 = vector.shape_cast %swap3A_455 : vector<16xf32> to vector<16xf32>
        %swap3A_457 = vector.shape_cast %broadcast_in_dim3A_3 : vector<16xf32> to vector<16xf32>
        tpu.vector_store %arg9[%swap3A_454], %swap3A_457 {strides = array<i32>} : memref<4096xf32, #tpu.memory_space<vmem>>, vector<16xf32>,
        %add3A_458 = arith.constant 32 : i32
        %add3A_459 = arith.addi %mul3A_446, %add3A_458 : i32
        %swap3A_460 = arith.index_cast %add3A_459 : i32 to index
        %swap3A_461 = tpu.vector_load %arg9[%swap3A_460] {strides = array<i32>} : memref<4096xf32, #tpu.memory_space<vmem>>, vector<16xf32>,
        %swap3A_462 = vector.shape_cast %swap3A_461 : vector<16xf32> to vector<16xf32>
        %swap3A_463 = vector.shape_cast %broadcast_in_dim3A_3 : vector<16xf32> to vector<16xf32>
        tpu.vector_store %arg9[%swap3A_460], %swap3A_463 {strides = array<i32>} : memref<4096xf32, #tpu.memory_space<vmem>>, vector<16xf32>,
        %add3A_464 = arith.constant 48 : i32
        %add3A_465 = arith.addi %mul3A_446, %add3A_464 : i32
        %swap3A_466 = arith.index_cast %add3A_465 : i32 to index
        %swap3A_467 = tpu.vector_load %arg9[%swap3A_466] {strides = array<i32>} : memref<4096xf32, #tpu.memory_space<vmem>>, vector<16xf32>,
        %swap3A_468 = vector.shape_cast %swap3A_467 : vector<16xf32> to vector<16xf32>
        %swap3A_469 = vector.shape_cast %broadcast_in_dim3A_3 : vector<16xf32> to vector<16xf32>
        tpu.vector_store %arg9[%swap3A_466], %swap3A_469 {strides = array<i32>} : memref<4096xf32, #tpu.memory_space<vmem>>, vector<16xf32>,
        %add3A_470 = arith.constant 64 : i32
        %add3A_471 = arith.addi %mul3A_446, %add3A_470 : i32
        %swap3A_472 = arith.index_cast %add3A_471 : i32 to index
        %swap3A_473 = tpu.vector_load %arg9[%swap3A_472] {strides = array<i32>} : memref<4096xf32, #tpu.memory_space<vmem>>, vector<16xf32>,
        %swap3A_474 = vector.shape_cast %swap3A_473 : vector<16xf32> to vector<16xf32>
        %swap3A_475 = vector.shape_cast %broadcast_in_dim3A_3 : vector<16xf32> to vector<16xf32>
        tpu.vector_store %arg9[%swap3A_472], %swap3A_475 {strides = array<i32>} : memref<4096xf32, #tpu.memory_space<vmem>>, vector<16xf32>,
        %add3A_476 = arith.constant 80 : i32
        %add3A_477 = arith.addi %mul3A_446, %add3A_476 : i32
        %swap3A_478 = arith.index_cast %add3A_477 : i32 to index
        %swap3A_479 = tpu.vector_load %arg9[%swap3A_478] {strides = array<i32>} : memref<4096xf32, #tpu.memory_space<vmem>>, vector<16xf32>,
        %swap3A_480 = vector.shape_cast %swap3A_479 : vector<16xf32> to vector<16xf32>
        %swap3A_481 = vector.shape_cast %broadcast_in_dim3A_3 : vector<16xf32> to vector<16xf32>
        tpu.vector_store %arg9[%swap3A_478], %swap3A_481 {strides = array<i32>} : memref<4096xf32, #tpu.memory_space<vmem>>, vector<16xf32>,
        %add3A_482 = arith.constant 96 : i32
        %add3A_483 = arith.addi %mul3A_446, %add3A_482 : i32
        %swap3A_484 = arith.index_cast %add3A_483 : i32 to index
        %swap3A_485 = tpu.vector_load %arg9[%swap3A_484] {strides = array<i32>} : memref<4096xf32, #tpu.memory_space<vmem>>, vector<16xf32>,
        %swap3A_486 = vector.shape_cast %swap3A_485 : vector<16xf32> to vector<16xf32>
        %swap3A_487 = vector.shape_cast %broadcast_in_dim3A_3 : vector<16xf32> to vector<16xf32>
        tpu.vector_store %arg9[%swap3A_484], %swap3A_487 {strides = array<i32>} : memref<4096xf32, #tpu.memory_space<vmem>>, vector<16xf32>,
        %add3A_488 = arith.constant 112 : i32
        %add3A_489 = arith.addi %mul3A_446, %add3A_488 : i32
        %swap3A_490 = arith.index_cast %add3A_489 : i32 to index
        %swap3A_491 = tpu.vector_load %arg9[%swap3A_490] {strides = array<i32>} : memref<4096xf32, #tpu.memory_space<vmem>>, vector<16xf32>,
        %swap3A_492 = vector.shape_cast %swap3A_491 : vector<16xf32> to vector<16xf32>
        %swap3A_493 = vector.shape_cast %broadcast_in_dim3A_3 : vector<16xf32> to vector<16xf32>
        tpu.vector_store %arg9[%swap3A_490], %swap3A_493 {strides = array<i32>} : memref<4096xf32, #tpu.memory_space<vmem>>, vector<16xf32>,
      }
      %while3A_437 = arith.constant 1 : i32
      scf.for %while3A_444 = %while3A_435 to %while3A_431 step %while3A_437  : i32 {
        %mul3A_445 = arith.constant 128 : i32
        %mul3A_446 = arith.muli %while3A_444, %mul3A_445 : i32
        %add3A_447 = arith.constant 0 : i32
        %add3A_448 = arith.addi %mul3A_446, %add3A_447 : i32
        %swap3A = arith.index_cast %add3A_448 : i32 to index
        %swap3A_449 = tpu.vector_load %arg9[%swap3A] {strides = array<i32>} : memref<4096xf32, #tpu.memory_space<vmem>>, vector<16xf32>,
        %swap3A_450 = vector.shape_cast %swap3A_449 : vector<16xf32> to vector<16xf32>
        %swap3A_451 = vector.shape_cast %broadcast_in_dim3A_3 : vector<16xf32> to vector<16xf32>
        tpu.vector_store %arg9[%swap3A], %swap3A_451 {strides = array<i32>} : memref<4096xf32, #tpu.memory_space<vmem>>, vector<16xf32>,
        %add3A_452 = arith.constant 16 : i32
        %add3A_453 = arith.addi %mul3A_446, %add3A_452 : i32
        %swap3A_454 = arith.index_cast %add3A_453 : i32 to index
        %swap3A_455 = tpu.vector_load %arg9[%swap3A_454] {strides = array<i32>} : memref<4096xf32, #tpu.memory_space<vmem>>, vector<16xf32>,
        %swap3A_456 = vector.shape_cast %swap3A_455 : vector<16xf32> to vector<16xf32>
        %swap3A_457 = vector.shape_cast %broadcast_in_dim3A_3 : vector<16xf32> to vector<16xf32>
        tpu.vector_store %arg9[%swap3A_454], %swap3A_457 {strides = array<i32>} : memref<4096xf32, #tpu.memory_space<vmem>>, vector<16xf32>,
        %add3A_458 = arith.constant 32 : i32
        %add3A_459 = arith.addi %mul3A_446, %add3A_458 : i32
        %swap3A_460 = arith.index_cast %add3A_459 : i32 to index
        %swap3A_461 = tpu.vector_load %arg9[%swap3A_460] {strides = array<i32>} : memref<4096xf32, #tpu.memory_space<vmem>>, vector<16xf32>,
        %swap3A_462 = vector.shape_cast %swap3A_461 : vector<16xf32> to vector<16xf32>
        %swap3A_463 = vector.shape_cast %broadcast_in_dim3A_3 : vector<16xf32> to vector<16xf32>
        tpu.vector_store %arg9[%swap3A_460], %swap3A_463 {strides = array<i32>} : memref<4096xf32, #tpu.memory_space<vmem>>, vector<16xf32>,
        %add3A_464 = arith.constant 48 : i32
        %add3A_465 = arith.addi %mul3A_446, %add3A_464 : i32
        %swap3A_466 = arith.index_cast %add3A_465 : i32 to index
        %swap3A_467 = tpu.vector_load %arg9[%swap3A_466] {strides = array<i32>} : memref<4096xf32, #tpu.memory_space<vmem>>, vector<16xf32>,
        %swap3A_468 = vector.shape_cast %swap3A_467 : vector<16xf32> to vector<16xf32>
        %swap3A_469 = vector.shape_cast %broadcast_in_dim3A_3 : vector<16xf32> to vector<16xf32>
        tpu.vector_store %arg9[%swap3A_466], %swap3A_469 {strides = array<i32>} : memref<4096xf32, #tpu.memory_space<vmem>>, vector<16xf32>,
        %add3A_470 = arith.constant 64 : i32
        %add3A_471 = arith.addi %mul3A_446, %add3A_470 : i32
        %swap3A_472 = arith.index_cast %add3A_471 : i32 to index
        %swap3A_473 = tpu.vector_load %arg9[%swap3A_472] {strides = array<i32>} : memref<4096xf32, #tpu.memory_space<vmem>>, vector<16xf32>,
        %swap3A_474 = vector.shape_cast %swap3A_473 : vector<16xf32> to vector<16xf32>
        %swap3A_475 = vector.shape_cast %broadcast_in_dim3A_3 : vector<16xf32> to vector<16xf32>
        tpu.vector_store %arg9[%swap3A_472], %swap3A_475 {strides = array<i32>} : memref<4096xf32, #tpu.memory_space<vmem>>, vector<16xf32>,
        %add3A_476 = arith.constant 80 : i32
        %add3A_477 = arith.addi %mul3A_446, %add3A_476 : i32
        %swap3A_478 = arith.index_cast %add3A_477 : i32 to index
        %swap3A_479 = tpu.vector_load %arg9[%swap3A_478] {strides = array<i32>} : memref<4096xf32, #tpu.memory_space<vmem>>, vector<16xf32>,
        %swap3A_480 = vector.shape_cast %swap3A_479 : vector<16xf32> to vector<16xf32>
        %swap3A_481 = vector.shape_cast %broadcast_in_dim3A_3 : vector<16xf32> to vector<16xf32>
        tpu.vector_store %arg9[%swap3A_478], %swap3A_481 {strides = array<i32>} : memref<4096xf32, #tpu.memory_space<vmem>>, vector<16xf32>,
        %add3A_482 = arith.constant 96 : i32
        %add3A_483 = arith.addi %mul3A_446, %add3A_482 : i32
        %swap3A_484 = arith.index_cast %add3A_483 : i32 to index
        %swap3A_485 = tpu.vector_load %arg9[%swap3A_484] {strides = array<i32>} : memref<4096xf32, #tpu.memory_space<vmem>>, vector<16xf32>,
        %swap3A_486 = vector.shape_cast %swap3A_485 : vector<16xf32> to vector<16xf32>
        %swap3A_487 = vector.shape_cast %broadcast_in_dim3A_3 : vector<16xf32> to vector<16xf32>
        tpu.vector_store %arg9[%swap3A_484], %swap3A_487 {strides = array<i32>} : memref<4096xf32, #tpu.memory_space<vmem>>, vector<16xf32>,
        %add3A_488 = arith.constant 112 : i32
        %add3A_489 = arith.addi %mul3A_446, %add3A_488 : i32
        %swap3A_490 = arith.index_cast %add3A_489 : i32 to index
        %swap3A_491 = tpu.vector_load %arg9[%swap3A_490] {strides = array<i32>} : memref<4096xf32, #tpu.memory_space<vmem>>, vector<16xf32>,
        %swap3A_492 = vector.shape_cast %swap3A_491 : vector<16xf32> to vector<16xf32>
        %swap3A_493 = vector.shape_cast %broadcast_in_dim3A_3 : vector<16xf32> to vector<16xf32>
        tpu.vector_store %arg9[%swap3A_490], %swap3A_493 {strides = array<i32>} : memref<4096xf32, #tpu.memory_space<vmem>>, vector<16xf32>,
      }
      %dma_start3A_438 = arith.constant 0 : i32
      %dma_start3A_439 = tpu.memref_slice %arg4[%add3A_65, %dma_start3A_438] : memref<1024x4096xf32, #tpu.memory_space<hbm>> -> memref<1x4096xf32, #tpu.memory_space<hbm>>
      %dma_start3A_440 = tpu.memref_squeeze %dma_start3A_439 : memref<1x4096xf32, #tpu.memory_space<hbm>> -> memref<4096xf32, #tpu.memory_space<hbm>>
      %dma_start3A_441 = arith.constant 0 : i32
      %dma_start3A_442 = tpu.memref_slice %arg4[%add3A_65, %dma_start3A_441] : memref<1024x4096xf32, #tpu.memory_space<hbm>> -> memref<1x4096xf32, #tpu.memory_space<hbm>>
      %dma_start3A_443 = tpu.memref_squeeze %dma_start3A_442 : memref<1x4096xf32, #tpu.memory_space<hbm>> -> memref<4096xf32, #tpu.memory_space<hbm>>
      tpu.enqueue_dma source(%arg9 : memref<4096xf32, #tpu.memory_space<vmem>>) target(%dma_start3A_443 : memref<4096xf32, #tpu.memory_space<hbm>>) target_semaphore(%arg14 : memref<!tpu.dma_semaphore, #tpu.memory_space<semaphore_mem>>)
    }
    %scan3A_45 = arith.constant 16 : i32
    %dma_wait3A_46 = arith.constant 0 : i32
    %dma_wait3A_47 = arith.constant 0 : i32
    %dma_wait3A_48 = tpu.memref_slice %arg4[%dma_wait3A_46, %dma_wait3A_47] : memref<1024x4096xf32, #tpu.memory_space<hbm>> -> memref<1x4096xf32, #tpu.memory_space<hbm>>
    %dma_wait3A_49 = tpu.memref_squeeze %dma_wait3A_48 : memref<1x4096xf32, #tpu.memory_space<hbm>> -> memref<4096xf32, #tpu.memory_space<hbm>>
    %dma_wait3A_50 = arith.constant 0 : i32
    %dma_wait3A_51 = tpu.memref_slice %arg4[%dma_wait3A_46, %dma_wait3A_50] : memref<1024x4096xf32, #tpu.memory_space<hbm>> -> memref<1x4096xf32, #tpu.memory_space<hbm>>
    %dma_wait3A_52 = tpu.memref_squeeze %dma_wait3A_51 : memref<1x4096xf32, #tpu.memory_space<hbm>> -> memref<4096xf32, #tpu.memory_space<hbm>>
    tpu.wait_dma2 semaphore(%arg13 : memref<!tpu.dma_semaphore, #tpu.memory_space<semaphore_mem>>) src(%arg8 : memref<4096xf32, #tpu.memory_space<vmem>>) dst(%dma_wait3A_52 : memref<4096xf32, #tpu.memory_space<hbm>>)
    %dma_wait3A_53 = arith.constant 0 : i32
    %dma_wait3A_54 = arith.constant 0 : i32
    %dma_wait3A_55 = tpu.memref_slice %arg4[%dma_wait3A_53, %dma_wait3A_54] : memref<1024x4096xf32, #tpu.memory_space<hbm>> -> memref<1x4096xf32, #tpu.memory_space<hbm>>
    %dma_wait3A_56 = tpu.memref_squeeze %dma_wait3A_55 : memref<1x4096xf32, #tpu.memory_space<hbm>> -> memref<4096xf32, #tpu.memory_space<hbm>>
    %dma_wait3A_57 = arith.constant 0 : i32
    %dma_wait3A_58 = tpu.memref_slice %arg4[%dma_wait3A_53, %dma_wait3A_57] : memref<1024x4096xf32, #tpu.memory_space<hbm>> -> memref<1x4096xf32, #tpu.memory_space<hbm>>
    %dma_wait3A_59 = tpu.memref_squeeze %dma_wait3A_58 : memref<1x4096xf32, #tpu.memory_space<hbm>> -> memref<4096xf32, #tpu.memory_space<hbm>>
    tpu.wait_dma2 semaphore(%arg14 : memref<!tpu.dma_semaphore, #tpu.memory_space<semaphore_mem>>) src(%arg9 : memref<4096xf32, #tpu.memory_space<vmem>>) dst(%dma_wait3A_59 : memref<4096xf32, #tpu.memory_space<hbm>>)
    return
  }
}

</mosaic_0001>

<sc_bundles>
// kernel: kernel.3.cloned.1.call-start
scs
__scs_entry_jumppad:
0x0: {  	(pc) =	sbr.rel $0x88, $3  }
0x1: {  	(tag) =	ssettag $0x0;
	lr =	simm.s32 $0x1  }
0x2: {  	[smem:$0x3F9F] =	sst lr;
	_ =	strace $0xD0000000  }
0x3: {  	_ = 	snop  }
0x4: {  	_ = 	snop  }
0x5: {  	_ = 	snop  }
0x6: {  	_ = 	snop  }
0x7: {  	_ = 	snop  }
__scs_overlays_trampoline_lowered:
0x8: {  	[smem:$0x3FAE] =	sst s0  }
0x9: {  	[smem:$0x3FAF] =	sst s1  }
0xa: {  	[smem:$0x3FB0] =	sst s2  }
0xb: {  	[smem:$0x3FB1] =	sst s3  }
0xc: {  	[smem:$0x3FB2] =	sst s4  }
0xd: {  	[smem:$0x3FB3] =	sst s5  }
0xe: {  	[smem:$0x3FB4] =	sst s6  }
0xf: {  	[smem:$0x3FB5] =	sst s7  }
0x10: {  	[smem:$0x3FB6] =	sst s8  }
0x11: {  	[smem:$0x3FB7] =	sst s9;
	s0 =	simm.s32 @!p0 $0x0  }
0x12: {  	s1 =	sld [smem:$0x3F9D];
	s0 =	simm.s32 @p0 $0x1  }
0x13: {  	[smem:$0x3FB8] =	sst s0;
	s0 =	simm.s32 @!p1 $0x0  }
0x14: {  	s2 =	sld [smem:$0x3F9C];
	s0 =	simm.s32 @p1 $0x1  }
0x15: {  	[smem:$0x3FB9] =	sst s0;
	s0 =	simm.s32 @!p2 $0x0  }
0x16: {  	s3 =	sld [smem:$0x3FDB];
	s0 =	simm.s32 @p2 $0x1  }
0x17: {  	s4 =	simm.s32 $0x1BF5;
	[smem:$0x3FBB] =	sst s0  }
0x18: {  	s0 =	sld [smem:$0x3F9E];
	_ =	swait.ge [sflag:s4], $0x0  }
0x19: {  	s7 =	sld [smem:$0x3F9F]  }
0x1a: {  	s8 =	sadd.s32 $0xFFFFE003, lr  }
0x1b: {  	s9 =	sadd.s32 $0xFFFFFEF7, lr;
	s5 =	simm.s32 $0xFFFFFFFF;
	p2 =	slt.u32 s8, $0xFFFFF086  }
0x1c: {  	p1 =	slt.u32 s9, $0xF7A;
	s5 =	simm.s32 @!p2 $0x0  }
0x1d: {  	s5 =	simm.s32 @p1 $0x1;
	p0 =	seq.s32 s7, s2  }
0x1e: {  	s7 =	smul.u32 @!p0 $0xF7A, s2;
	p2 =	seq.s32 @!p0 s5, $0x0  }
0x1f: {  	s9 =	smul.u32 $0xF7A, s1;
	s8 =	simm.s32 @!p0 $0x1BF5;
	p2 =	por !p2, p0  }
0x20: {  	[sflag:s8] =	ssyncset.s32 @!p0 $0xFFFFF086;
	s6 =	sadd.s32 @!p0 s3, s7;
	s7 =	simm.s32 @!p0 $0x108  }
0x21: {  	s3 =	sadd.s32 s3, s9;
	s6 =	sadd.s32 @!p0 $0x88, s6;
	s7 =	simm.s32 @p2 $0x1082  }
0x22: {  	[simem:s7], [sflag:s8] =	dma.local @!p0 [hbm:s6], $0xF7A  }
0x23: {  	s9 =	sor.u32 $0xD0000000, s2;
	s6 =	simm.s32 $0x108;
	_ =	swait.ge @!p0 [sflag:s8], $0x0  }
0x24: {  	s3 =	sadd.s32 $0x88, s3;
	s6 =	simm.s32 @!p1 $0x1082;
	[sflag:s4] =	ssyncset.s32 $0xFFFFF086  }
0x25: {  	[simem:s6], [sflag:s4] =	dma.local [hbm:s3], $0xF7A  }
0x26: {  	[smem:$0x3F9F] =	sst s1;
	(tag) =	ssettag s2;
	_ =	strace s9  }
0x27: {  	s1 =	sld [smem:$0x3FAF]  }
0x28: {  	s2 =	sld [smem:$0x3FB0]  }
0x29: {  	s4 =	sld [smem:$0x3FB2]  }
0x2a: {  	p0 =	seq.s32 s5, $0x0;
	s5 =	sld [smem:$0x3FB3]  }
0x2b: {  	s6 =	sld [smem:$0x3FB4]  }
0x2c: {  	s7 =	sld [smem:$0x3FB5]  }
0x2d: {  	s3 =	simm.s32 $0x108;
	s8 =	sld [smem:$0x3FB6]  }
0x2e: {  	s3 =	simm.s32 @!p0 $0x1082;
	s9 =	sld [smem:$0x3FB7]  }
0x2f: {  	lr =	sadd.s32 s0, s3;
	s0 =	sld [smem:$0x3FAE]  }
0x30: {  	s3 =	sld [smem:$0x3FB1]  }
0x31: {  	[smem:$0x3FBA] =	sst s10  }
0x32: {  	s10 =	sld [smem:$0x3FB8];
	_ =	sdelay $0x3  }
0x33: {  	p0 =	seq.s32 s10, $0x1;
	s10 =	sld [smem:$0x3FBA];
	_ =	sdelay $0x3  }
0x34: {  	[smem:$0x3FBA] =	sst s10  }
0x35: {  	s10 =	sld [smem:$0x3FB9];
	_ =	sdelay $0x3  }
0x36: {  	p1 =	seq.s32 s10, $0x1;
	s10 =	sld [smem:$0x3FBA];
	_ =	sdelay $0x3  }
0x37: {  	[smem:$0x3FBA] =	sst s10  }
0x38: {  	s10 =	sld [smem:$0x3FBB]  }
0x39: {  	_ = 	snop;
	(pc) =	sbr.ind lr, $3  }
0x3a: {  	_ = 	snop  }
0x3b: {  	_ = 	snop  }
0x3c: {  	p2 =	seq.s32 s10, $0x1;
	s10 =	sld [smem:$0x3FBA]  }
0x3d: {  	_ =	shalt  }
0x3e: {  	_ =	shalt  }
0x3f: {  	_ =	shalt  }
0x40: {  	_ =	shalt  }
0x41: {  	_ =	shalt  }
0x42: {  	_ =	shalt  }
0x43: {  	_ =	shalt  }
0x44: {  	_ =	shalt  }
0x45: {  	_ =	shalt  }
0x46: {  	_ =	shalt  }
0x47: {  	_ =	shalt  }
0x48: {  	_ =	shalt  }
0x49: {  	_ =	shalt  }
0x4a: {  	_ =	shalt  }
0x4b: {  	_ =	shalt  }
0x4c: {  	_ =	shalt  }
0x4d: {  	_ =	shalt  }
0x4e: {  	_ =	shalt  }
0x4f: {  	_ =	shalt  }
0x50: {  	_ =	shalt  }
0x51: {  	_ =	shalt  }
0x52: {  	_ =	shalt  }
0x53: {  	_ =	shalt  }
0x54: {  	_ =	shalt  }
0x55: {  	_ =	shalt  }
0x56: {  	_ =	shalt  }
0x57: {  	_ =	shalt  }
0x58: {  	_ =	shalt  }
0x59: {  	_ =	shalt  }
0x5a: {  	_ =	shalt  }
0x5b: {  	_ =	shalt  }
0x5c: {  	_ =	shalt  }
0x5d: {  	_ =	shalt  }
0x5e: {  	_ =	shalt  }
0x5f: {  	_ =	shalt  }
0x60: {  	_ =	shalt  }
0x61: {  	_ =	shalt  }
0x62: {  	_ =	shalt  }
0x63: {  	_ =	shalt  }
0x64: {  	_ =	shalt  }
0x65: {  	_ =	shalt  }
0x66: {  	_ =	shalt  }
0x67: {  	_ =	shalt  }
0x68: {  	_ =	shalt  }
0x69: {  	_ =	shalt  }
0x6a: {  	_ =	shalt  }
0x6b: {  	_ =	shalt  }
0x6c: {  	_ =	shalt  }
0x6d: {  	_ =	shalt  }
0x6e: {  	_ =	shalt  }
0x6f: {  	_ =	shalt  }
0x70: {  	_ =	shalt  }
0x71: {  	_ =	shalt  }
0x72: {  	_ =	shalt  }
0x73: {  	_ =	shalt  }
0x74: {  	_ =	shalt  }
0x75: {  	_ =	shalt  }
0x76: {  	_ =	shalt  }
0x77: {  	_ =	shalt  }
0x78: {  	_ =	shalt  }
0x79: {  	_ =	shalt  }
0x7a: {  	_ =	shalt  }
0x7b: {  	_ =	shalt  }
0x7c: {  	_ =	shalt  }
0x7d: {  	_ =	shalt  }
0x7e: {  	_ =	shalt  }
0x7f: {  	_ =	shalt  }
0x80: {  	_ =	shalt  }
0x81: {  	_ =	shalt  }
0x82: {  	_ =	shalt  }
0x83: {  	_ =	shalt  }
0x84: {  	_ =	shalt  }
0x85: {  	_ =	shalt  }
0x86: {  	_ =	shalt  }
0x87: {  	_ =	shalt  }
.Lfunc_end0:
.L_simem_size_0:
called_computation_lowered:
.L_overlay_start_0:
0x88: {  	s2 =	sld [smem:$0x3FD9]  }
0x89: {  	s3 =	sld [smem:$0x3FFE];
	_ =	sdelay $0x1  }
0x8a: {  	s1 =	srdreg.scid  }
0x8b: {  	s0 =	sand.u32 $0x1, s1  }
0x8c: {  	s18 =	sshll.u32 s0, $0xA;
	s2 =	sadd.s32 s3, s2  }
0x8d: {  	s2 =	sadd.s32 s2, s18  }
0x8e: {  	[smem:$0x3FC6] =	sst s2  }
0x8f: {  	_ = 	snop  }
0x90: {  	s2 =	sld [smem:$0x3FC9]  }
0x91: {  	s19 =	sld [smem:$0x3FC8]  }
0x92: {  	s4 =	sld [smem:$0x3FD0];
	(tm) =	ssettm $0x1  }
0x93: {  	s5 =	sld [smem:$0x3FFB];
	_ =	sdelay $0x3  }
0x94: {  	_ =	strace s5  }
0x95: {  	s5 =	sld [smem:$0x3FFC];
	_ =	sdelay $0x3  }
0x96: {  	_ =	strace s5  }
0x97: {  	s5 =	sld [smem:$0x3FFD];
	_ =	sdelay $0x3  }
0x98: {  	_ =	strace s5  }
0x99: {  	_ =	strace $0x8FFFFFFF  }
0x9a: {  	s20 =	sld [smem:$0x3FDB];
	_ =	sdelay $0x1  }
0x9b: {  	s6 =	simm.s32 $_scs_section_size  }
0x9c: {  	s7 =	simm.s32 $_size__tile_overlayer_lowered;
	s8 =	simm.s32 $_tile_overlayer_lowered  }
0x9d: {  	s23 =	simm.s32 $0x1BFF;
	s22 =	sshll.u32 s8, $0x1;
	s5 =	sadd.s32 s6, s20  }
0x9e: {  	s9 =	simm.s32 $0x0;
	s21 =	sshll.u32 s7, $0x1;
	s7 =	sadd.s32 s22, s5  }
0x9f: {  	[timem:s9], [sflag:s23] =	dma.local [hbm:s7], s21  }
0xa0: {  	_ =	swait.ge [sflag:s23], s21  }
0xa1: {  	s6 =	ssub.s32 $0x0, s21;
	[sflag:s23] =	ssyncset.done $0x0  }
0xa2: {  	[sflag:s23] =	ssyncadd.s32 s6;
	_ =	sdelay $0x1  }
0xa3: {  	s24 =	simm.s32 $0x1B8B  }
0xa4: {  	_ =	swait.ge [sflag:s24], $0x1  }
0xa5: {  	[sflag:s24] =	ssyncset.done $0x0  }
0xa6: {  	s25 =	simm.s32 $0x1B8E;
	[sflag:s24] =	ssyncadd.s32 $0xFFFFFFFF  }
0xa7: {  	s26 =	simm.s32 $execute0_lowered;
	[smem:$0x3FD2] =	sst s25  }
0xa8: {  	s6 =	sshll.u32 s26, $0x1;
	_ =	strace $0x80000046;
	[dreg:$0x1] =	wrdreg $0xFFFFFFFF  }
0xa9: {  	s28 =	simm.s32 $_size_execute0_lowered;
	s5 =	sadd.s32 s5, s6;
	[dreg:$0x0] =	wrdreg $0x0  }
0xaa: {  	s6 =	sshll.u32 s28, $0x1;
	[dreg:$0x2] =	wrdreg s5  }
0xab: {  	[dreg:$0x3] =	wrdreg s6  }
0xac: {  	[dreg:$0x4] =	wrdreg $0xC0  }
0xad: {  	_ =	task [dreg:s9], $0x5FFFF  }
0xae: {  	[dreg:$0x1] =	wrdreg $0xFFFFFFFF  }
0xaf: {  	[dreg:$0x0] =	wrdreg $0x60  }
0xb0: {  	[dreg:$0x2] =	wrdreg s2  }
0xb1: {  	[dreg:$0x3] =	wrdreg s19  }
0xb2: {  	[dreg:$0x4] =	wrdreg s4  }
0xb3: {  	[dreg:$0x5] =	wrdreg $0x9  }
0xb4: {  	_ =	task.clear_ibuf [dreg:s9], $0x6FFFF;
	_ =	strace $0x90000046  }
0xb5: {  	s29 =	simm.s32 $0x9;
	_ =	strace $0x80000048  }
0xb6: {  	_ =	swait.ge [sflag:s29], $0x1  }
0xb7: {  	[sflag:s29] =	ssyncadd.s32 $0xFFFFFFFF  }
0xb8: {  	_ =	strace $0x90000048  }
0xb9: {  	_ =	sfence  }
0xba: {  	s30 =	sld [smem:$0x0];
	_ =	sdelay $0x2  }
0xbb: {  	s31 =	sshll.u32 s1, $0xD;
	s1 =	sshrl.u32 s1, $0x2  }
0xbc: {  	s3 =	sand.u32 $0x4000, s31;
	s1 =	sadd.s32 s1, s30  }
0xbd: {  	s0 =	sor.u32 s3, s0;
	s1 =	sshll.u32 s1, $0x11  }
0xbe: {  	s0 =	sor.u32 s1, s0  }
0xbf: {  	s0 =	sadd.s32 $0x8F2B, s0  }
0xc0: {  	[sflag:s0] =	ssyncadd.remote.s32 $0x1  }
0xc1: {  	_ =	sfence.sel $0xFFFF  }
0xc2: {  	[dreg:$0x0] =	wrdreg $0xFFFFFFFF;
	(pc) =	sbr.abs _section_cstart, $3  }
0xc3: {  	[dreg:$0x1] =	wrdreg $0xFFFFFFFF  }
0xc4: {  	_ =	task.clear_ibuf [dreg:s9], $0x2FFFF;
	_ =	strace $0x9FFFFFFF  }
0xc5: {  	(tm) =	ssettm $0x7FFFFFFF  }
tec
execute0_lowered:
.L_overlay_start_1:
0x0: {  	(tag) =	ssettag $0x1  }
0x1: {  	s1 =	rddreg [dreg:$0x0]  }
0x2: {  	s2 =	rddreg [dreg:$0x1]  }
0x3: {  	s3 =	rddreg [dreg:$0x2]  }
0x4: {  	s4 =	srdreg.scid;
	s0 =	rddreg [dreg:$0x3]  }
0x5: {  	s5 =	simm.s32 $0x0;
	s10 =	simm.s32 $0x400;
	s11 =	simm.s32 $0x4680  }
0x6: {  	s12 =	simm.s32 $0x5680;
	s13 =	simm.s32 $0x4;
	s14 =	simm.s32 $0x5  }
.Ltmp0:
0x7: {  	s15 =	simm.s32 $0x0;
	s6 =	sand.u32 $0x1, s4;
	(pc) =	sbr.rel .LBB2_1-.Ltmp0, $4  }
0x8: {  	[smem:$0x7FF] =	sst s5;
	s4 =	stileid.u32;
	s7 =	ssub.s32 $0x2, s6  }
0x9: {  	s9 =	sshll.u32 s4, $0x6;
	s6 =	sshll.u32 s6, $0x5;
	s8 =	sshrl.u32 s7, $0x1  }
0xa: {  	vm0 =	vmmov $0xffff;
	_ =	strace $0x80000047;
	s6 =	sor.u32 s6, s9;
	s7 =	ssub.s32 s7, s8  }
0xb: {  	v0 =	vlaneseq.u32;
	v1 =	vimm.f32 $0.0e+00;
	s9 =	simm.s32 $0x80;
	s8 =	simm.s32 $0x1;
	v2 =	vmov s6;
	s7 =	smax.u32 s7, $0x1  }
.LBB2_31:
0xc: {  	s15 =	sadd.s32 $0x1, s15  }
0xd: {  	_ =	swait.ge [sflag:s13], $0x1000;
	p0 =	sne.s32 s15, s7  }
.Ltmp1:
0xe: {  	[sflag:s13] =	ssyncset.done $0x0;
	(pc) =	sbr.rel @!p0 .LBB2_32-.Ltmp1, $4  }
0xf: {  	[sflag:s13] =	ssyncadd.s32 $0xFFFFF000  }
0x10: {  	_ =	swait.ge [sflag:s14], $0x1000  }
0x11: {  	[sflag:s14] =	ssyncset.done $0x0  }
0x12: {  	[sflag:s14] =	ssyncadd.s32 $0xFFFFF000  }
.LBB2_1:
0x13: {  	[tilespmem:s5], [sflag:$0x1] =	stream.linear.gather [hbm4b:s2+s5], $0x401, $0x38;
	[tilespmem:$0x6680] =	vst v63  }
0x14: {  	_ =	swait.ge [sflag:s8], $0x401  }
0x15: {  	[sflag:s8] =	ssyncset.done $0x0  }
0x16: {  	[sflag:s8] =	ssyncadd.s32 $0xFFFFFBFF  }
0x17: {  	v3 =	vld [tilespmem:s6+$0x0];
	_ =	sdelay $0x4  }
0x18: {  	(v2sf) =	vpush v3, $0x0  }
0x19: {  	(v2sf) =	vpush v3, $0x1;
	_ =	sdelay $0xd  }
0x1a: {  	s16 =	spop (v2sf)  }
0x1b: {  	s17 =	spop (v2sf)  }
0x1c: {  	s17 =	ssub.s32 s17, s16  }
0x1d: {  	p0 =	sgt.s32 s17, $0x200  }
0x1e: {  	p1 =	slt.u32 @p0 s17, $0x401  }
0x1f: {  	s16 =	sand.u32 $0xFFFFFFF8, s16;
	p2 =	por !p1, !p0  }
0x20: {  	p3 =	slt.s32 @!p2 s16, $0x1FFBF0  }
0x21: {  	p3 =	por @p0 !p3, !p1  }
0x22: {  	s18 =	smov.u32 s16;
	p3 =	por !p3, !p0  }
0x23: {  	s18 =	simm.s32 @!p3 $0x1FFBF0  }
0x24: {  	s18 =	sshrl.u32 @!p2 s18, $0x3  }
0x25: {  	s19 =	simm.s32 @!p2 $0x0;
	s20 =	simm.s32 @!p2 $0x480;
	s18 =	sadd.s32 @!p2 s1, s18  }
0x26: {  	[tilespmem:s20], [sflag:$0x2] =	stream.linear.gather @!p2 [hbm4b:s18+s19], $0x410, $0x38;
	[tilespmem:$0x6680] =	vst v63  }
0x27: {  	s17 =	sadd.s32 $0xFFFFFBFF, s17;
	p2 =	por p1, !p0  }
0x28: {  	p3 =	sgt.u32 @!p2 s17, $0x3FF  }
0x29: {  	p4 =	por @p0 !p3, p1  }
0x2a: {  	p4 =	por p4, !p0  }
0x2b: {  	p5 =	slt.s32 @!p4 s16, $0x1FEFF0  }
0x2c: {  	p5 =	por @!p2 !p5, !p3  }
0x2d: {  	p5 =	por @p0 !p5, p1  }
0x2e: {  	s17 =	smov.u32 s16;
	p5 =	por !p5, !p0  }
0x2f: {  	s17 =	simm.s32 @p5 $0x1FEFF0  }
0x30: {  	s17 =	sshrl.u32 @!p4 s17, $0x3  }
0x31: {  	s18 =	simm.s32 @!p4 $0x0;
	s19 =	simm.s32 @!p4 $0x480;
	s17 =	sadd.s32 @!p4 s1, s17  }
0x32: {  	[tilespmem:s19], [sflag:$0x2] =	stream.linear.gather @!p4 [hbm4b:s17+s18], $0x1010, $0x38;
	[tilespmem:$0x6680] =	vst v63  }
0x33: {  	p4 =	por @p0 p3, p1  }
0x34: {  	p4 =	por p4, !p0  }
0x35: {  	p5 =	slt.s32 @!p4 s16, $0x1FF7F0  }
0x36: {  	p2 =	por @!p2 !p5, p3  }
0x37: {  	p1 =	por @p0 !p2, p1  }
0x38: {  	s17 =	smov.u32 s16;
	p1 =	por !p1, !p0  }
0x39: {  	s17 =	simm.s32 @p1 $0x1FF7F0  }
0x3a: {  	s18 =	simm.s32 @!p4 $0x0;
	p1 =	slt.s32 @!p0 s16, $0x1FFDF0;
	s17 =	sshrl.u32 @!p4 s17, $0x3  }
0x3b: {  	s19 =	simm.s32 @!p4 $0x480;
	p1 =	por !p1, p0;
	s17 =	sadd.s32 @!p4 s1, s17  }
0x3c: {  	[tilespmem:s19], [sflag:$0x2] =	stream.linear.gather @!p4 [hbm4b:s17+s18], $0x810, $0x38;
	[tilespmem:$0x6680] =	vst v63  }
.Ltmp2:
0x3d: {  	s16 =	simm.s32 @p1 $0x1FFDF0;
	(pc) =	sbr.rel .LBB2_2-.Ltmp2, $4  }
0x3e: {  	s16 =	sshrl.u32 @!p0 s16, $0x3  }
0x3f: {  	s17 =	simm.s32 @!p0 $0x0;
	s18 =	simm.s32 @!p0 $0x480;
	s16 =	sadd.s32 @!p0 s1, s16  }
0x40: {  	[tilespmem:s18], [sflag:$0x2] =	stream.linear.gather @!p0 [hbm4b:s16+s17], $0x210, $0x38;
	[tilespmem:$0x6680] =	vst v63  }
0x41: {  	s16 =	simm.s32 $0x0  }
.LBB2_29:
0x42: {  	[tilespmem:s19+$0xFFFFFFD0] =	vst v1  }
.LBB2_30:
0x43: {  	s16 =	sadd.s32 $0x1, s16  }
0x44: {  	p0 =	sne.s32 s16, $0x10  }
.Ltmp3:
0x45: {  	_ = 	snop;
	(pc) =	sbr.rel @!p0 .LBB2_31-.Ltmp3, $4  }
0x46: {  	s18 =	sadd.s32 s18, s3  }
0x47: {  	s17 =	sadd.s32 s17, s18  }
0x48: {  	s17 =	sadd.s32 $0x10, s17  }
0x49: {  	[hbm4b:s17+s9] =	stream.strided.scatter [tilespmem:s12], [sflag:$0x5], $0x1000, s10, s9, $0x38;
	[tilespmem:$0x6680] =	vst v63  }
.LBB2_2:
0x4a: {  	_ =	sdelay $0x2  }
0x4b: {  	s19 =	sshll.u32 s16, $0x1  }
0x4c: {  	v3 =	vld.idx.msk [tilespmem:v2+s19+$0x1 ss:$0x1], $0xffff;
	_ =	sdelay $0x4  }
0x4d: {  	(v2sf) =	vpush v3, $0x0  }
0x4e: {  	(v2sf) =	vpush v3, $0x1;
	_ =	sdelay $0xd  }
0x4f: {  	s17 =	spop (v2sf)  }
0x50: {  	s18 =	spop (v2sf)  }
0x51: {  	s18 =	ssub.s32 s18, s17  }
0x52: {  	p0 =	sgt.s32 s18, $0x200  }
0x53: {  	p1 =	slt.u32 @p0 s18, $0x401  }
0x54: {  	s17 =	sand.u32 $0xFFFFFFF8, s17;
	p2 =	por !p1, !p0  }
0x55: {  	p3 =	slt.s32 @!p2 s17, $0x1FFBF0  }
0x56: {  	p3 =	por @p0 !p3, !p1  }
0x57: {  	s20 =	smov.u32 s17;
	p3 =	por !p3, !p0  }
0x58: {  	s20 =	simm.s32 @!p3 $0x1FFBF0  }
0x59: {  	s20 =	sshrl.u32 @!p2 s20, $0x3  }
0x5a: {  	s21 =	simm.s32 @!p2 $0x0;
	s22 =	simm.s32 @!p2 $0x2580;
	s20 =	sadd.s32 @!p2 s1, s20  }
0x5b: {  	[tilespmem:s22], [sflag:$0x3] =	stream.linear.gather @!p2 [hbm4b:s20+s21], $0x410, $0x38;
	[tilespmem:$0x6680] =	vst v63  }
0x5c: {  	s18 =	sadd.s32 $0xFFFFFBFF, s18;
	p2 =	por p1, !p0  }
0x5d: {  	p3 =	sgt.u32 @!p2 s18, $0x3FF  }
0x5e: {  	p4 =	por @p0 !p3, p1  }
0x5f: {  	p4 =	por p4, !p0  }
0x60: {  	p5 =	slt.s32 @!p4 s17, $0x1FEFF0  }
0x61: {  	p5 =	por @!p2 !p5, !p3  }
0x62: {  	p5 =	por @p0 !p5, p1  }
0x63: {  	s18 =	smov.u32 s17;
	p5 =	por !p5, !p0  }
0x64: {  	s18 =	simm.s32 @p5 $0x1FEFF0  }
0x65: {  	s18 =	sshrl.u32 @!p4 s18, $0x3  }
0x66: {  	s20 =	simm.s32 @!p4 $0x0;
	s21 =	simm.s32 @!p4 $0x2580;
	s18 =	sadd.s32 @!p4 s1, s18  }
0x67: {  	[tilespmem:s21], [sflag:$0x3] =	stream.linear.gather @!p4 [hbm4b:s18+s20], $0x1010, $0x38;
	[tilespmem:$0x6680] =	vst v63  }
0x68: {  	p4 =	por @p0 p3, p1  }
0x69: {  	p4 =	por p4, !p0  }
0x6a: {  	p5 =	slt.s32 @!p4 s17, $0x1FF7F0  }
0x6b: {  	p2 =	por @!p2 !p5, p3  }
0x6c: {  	p1 =	por @p0 !p2, p1  }
0x6d: {  	s18 =	smov.u32 s17;
	p1 =	por !p1, !p0  }
0x6e: {  	s18 =	simm.s32 @p1 $0x1FF7F0;
	p1 =	slt.s32 @!p0 s17, $0x1FFDF0  }
0x6f: {  	s20 =	simm.s32 @!p4 $0x0;
	s18 =	sshrl.u32 @!p4 s18, $0x3;
	p1 =	por !p1, p0  }
0x70: {  	s21 =	simm.s32 @!p4 $0x2580;
	s18 =	sadd.s32 @!p4 s1, s18;
	s17 =	simm.s32 @p1 $0x1FFDF0  }
0x71: {  	[tilespmem:s21], [sflag:$0x3] =	stream.linear.gather @!p4 [hbm4b:s18+s20], $0x810, $0x38;
	[tilespmem:$0x6680] =	vst v63  }
0x72: {  	s17 =	sshrl.u32 @!p0 s17, $0x3  }
0x73: {  	s18 =	simm.s32 @!p0 $0x0;
	s20 =	simm.s32 @!p0 $0x2580;
	s17 =	sadd.s32 @!p0 s1, s17  }
0x74: {  	[tilespmem:s20], [sflag:$0x3] =	stream.linear.gather @!p0 [hbm4b:s17+s18], $0x210, $0x38;
	[tilespmem:$0x6680] =	vst v63  }
0x75: {  	p0 =	seq.s32 s16, $0x0  }
0x76: {  	s17 =	simm.s32 @!p0 $0x4  }
0x77: {  	_ =	swait.ge @!p0 [sflag:s17], $0x1000  }
0x78: {  	[sflag:s17] =	ssyncset.done @!p0 $0x0  }
0x79: {  	[sflag:s17] =	ssyncadd.s32 @!p0 $0xFFFFF000;
	s17 =	simm.s32 @!p0 $0x5  }
0x7a: {  	_ =	swait.ge @!p0 [sflag:s17], $0x1000  }
0x7b: {  	[sflag:s17] =	ssyncset.done @!p0 $0x0  }
0x7c: {  	[sflag:s17] =	ssyncadd.s32 @!p0 $0xFFFFF000  }
0x7d: {  	v3 =	vld.idx.msk [tilespmem:v2+s19+$0x0 ss:$0x1], $0xffff;
	_ =	sdelay $0x4  }
0x7e: {  	(v2sf) =	vpush v3, $0x0  }
0x7f: {  	(v2sf) =	vpush v3, $0x1;
	_ =	sdelay $0xd  }
0x80: {  	s18 =	spop (v2sf)  }
0x81: {  	s28 =	spop (v2sf)  }
0x82: {  	s20 =	ssub.s32 s28, s18  }
0x83: {  	p0 =	sgt.s32 s20, $0x200;
	s21 =	sadd.s32 $0xFFFFFDFF, s20;
	s22 =	sadd.s32 $0xFFFFFBFF, s20  }
0x84: {  	p1 =	sgt.u32 @p0 s21, $0x1FF;
	p2 =	sgt.u32 @p0 s22, $0x3FF  }
0x85: {  	p1 =	por p1, !p0;
	p3 =	por !p2, !p0  }
0x86: {  	s23 =	simm.s32 @!p1 $0x2;
	p3 =	slt.s32 @!p3 s20, $0x801  }
0x87: {  	_ =	swait.ge @!p1 [sflag:s23], $0x410;
	p3 =	por @p0 p3, !p2  }
0x88: {  	[sflag:s23] =	ssyncset.done @!p1 $0x0;
	p3 =	por p3, !p0  }
0x89: {  	[sflag:s23] =	ssyncadd.s32 @!p1 $0xFFFFFBF0;
	s23 =	simm.s32 @!p3 $0x2  }
0x8a: {  	_ =	swait.ge @!p3 [sflag:s23], $0x1010  }
0x8b: {  	p1 =	por p2, !p0;
	[sflag:s23] =	ssyncset.done @!p3 $0x0  }
0x8c: {  	s24 =	sand.u32 $0xFFFFFFF8, s18;
	[sflag:s23] =	ssyncadd.s32 @!p3 $0xFFFFEFF0;
	s23 =	simm.s32 @!p1 $0x2  }
0x8d: {  	p4 =	slt.s32 s20, $0x201;
	s17 =	smov.u32 s20;
	_ =	swait.ge @!p1 [sflag:s23], $0x810  }
0x8e: {  	s29 =	sshra.s32 s20, $0x1F;
	p2 =	slt.s32 s24, $0x1FFDF0;
	[sflag:s23] =	ssyncset.done @!p1 $0x0  }
0x8f: {  	[sflag:s23] =	ssyncadd.s32 @!p1 $0xFFFFF7F0;
	p1 =	slt.u32 s22, $0x400;
	s22 =	smov.u32 s24  }
0x90: {  	p3 =	slt.u32 s21, $0x200;
	s21 =	smov.u32 s24;
	s22 =	simm.s32 @!p2 $0x1FFDF0  }
0x91: {  	s23 =	simm.s32 $0x1;
	p2 =	slt.s32 s20, $0x1000;
	s21 =	smov.u32 @p4 s22  }
0x92: {  	p4 =	slt.s32 s24, $0x1FFBF0;
	s22 =	smov.u32 s24;
	s17 =	simm.s32 @!p2 $0x1000  }
0x93: {  	p2 =	slt.s32 s24, $0x1FF7F0;
	s22 =	simm.s32 @!p4 $0x1FFBF0;
	p4 =	sne.s32 s28, s18  }
0x94: {  	s30 =	sand.u32 $0x7F, s17;
	s31 =	sshra.s32 s17, $0x1F;
	s23 =	simm.s32 @!p4 $0x0  }
0x95: {  	s21 =	smov.u32 @p3 s22;
	s22 =	sor.u32 s23, s29;
	s23 =	smov.u32 s24  }
0x96: {  	p5 =	sne.s32 s30, $0x0;
	p4 =	sne.s32 s22, $0x1;
	s23 =	simm.s32 @!p2 $0x1FF7F0  }
0x97: {  	s22 =	sshrl.u32 s31, $0x19;
	s21 =	smov.u32 @p1 s23;
	p6 =	por !p4, !p5  }
0x98: {  	s22 =	sadd.s32 s22, s17;
	s23 =	simm.s32 $0x1;
	p1 =	por !p6, !p6  }
0x99: {  	s22 =	sshra.s32 s22, $0x7;
	s23 =	simm.s32 @!p1 $0x0  }
0x9a: {  	p1 =	slt.s32 s24, $0x1FEFF0;
	s22 =	ssub.s32 s22, s23  }
0x9b: {  	s24 =	simm.s32 @!p1 $0x1FEFF0;
	p1 =	slt.s32 s22, $0x1  }
.Ltmp4:
0x9c: {  	_ = 	snop;
	(pc) =	sbr.rel @p1 .LBB2_9-.Ltmp4, $4  }
0x9d: {  	s25 =	simm.s32 @!p0 $0x2  }
0x9e: {  	_ =	swait.ge @!p0 [sflag:s25], $0x210  }
0x9f: {  	[sflag:s25] =	ssyncset.done @!p0 $0x0;
	p2 =	sgt.s32 s20, $0x800  }
0xa0: {  	s19 =	sadd.s32 s6, s19;
	[sflag:s25] =	ssyncadd.s32 @!p0 $0xFFFFFDF0;
	s21 =	smov.u32 @p2 s24  }
0xa1: {  	p1 =	sne.s32 s22, $0x1  }
.Ltmp5:
0xa2: {  	s23 =	sshll.u32 s18, $0x2;
	s24 =	sshll.u32 s21, $0x2;
	(pc) =	sbr.rel @!p1 .LBB2_4-.Ltmp5, $4  }
0xa3: {  	s23 =	ssub.s32 s23, s24  }
0xa4: {  	s23 =	sshra.s32 s23, $0x2  }
0xa5: {  	s24 =	sadd.s32 $0x4C0, s23  }
0xa6: {  	s25 =	sadd.s32 $0xFFFFFFFF, s22;
	p0 =	por $0x0, $0x0;
	s23 =	simm.s32 $0x46C0;
	v3 =	vld [tilespmem:s24+$0xFFFFFFC0]  }
0xa7: {  	_ =	sdelay $0x3  }
0xa8: {  	vm1 =	veq.f32 v3, v3  }
0xa9: {  	vm1 =	vmand vm1, vm0  }
0xaa: {  	v3 =	vnsel vm1, $0x0, v3  }
0xab: {  	[tilespmem:s23+$0xFFFFFFC0] =	vst v3  }
0xac: {  	v3 =	vld [tilespmem:s24+$0xFFFFFFD0];
	_ =	sdelay $0x4  }
0xad: {  	vm1 =	veq.f32 v3, v3  }
0xae: {  	vm1 =	vmand vm1, vm0  }
0xaf: {  	v3 =	vnsel vm1, $0x0, v3  }
0xb0: {  	[tilespmem:s23+$0xFFFFFFD0] =	vst v3  }
0xb1: {  	v3 =	vld [tilespmem:s24+$0xFFFFFFE0];
	_ =	sdelay $0x4  }
0xb2: {  	vm1 =	veq.f32 v3, v3  }
0xb3: {  	vm1 =	vmand vm1, vm0  }
0xb4: {  	v3 =	vnsel vm1, $0x0, v3  }
0xb5: {  	[tilespmem:s23+$0xFFFFFFE0] =	vst v3  }
0xb6: {  	v3 =	vld [tilespmem:s24+$0xFFFFFFF0];
	_ =	sdelay $0x4  }
0xb7: {  	vm1 =	veq.f32 v3, v3  }
0xb8: {  	vm1 =	vmand vm1, vm0  }
0xb9: {  	v3 =	vnsel vm1, $0x0, v3  }
0xba: {  	[tilespmem:s23+$0xFFFFFFF0] =	vst v3  }
0xbb: {  	v3 =	vld [tilespmem:s24+$0x0];
	_ =	sdelay $0x4  }
0xbc: {  	vm1 =	veq.f32 v3, v3  }
0xbd: {  	vm1 =	vmand vm1, vm0  }
0xbe: {  	v3 =	vnsel vm1, $0x0, v3  }
0xbf: {  	[tilespmem:s23+$0x0] =	vst v3  }
0xc0: {  	v3 =	vld [tilespmem:s24+$0x10];
	_ =	sdelay $0x4  }
0xc1: {  	vm1 =	veq.f32 v3, v3  }
0xc2: {  	vm1 =	vmand vm1, vm0  }
0xc3: {  	v3 =	vnsel vm1, $0x0, v3  }
0xc4: {  	[tilespmem:s23+$0x10] =	vst v3  }
0xc5: {  	v3 =	vld [tilespmem:s24+$0x20];
	_ =	sdelay $0x4  }
0xc6: {  	vm1 =	veq.f32 v3, v3  }
0xc7: {  	vm1 =	vmand vm1, vm0  }
0xc8: {  	v3 =	vnsel vm1, $0x0, v3  }
0xc9: {  	[tilespmem:s23+$0x20] =	vst v3  }
0xca: {  	v3 =	vld [tilespmem:s24+$0x30];
	_ =	sdelay $0x3  }
0xcb: {  	p1 =	sne.s32 s25, $0x1  }
.Ltmp6:
0xcc: {  	vm1 =	veq.f32 v3, v3;
	(pc) =	sbr.rel @!p1 .LBB2_6-.Ltmp6, $4  }
0xcd: {  	vm1 =	vmand vm1, vm0  }
0xce: {  	v3 =	vnsel vm1, $0x0, v3  }
0xcf: {  	s24 =	sadd.s32 $0x80, s24;
	[tilespmem:s23+$0x30] =	vst v3  }
0xd0: {  	s26 =	sadd.s32 $0xFFFFFFFF, s25;
	p0 =	por $0x1, $0x1;
	s25 =	simm.s32 $0x46C0;
	v3 =	vld [tilespmem:s24+$0xFFFFFFC0]  }
.LBB2_7:
0xd1: {  	p1 =	sne.s32 s26, $0x1;
	_ =	sdelay $0x3  }
0xd2: {  	vm1 =	veq.f32 v3, v3  }
0xd3: {  	vm1 =	vmand vm1, vm0  }
0xd4: {  	s25 =	sadd.s32 $0x80, s25;
	v3 =	vnsel vm1, $0x0, v3  }
0xd5: {  	[tilespmem:s25+$0xFFFFFFC0] =	vst v3  }
0xd6: {  	v3 =	vld [tilespmem:s24+$0xFFFFFFD0];
	_ =	sdelay $0x4  }
0xd7: {  	vm1 =	veq.f32 v3, v3  }
0xd8: {  	vm1 =	vmand vm1, vm0  }
0xd9: {  	v3 =	vnsel vm1, $0x0, v3  }
0xda: {  	[tilespmem:s25+$0xFFFFFFD0] =	vst v3  }
0xdb: {  	v3 =	vld [tilespmem:s24+$0xFFFFFFE0];
	_ =	sdelay $0x4  }
0xdc: {  	vm1 =	veq.f32 v3, v3  }
0xdd: {  	vm1 =	vmand vm1, vm0  }
0xde: {  	v3 =	vnsel vm1, $0x0, v3  }
0xdf: {  	[tilespmem:s25+$0xFFFFFFE0] =	vst v3  }
0xe0: {  	v3 =	vld [tilespmem:s24+$0xFFFFFFF0];
	_ =	sdelay $0x4  }
0xe1: {  	vm1 =	veq.f32 v3, v3  }
0xe2: {  	vm1 =	vmand vm1, vm0  }
0xe3: {  	v3 =	vnsel vm1, $0x0, v3  }
0xe4: {  	[tilespmem:s25+$0xFFFFFFF0] =	vst v3  }
0xe5: {  	v3 =	vld [tilespmem:s24+$0x0];
	_ =	sdelay $0x4  }
0xe6: {  	vm1 =	veq.f32 v3, v3  }
0xe7: {  	vm1 =	vmand vm1, vm0  }
0xe8: {  	v3 =	vnsel vm1, $0x0, v3  }
0xe9: {  	[tilespmem:s25+$0x0] =	vst v3  }
0xea: {  	v3 =	vld [tilespmem:s24+$0x10];
	_ =	sdelay $0x4  }
0xeb: {  	vm1 =	veq.f32 v3, v3  }
0xec: {  	vm1 =	vmand vm1, vm0  }
0xed: {  	v3 =	vnsel vm1, $0x0, v3  }
0xee: {  	[tilespmem:s25+$0x10] =	vst v3  }
0xef: {  	v3 =	vld [tilespmem:s24+$0x20];
	_ =	sdelay $0x4  }
0xf0: {  	vm1 =	veq.f32 v3, v3  }
0xf1: {  	vm1 =	vmand vm1, vm0  }
0xf2: {  	v3 =	vnsel vm1, $0x0, v3  }
0xf3: {  	[tilespmem:s25+$0x20] =	vst v3  }
0xf4: {  	v3 =	vld [tilespmem:s24+$0x30];
	_ =	sdelay $0x4  }
.Ltmp7:
0xf5: {  	vm1 =	veq.f32 v3, v3;
	(pc) =	sbr.rel @p1 .LBB2_7-.Ltmp7, $4  }
0xf6: {  	vm1 =	vmand vm1, vm0  }
0xf7: {  	v3 =	vnsel vm1, $0x0, v3  }
0xf8: {  	s24 =	sadd.s32 $0x80, s24;
	[tilespmem:s25+$0x30] =	vst v3  }
0xf9: {  	s26 =	sadd.s32 $0xFFFFFFFF, s26;
	v3 =	vld [tilespmem:s24+$0xFFFFFFC0]  }
.LBB2_8:
0xfa: {  	_ =	sdelay $0x3  }
0xfb: {  	vm1 =	veq.f32 v3, v3  }
0xfc: {  	s25 =	sadd.s32 @p0 $0x80, s25;
	vm1 =	vmand vm1, vm0  }
0xfd: {  	s23 =	smov.u32 @p0 s25;
	v3 =	vnsel vm1, $0x0, v3  }
0xfe: {  	[tilespmem:s23+$0xFFFFFFC0] =	vst v3  }
0xff: {  	v3 =	vld [tilespmem:s24+$0xFFFFFFD0];
	_ =	sdelay $0x4  }
0x100: {  	vm1 =	veq.f32 v3, v3  }
0x101: {  	vm1 =	vmand vm1, vm0  }
0x102: {  	v3 =	vnsel vm1, $0x0, v3  }
0x103: {  	[tilespmem:s23+$0xFFFFFFD0] =	vst v3  }
0x104: {  	v3 =	vld [tilespmem:s24+$0xFFFFFFE0];
	_ =	sdelay $0x4  }
0x105: {  	vm1 =	veq.f32 v3, v3  }
0x106: {  	vm1 =	vmand vm1, vm0  }
0x107: {  	v3 =	vnsel vm1, $0x0, v3  }
0x108: {  	[tilespmem:s23+$0xFFFFFFE0] =	vst v3  }
0x109: {  	v3 =	vld [tilespmem:s24+$0xFFFFFFF0];
	_ =	sdelay $0x4  }
0x10a: {  	vm1 =	veq.f32 v3, v3  }
0x10b: {  	vm1 =	vmand vm1, vm0  }
0x10c: {  	v3 =	vnsel vm1, $0x0, v3  }
0x10d: {  	[tilespmem:s23+$0xFFFFFFF0] =	vst v3  }
0x10e: {  	v3 =	vld [tilespmem:s24+$0x0];
	_ =	sdelay $0x4  }
0x10f: {  	vm1 =	veq.f32 v3, v3  }
0x110: {  	vm1 =	vmand vm1, vm0  }
0x111: {  	v3 =	vnsel vm1, $0x0, v3  }
0x112: {  	[tilespmem:s23+$0x0] =	vst v3  }
0x113: {  	v3 =	vld [tilespmem:s24+$0x10];
	_ =	sdelay $0x4  }
0x114: {  	vm1 =	veq.f32 v3, v3  }
0x115: {  	vm1 =	vmand vm1, vm0  }
0x116: {  	v3 =	vnsel vm1, $0x0, v3  }
0x117: {  	[tilespmem:s23+$0x10] =	vst v3  }
0x118: {  	v3 =	vld [tilespmem:s24+$0x20];
	_ =	sdelay $0x4  }
0x119: {  	vm1 =	veq.f32 v3, v3  }
0x11a: {  	vm1 =	vmand vm1, vm0  }
0x11b: {  	v3 =	vnsel vm1, $0x0, v3  }
0x11c: {  	[tilespmem:s23+$0x20] =	vst v3  }
0x11d: {  	v3 =	vld [tilespmem:s24+$0x30];
	_ =	sdelay $0x4  }
0x11e: {  	vm1 =	veq.f32 v3, v3  }
0x11f: {  	vm1 =	vmand vm1, vm0  }
0x120: {  	v3 =	vnsel vm1, $0x0, v3  }
0x121: {  	[tilespmem:s23+$0x30] =	vst v3  }
.LBB2_9:
0x122: {  	s23 =	sadd.s32 $0x7F, s17  }
0x123: {  	s24 =	sand.u32 $0x7F, s23  }
0x124: {  	p0 =	slt.s32 s20, $0xFFFFFF82;
	s25 =	sshra.s32 s23, $0x1F;
	p1 =	sne.s32 s24, $0x0  }
0x125: {  	s31 =	sshrl.u32 s25, $0x19;
	p0 =	por !p0, !p1  }
0x126: {  	s20 =	sadd.s32 s31, s23;
	s23 =	simm.s32 $0x1;
	p0 =	por !p0, !p0  }
0x127: {  	s20 =	sshra.s32 s20, $0x7;
	s23 =	simm.s32 @!p0 $0x0  }
0x128: {  	s20 =	ssub.s32 s20, s23  }
0x129: {  	p0 =	sle.s32 s20, s22  }
.Ltmp8:
0x12a: {  	_ = 	snop;
	(pc) =	sbr.rel @p0 .LBB2_11-.Ltmp8, $1  }
0x12b: {  	_ =	sdelay $0x3  }
0x12c: {  	s18 =	ssub.s32 s18, s21  }
0x12d: {  	s21 =	sshll.u32 s22, $0x7;
	s18 =	sadd.s32 $0x480, s18  }
0x12e: {  	s23 =	sadd.s32 s21, s18  }
0x12f: {  	v3 =	vld [tilespmem:s23+$0x0];
	_ =	sdelay $0x3  }
0x130: {  	s31 =	ssub.s32 s17, s21  }
0x131: {  	v4 =	vmov s31;
	vm1 =	veq.f32 v3, v3  }
0x132: {  	vm2 =	vgt.s32 v4, v0;
	vm1 =	vmand vm1, vm0  }
0x133: {  	s24 =	sshll.u32 s22, $0x9;
	vm1 =	vmand vm2, vm1  }
0x134: {  	s22 =	sshra.s32 s24, $0x2;
	s25 =	sor.u32 $0x10, s21;
	v3 =	vnsel vm1, $0x0, v3  }
0x135: {  	s24 =	sadd.s32 s25, s18;
	[tilespmem:s22+$0x4680] =	vst v3  }
0x136: {  	v3 =	vld [tilespmem:s24+$0x0];
	_ =	sdelay $0x3  }
0x137: {  	s23 =	ssub.s32 s17, s25  }
0x138: {  	v57 =	vmov s23;
	vm1 =	veq.f32 v3, v3  }
0x139: {  	vm2 =	vgt.s32 v57, v0;
	vm1 =	vmand vm1, vm0  }
0x13a: {  	vm1 =	vmand vm2, vm1  }
0x13b: {  	s26 =	sor.u32 $0x20, s21;
	v3 =	vnsel vm1, $0x0, v3  }
0x13c: {  	s28 =	sadd.s32 s26, s18;
	[tilespmem:s22+$0x4690] =	vst v3  }
0x13d: {  	v3 =	vld [tilespmem:s28+$0x0];
	_ =	sdelay $0x3  }
0x13e: {  	s23 =	ssub.s32 s17, s26  }
0x13f: {  	v58 =	vmov s23;
	vm1 =	veq.f32 v3, v3  }
0x140: {  	vm2 =	vgt.s32 v58, v0;
	vm1 =	vmand vm1, vm0  }
0x141: {  	vm1 =	vmand vm2, vm1  }
0x142: {  	s29 =	sor.u32 $0x30, s21;
	v3 =	vnsel vm1, $0x0, v3  }
0x143: {  	s30 =	sadd.s32 s29, s18;
	[tilespmem:s22+$0x46A0] =	vst v3  }
0x144: {  	v3 =	vld [tilespmem:s30+$0x0];
	_ =	sdelay $0x3  }
0x145: {  	s23 =	ssub.s32 s17, s29  }
0x146: {  	v59 =	vmov s23;
	vm1 =	veq.f32 v3, v3  }
0x147: {  	vm2 =	vgt.s32 v59, v0;
	vm1 =	vmand vm1, vm0  }
0x148: {  	vm1 =	vmand vm2, vm1  }
0x149: {  	s31 =	sor.u32 $0x40, s21;
	v3 =	vnsel vm1, $0x0, v3  }
0x14a: {  	s25 =	sadd.s32 s31, s18;
	[tilespmem:s22+$0x46B0] =	vst v3  }
0x14b: {  	v3 =	vld [tilespmem:s25+$0x0];
	_ =	sdelay $0x3  }
0x14c: {  	s23 =	ssub.s32 s17, s31  }
0x14d: {  	v60 =	vmov s23;
	vm1 =	veq.f32 v3, v3  }
0x14e: {  	vm2 =	vgt.s32 v60, v0;
	vm1 =	vmand vm1, vm0  }
0x14f: {  	vm1 =	vmand vm2, vm1  }
0x150: {  	s26 =	sor.u32 $0x50, s21;
	v3 =	vnsel vm1, $0x0, v3  }
0x151: {  	s28 =	sadd.s32 s26, s18;
	[tilespmem:s22+$0x46C0] =	vst v3  }
0x152: {  	v3 =	vld [tilespmem:s28+$0x0];
	_ =	sdelay $0x3  }
0x153: {  	s23 =	ssub.s32 s17, s26  }
0x154: {  	v61 =	vmov s23;
	vm1 =	veq.f32 v3, v3  }
0x155: {  	vm2 =	vgt.s32 v61, v0;
	vm1 =	vmand vm1, vm0  }
0x156: {  	vm1 =	vmand vm2, vm1  }
0x157: {  	s29 =	sor.u32 $0x60, s21;
	v3 =	vnsel vm1, $0x0, v3  }
0x158: {  	s30 =	sadd.s32 s29, s18;
	[tilespmem:s22+$0x46D0] =	vst v3  }
0x159: {  	v3 =	vld [tilespmem:s30+$0x0];
	_ =	sdelay $0x3  }
0x15a: {  	s23 =	ssub.s32 s17, s29  }
0x15b: {  	v62 =	vmov s23;
	vm1 =	veq.f32 v3, v3  }
0x15c: {  	vm2 =	vgt.s32 v62, v0;
	vm1 =	vmand vm1, vm0  }
0x15d: {  	vm1 =	vmand vm2, vm1  }
0x15e: {  	s21 =	sor.u32 $0x70, s21;
	v3 =	vnsel vm1, $0x0, v3  }
0x15f: {  	s18 =	sadd.s32 s21, s18;
	[tilespmem:s22+$0x46E0] =	vst v3  }
0x160: {  	v3 =	vld [tilespmem:s18+$0x0];
	_ =	sdelay $0x3  }
0x161: {  	s31 =	ssub.s32 s17, s21  }
0x162: {  	v63 =	vmov s31;
	vm1 =	veq.f32 v3, v3  }
0x163: {  	vm2 =	vgt.s32 v63, v0;
	vm1 =	vmand vm1, vm0  }
0x164: {  	vm1 =	vmand vm2, vm1  }
0x165: {  	v3 =	vnsel vm1, $0x0, v3  }
0x166: {  	[tilespmem:s22+$0x46F0] =	vst v3  }
.LBB2_11:
0x167: {  	p0 =	sgt.s32 s20, $0x1F  }
.Ltmp9:
0x168: {  	_ = 	snop;
	(pc) =	sbr.rel @p0 .LBB2_15-.Ltmp9, $1  }
0x169: {  	_ =	sdelay $0x3  }
0x16a: {  	s17 =	sshll.u32 s20, $0x9  }
0x16b: {  	s17 =	sshra.s32 s17, $0x2  }
0x16c: {  	s17 =	sadd.s32 $0x46C0, s17  }
0x16d: {  	s18 =	ssub.s32 $0x20, s20;
	[tilespmem:s17+$0xFFFFFFC0] =	vst v1  }
0x16e: {  	p0 =	sne.s32 s18, $0x1;
	[tilespmem:s17+$0x30] =	vst v1  }
.Ltmp10:
0x16f: {  	[tilespmem:s17+$0x20] =	vst v1;
	(pc) =	sbr.rel @!p0 .LBB2_14-.Ltmp10, $4  }
0x170: {  	[tilespmem:s17+$0x10] =	vst v1  }
0x171: {  	[tilespmem:s17+$0x0] =	vst v1  }
0x172: {  	[tilespmem:s17+$0xFFFFFFF0] =	vst v1  }
0x173: {  	s18 =	sadd.s32 $0xFFFFFFFF, s18;
	[tilespmem:s17+$0xFFFFFFE0] =	vst v1  }
.LBB2_13:
0x174: {  	p0 =	sne.s32 s18, $0x1;
	s18 =	sadd.s32 $0xFFFFFFFF, s18;
	[tilespmem:s17+$0xFFFFFFD0] =	vst v1;
	s17 =	sadd.s32 $0x80, s17  }
0x175: {  	[tilespmem:s17+$0xFFFFFFC0] =	vst v1  }
0x176: {  	[tilespmem:s17+$0x30] =	vst v1  }
.Ltmp11:
0x177: {  	[tilespmem:s17+$0x20] =	vst v1;
	(pc) =	sbr.rel @p0 .LBB2_13-.Ltmp11, $4  }
0x178: {  	[tilespmem:s17+$0x10] =	vst v1  }
0x179: {  	[tilespmem:s17+$0x0] =	vst v1  }
0x17a: {  	[tilespmem:s17+$0xFFFFFFF0] =	vst v1  }
0x17b: {  	[tilespmem:s17+$0xFFFFFFE0] =	vst v1  }
.LBB2_14:
0x17c: {  	[tilespmem:s17+$0xFFFFFFD0] =	vst v1  }
.LBB2_15:
0x17d: {  	p0 =	seq.s32 s16, $0xF  }
.Ltmp12:
0x17e: {  	s17 =	sshll.u32 s16, $0x5;
	(pc) =	sbr.rel @p0 .LBB2_17-.Ltmp12, $4  }
0x17f: {  	s20 =	sshll.u32 s19, $0x9;
	s18 =	sand.u32 $0x60, s17  }
0x180: {  	s17 =	sand.u32 $0x7F000, s20;
	s31 =	sadd.s32 s3, s18  }
0x181: {  	s20 =	sadd.s32 s17, s31  }
0x182: {  	[hbm4b:s20+s9] =	stream.strided.scatter [tilespmem:s11], [sflag:$0x4], $0x1000, s10, s9, $0x38;
	[tilespmem:$0x6680] =	vst v63  }
0x183: {  	v3 =	vld [tilespmem:s19+$0x2];
	_ =	sdelay $0x4  }
0x184: {  	(v2sf) =	vpush v3, $0x0  }
0x185: {  	(v2sf) =	vpush v3, $0x1;
	_ =	sdelay $0xd  }
0x186: {  	s20 =	spop (v2sf)  }
0x187: {  	s21 =	spop (v2sf)  }
0x188: {  	s21 =	ssub.s32 s21, s20  }
0x189: {  	p0 =	sgt.s32 s21, $0x200  }
0x18a: {  	p1 =	slt.u32 @p0 s21, $0x401  }
0x18b: {  	s20 =	sand.u32 $0xFFFFFFF8, s20;
	p2 =	por !p1, !p0  }
0x18c: {  	p3 =	slt.s32 @!p2 s20, $0x1FFBF0  }
0x18d: {  	p3 =	por @p0 !p3, !p1  }
0x18e: {  	s22 =	smov.u32 s20;
	p3 =	por !p3, !p0  }
0x18f: {  	s22 =	simm.s32 @!p3 $0x1FFBF0  }
0x190: {  	s22 =	sshrl.u32 @!p2 s22, $0x3  }
0x191: {  	s23 =	simm.s32 @!p2 $0x0;
	s24 =	simm.s32 @!p2 $0x480;
	s22 =	sadd.s32 @!p2 s1, s22  }
0x192: {  	[tilespmem:s24], [sflag:$0x2] =	stream.linear.gather @!p2 [hbm4b:s22+s23], $0x410, $0x38;
	[tilespmem:$0x6680] =	vst v63  }
0x193: {  	s21 =	sadd.s32 $0xFFFFFBFF, s21;
	p2 =	por p1, !p0  }
0x194: {  	p3 =	sgt.u32 @!p2 s21, $0x3FF  }
0x195: {  	p4 =	por @p0 !p3, p1  }
0x196: {  	p4 =	por p4, !p0  }
0x197: {  	p5 =	slt.s32 @!p4 s20, $0x1FEFF0  }
0x198: {  	p5 =	por @!p2 !p5, !p3  }
0x199: {  	p5 =	por @p0 !p5, p1  }
0x19a: {  	s21 =	smov.u32 s20;
	p5 =	por !p5, !p0  }
0x19b: {  	s21 =	simm.s32 @p5 $0x1FEFF0  }
0x19c: {  	s21 =	sshrl.u32 @!p4 s21, $0x3  }
0x19d: {  	s22 =	simm.s32 @!p4 $0x0;
	s23 =	simm.s32 @!p4 $0x480;
	s21 =	sadd.s32 @!p4 s1, s21  }
0x19e: {  	[tilespmem:s23], [sflag:$0x2] =	stream.linear.gather @!p4 [hbm4b:s21+s22], $0x1010, $0x38;
	[tilespmem:$0x6680] =	vst v63  }
0x19f: {  	p4 =	por @p0 p3, p1  }
0x1a0: {  	p4 =	por p4, !p0  }
0x1a1: {  	p5 =	slt.s32 @!p4 s20, $0x1FF7F0  }
0x1a2: {  	p2 =	por @!p2 !p5, p3  }
0x1a3: {  	p1 =	por @p0 !p2, p1  }
0x1a4: {  	s21 =	smov.u32 s20;
	p1 =	por !p1, !p0  }
0x1a5: {  	s21 =	simm.s32 @p1 $0x1FF7F0;
	p1 =	slt.s32 @!p0 s20, $0x1FFDF0  }
0x1a6: {  	s22 =	simm.s32 @!p4 $0x0;
	s21 =	sshrl.u32 @!p4 s21, $0x3;
	p1 =	por !p1, p0  }
0x1a7: {  	s23 =	simm.s32 @!p4 $0x480;
	s21 =	sadd.s32 @!p4 s1, s21;
	s20 =	simm.s32 @p1 $0x1FFDF0  }
0x1a8: {  	[tilespmem:s23], [sflag:$0x2] =	stream.linear.gather @!p4 [hbm4b:s21+s22], $0x810, $0x38;
	[tilespmem:$0x6680] =	vst v63  }
0x1a9: {  	s20 =	sshrl.u32 @!p0 s20, $0x3  }
0x1aa: {  	s21 =	simm.s32 @!p0 $0x0;
	s22 =	simm.s32 @!p0 $0x480;
	s20 =	sadd.s32 @!p0 s1, s20  }
0x1ab: {  	[tilespmem:s22], [sflag:$0x2] =	stream.linear.gather @!p0 [hbm4b:s20+s21], $0x210, $0x38;
	[tilespmem:$0x6680] =	vst v63  }
.LBB2_17:
0x1ac: {  	v3 =	vld [tilespmem:s19+$0x1];
	_ =	sdelay $0x4  }
0x1ad: {  	(v2sf) =	vpush v3, $0x0  }
0x1ae: {  	(v2sf) =	vpush v3, $0x1;
	_ =	sdelay $0xd  }
0x1af: {  	s20 =	spop (v2sf)  }
0x1b0: {  	s28 =	spop (v2sf)  }
0x1b1: {  	s21 =	ssub.s32 s28, s20  }
0x1b2: {  	p0 =	sgt.s32 s21, $0x200;
	s22 =	sadd.s32 $0xFFFFFDFF, s21;
	s23 =	sadd.s32 $0xFFFFFBFF, s21  }
0x1b3: {  	p1 =	sgt.u32 @p0 s22, $0x1FF;
	p2 =	sgt.u32 @p0 s23, $0x3FF  }
0x1b4: {  	p1 =	por p1, !p0;
	p3 =	por !p2, !p0  }
0x1b5: {  	s24 =	simm.s32 @!p1 $0x3;
	p3 =	slt.s32 @!p3 s21, $0x801  }
0x1b6: {  	_ =	swait.ge @!p1 [sflag:s24], $0x410;
	p3 =	por @p0 p3, !p2  }
0x1b7: {  	[sflag:s24] =	ssyncset.done @!p1 $0x0;
	p3 =	por p3, !p0  }
0x1b8: {  	[sflag:s24] =	ssyncadd.s32 @!p1 $0xFFFFFBF0;
	s24 =	simm.s32 @!p3 $0x3  }
0x1b9: {  	_ =	swait.ge @!p3 [sflag:s24], $0x1010  }
0x1ba: {  	p1 =	por p2, !p0;
	[sflag:s24] =	ssyncset.done @!p3 $0x0  }
0x1bb: {  	s25 =	sand.u32 $0xFFFFFFF8, s20;
	[sflag:s24] =	ssyncadd.s32 @!p3 $0xFFFFEFF0;
	s24 =	simm.s32 @!p1 $0x3  }
0x1bc: {  	p4 =	slt.s32 s21, $0x201;
	s19 =	smov.u32 s21;
	_ =	swait.ge @!p1 [sflag:s24], $0x810  }
0x1bd: {  	s29 =	sshra.s32 s21, $0x1F;
	p2 =	slt.s32 s25, $0x1FFDF0;
	[sflag:s24] =	ssyncset.done @!p1 $0x0  }
0x1be: {  	[sflag:s24] =	ssyncadd.s32 @!p1 $0xFFFFF7F0;
	p1 =	slt.u32 s23, $0x400;
	s23 =	smov.u32 s25  }
0x1bf: {  	p3 =	slt.u32 s22, $0x200;
	s22 =	smov.u32 s25;
	s23 =	simm.s32 @!p2 $0x1FFDF0  }
0x1c0: {  	s24 =	simm.s32 $0x1;
	p2 =	slt.s32 s21, $0x1000;
	s22 =	smov.u32 @p4 s23  }
0x1c1: {  	p4 =	slt.s32 s25, $0x1FFBF0;
	s23 =	smov.u32 s25;
	s19 =	simm.s32 @!p2 $0x1000  }
0x1c2: {  	p2 =	slt.s32 s25, $0x1FF7F0;
	s23 =	simm.s32 @!p4 $0x1FFBF0;
	p4 =	sne.s32 s28, s20  }
0x1c3: {  	s30 =	sand.u32 $0x7F, s19;
	s31 =	sshra.s32 s19, $0x1F;
	s24 =	simm.s32 @!p4 $0x0  }
0x1c4: {  	s22 =	smov.u32 @p3 s23;
	s23 =	sor.u32 s24, s29;
	s24 =	smov.u32 s25  }
0x1c5: {  	p5 =	sne.s32 s30, $0x0;
	p4 =	sne.s32 s23, $0x1;
	s24 =	simm.s32 @!p2 $0x1FF7F0  }
0x1c6: {  	s23 =	sshrl.u32 s31, $0x19;
	s22 =	smov.u32 @p1 s24;
	p6 =	por !p4, !p5  }
0x1c7: {  	s23 =	sadd.s32 s23, s19;
	s24 =	simm.s32 $0x1;
	p1 =	por !p6, !p6  }
0x1c8: {  	s23 =	sshra.s32 s23, $0x7;
	s24 =	simm.s32 @!p1 $0x0  }
0x1c9: {  	p1 =	slt.s32 s25, $0x1FEFF0;
	s23 =	ssub.s32 s23, s24  }
0x1ca: {  	s25 =	simm.s32 @!p1 $0x1FEFF0;
	p1 =	slt.s32 s23, $0x1  }
.Ltmp13:
0x1cb: {  	_ = 	snop;
	(pc) =	sbr.rel @p1 .LBB2_24-.Ltmp13, $4  }
0x1cc: {  	s26 =	simm.s32 @!p0 $0x3  }
0x1cd: {  	_ =	swait.ge @!p0 [sflag:s26], $0x210  }
0x1ce: {  	[sflag:s26] =	ssyncset.done @!p0 $0x0;
	p2 =	sgt.s32 s21, $0x800  }
0x1cf: {  	[sflag:s26] =	ssyncadd.s32 @!p0 $0xFFFFFDF0;
	s22 =	smov.u32 @p2 s25  }
0x1d0: {  	p1 =	sne.s32 s23, $0x1  }
.Ltmp14:
0x1d1: {  	s24 =	sshll.u32 s20, $0x2;
	s25 =	sshll.u32 s22, $0x2;
	(pc) =	sbr.rel @!p1 .LBB2_19-.Ltmp14, $4  }
0x1d2: {  	s24 =	ssub.s32 s24, s25  }
0x1d3: {  	s24 =	sshra.s32 s24, $0x2  }
0x1d4: {  	s25 =	sadd.s32 $0x25C0, s24  }
0x1d5: {  	s26 =	sadd.s32 $0xFFFFFFFF, s23;
	p0 =	por $0x0, $0x0;
	s24 =	simm.s32 $0x56C0;
	v3 =	vld [tilespmem:s25+$0xFFFFFFC0]  }
0x1d6: {  	_ =	sdelay $0x3  }
0x1d7: {  	vm1 =	veq.f32 v3, v3  }
0x1d8: {  	vm1 =	vmand vm1, vm0  }
0x1d9: {  	v3 =	vnsel vm1, $0x0, v3  }
0x1da: {  	[tilespmem:s24+$0xFFFFFFC0] =	vst v3  }
0x1db: {  	v3 =	vld [tilespmem:s25+$0xFFFFFFD0];
	_ =	sdelay $0x4  }
0x1dc: {  	vm1 =	veq.f32 v3, v3  }
0x1dd: {  	vm1 =	vmand vm1, vm0  }
0x1de: {  	v3 =	vnsel vm1, $0x0, v3  }
0x1df: {  	[tilespmem:s24+$0xFFFFFFD0] =	vst v3  }
0x1e0: {  	v3 =	vld [tilespmem:s25+$0xFFFFFFE0];
	_ =	sdelay $0x4  }
0x1e1: {  	vm1 =	veq.f32 v3, v3  }
0x1e2: {  	vm1 =	vmand vm1, vm0  }
0x1e3: {  	v3 =	vnsel vm1, $0x0, v3  }
0x1e4: {  	[tilespmem:s24+$0xFFFFFFE0] =	vst v3  }
0x1e5: {  	v3 =	vld [tilespmem:s25+$0xFFFFFFF0];
	_ =	sdelay $0x4  }
0x1e6: {  	vm1 =	veq.f32 v3, v3  }
0x1e7: {  	vm1 =	vmand vm1, vm0  }
0x1e8: {  	v3 =	vnsel vm1, $0x0, v3  }
0x1e9: {  	[tilespmem:s24+$0xFFFFFFF0] =	vst v3  }
0x1ea: {  	v3 =	vld [tilespmem:s25+$0x0];
	_ =	sdelay $0x4  }
0x1eb: {  	vm1 =	veq.f32 v3, v3  }
0x1ec: {  	vm1 =	vmand vm1, vm0  }
0x1ed: {  	v3 =	vnsel vm1, $0x0, v3  }
0x1ee: {  	[tilespmem:s24+$0x0] =	vst v3  }
0x1ef: {  	v3 =	vld [tilespmem:s25+$0x10];
	_ =	sdelay $0x4  }
0x1f0: {  	vm1 =	veq.f32 v3, v3  }
0x1f1: {  	vm1 =	vmand vm1, vm0  }
0x1f2: {  	v3 =	vnsel vm1, $0x0, v3  }
0x1f3: {  	[tilespmem:s24+$0x10] =	vst v3  }
0x1f4: {  	v3 =	vld [tilespmem:s25+$0x20];
	_ =	sdelay $0x4  }
0x1f5: {  	vm1 =	veq.f32 v3, v3  }
0x1f6: {  	vm1 =	vmand vm1, vm0  }
0x1f7: {  	v3 =	vnsel vm1, $0x0, v3  }
0x1f8: {  	[tilespmem:s24+$0x20] =	vst v3  }
0x1f9: {  	v3 =	vld [tilespmem:s25+$0x30];
	_ =	sdelay $0x3  }
0x1fa: {  	p1 =	sne.s32 s26, $0x1  }
.Ltmp15:
0x1fb: {  	vm1 =	veq.f32 v3, v3;
	(pc) =	sbr.rel @!p1 .LBB2_21-.Ltmp15, $4  }
0x1fc: {  	vm1 =	vmand vm1, vm0  }
0x1fd: {  	v3 =	vnsel vm1, $0x0, v3  }
0x1fe: {  	s25 =	sadd.s32 $0x80, s25;
	[tilespmem:s24+$0x30] =	vst v3  }
0x1ff: {  	s28 =	sadd.s32 $0xFFFFFFFF, s26;
	p0 =	por $0x1, $0x1;
	s26 =	simm.s32 $0x56C0;
	v3 =	vld [tilespmem:s25+$0xFFFFFFC0]  }
.LBB2_22:
0x200: {  	p1 =	sne.s32 s28, $0x1;
	_ =	sdelay $0x3  }
0x201: {  	vm1 =	veq.f32 v3, v3  }
0x202: {  	vm1 =	vmand vm1, vm0  }
0x203: {  	s26 =	sadd.s32 $0x80, s26;
	v3 =	vnsel vm1, $0x0, v3  }
0x204: {  	[tilespmem:s26+$0xFFFFFFC0] =	vst v3  }
0x205: {  	v3 =	vld [tilespmem:s25+$0xFFFFFFD0];
	_ =	sdelay $0x4  }
0x206: {  	vm1 =	veq.f32 v3, v3  }
0x207: {  	vm1 =	vmand vm1, vm0  }
0x208: {  	v3 =	vnsel vm1, $0x0, v3  }
0x209: {  	[tilespmem:s26+$0xFFFFFFD0] =	vst v3  }
0x20a: {  	v3 =	vld [tilespmem:s25+$0xFFFFFFE0];
	_ =	sdelay $0x4  }
0x20b: {  	vm1 =	veq.f32 v3, v3  }
0x20c: {  	vm1 =	vmand vm1, vm0  }
0x20d: {  	v3 =	vnsel vm1, $0x0, v3  }
0x20e: {  	[tilespmem:s26+$0xFFFFFFE0] =	vst v3  }
0x20f: {  	v3 =	vld [tilespmem:s25+$0xFFFFFFF0];
	_ =	sdelay $0x4  }
0x210: {  	vm1 =	veq.f32 v3, v3  }
0x211: {  	vm1 =	vmand vm1, vm0  }
0x212: {  	v3 =	vnsel vm1, $0x0, v3  }
0x213: {  	[tilespmem:s26+$0xFFFFFFF0] =	vst v3  }
0x214: {  	v3 =	vld [tilespmem:s25+$0x0];
	_ =	sdelay $0x4  }
0x215: {  	vm1 =	veq.f32 v3, v3  }
0x216: {  	vm1 =	vmand vm1, vm0  }
0x217: {  	v3 =	vnsel vm1, $0x0, v3  }
0x218: {  	[tilespmem:s26+$0x0] =	vst v3  }
0x219: {  	v3 =	vld [tilespmem:s25+$0x10];
	_ =	sdelay $0x4  }
0x21a: {  	vm1 =	veq.f32 v3, v3  }
0x21b: {  	vm1 =	vmand vm1, vm0  }
0x21c: {  	v3 =	vnsel vm1, $0x0, v3  }
0x21d: {  	[tilespmem:s26+$0x10] =	vst v3  }
0x21e: {  	v3 =	vld [tilespmem:s25+$0x20];
	_ =	sdelay $0x4  }
0x21f: {  	vm1 =	veq.f32 v3, v3  }
0x220: {  	vm1 =	vmand vm1, vm0  }
0x221: {  	v3 =	vnsel vm1, $0x0, v3  }
0x222: {  	[tilespmem:s26+$0x20] =	vst v3  }
0x223: {  	v3 =	vld [tilespmem:s25+$0x30];
	_ =	sdelay $0x4  }
.Ltmp16:
0x224: {  	vm1 =	veq.f32 v3, v3;
	(pc) =	sbr.rel @p1 .LBB2_22-.Ltmp16, $4  }
0x225: {  	vm1 =	vmand vm1, vm0  }
0x226: {  	v3 =	vnsel vm1, $0x0, v3  }
0x227: {  	s25 =	sadd.s32 $0x80, s25;
	[tilespmem:s26+$0x30] =	vst v3  }
0x228: {  	s28 =	sadd.s32 $0xFFFFFFFF, s28;
	v3 =	vld [tilespmem:s25+$0xFFFFFFC0]  }
.LBB2_23:
0x229: {  	_ =	sdelay $0x3  }
0x22a: {  	vm1 =	veq.f32 v3, v3  }
0x22b: {  	s26 =	sadd.s32 @p0 $0x80, s26;
	vm1 =	vmand vm1, vm0  }
0x22c: {  	s24 =	smov.u32 @p0 s26;
	v3 =	vnsel vm1, $0x0, v3  }
0x22d: {  	[tilespmem:s24+$0xFFFFFFC0] =	vst v3  }
0x22e: {  	v3 =	vld [tilespmem:s25+$0xFFFFFFD0];
	_ =	sdelay $0x4  }
0x22f: {  	vm1 =	veq.f32 v3, v3  }
0x230: {  	vm1 =	vmand vm1, vm0  }
0x231: {  	v3 =	vnsel vm1, $0x0, v3  }
0x232: {  	[tilespmem:s24+$0xFFFFFFD0] =	vst v3  }
0x233: {  	v3 =	vld [tilespmem:s25+$0xFFFFFFE0];
	_ =	sdelay $0x4  }
0x234: {  	vm1 =	veq.f32 v3, v3  }
0x235: {  	vm1 =	vmand vm1, vm0  }
0x236: {  	v3 =	vnsel vm1, $0x0, v3  }
0x237: {  	[tilespmem:s24+$0xFFFFFFE0] =	vst v3  }
0x238: {  	v3 =	vld [tilespmem:s25+$0xFFFFFFF0];
	_ =	sdelay $0x4  }
0x239: {  	vm1 =	veq.f32 v3, v3  }
0x23a: {  	vm1 =	vmand vm1, vm0  }
0x23b: {  	v3 =	vnsel vm1, $0x0, v3  }
0x23c: {  	[tilespmem:s24+$0xFFFFFFF0] =	vst v3  }
0x23d: {  	v3 =	vld [tilespmem:s25+$0x0];
	_ =	sdelay $0x4  }
0x23e: {  	vm1 =	veq.f32 v3, v3  }
0x23f: {  	vm1 =	vmand vm1, vm0  }
0x240: {  	v3 =	vnsel vm1, $0x0, v3  }
0x241: {  	[tilespmem:s24+$0x0] =	vst v3  }
0x242: {  	v3 =	vld [tilespmem:s25+$0x10];
	_ =	sdelay $0x4  }
0x243: {  	vm1 =	veq.f32 v3, v3  }
0x244: {  	vm1 =	vmand vm1, vm0  }
0x245: {  	v3 =	vnsel vm1, $0x0, v3  }
0x246: {  	[tilespmem:s24+$0x10] =	vst v3  }
0x247: {  	v3 =	vld [tilespmem:s25+$0x20];
	_ =	sdelay $0x4  }
0x248: {  	vm1 =	veq.f32 v3, v3  }
0x249: {  	vm1 =	vmand vm1, vm0  }
0x24a: {  	v3 =	vnsel vm1, $0x0, v3  }
0x24b: {  	[tilespmem:s24+$0x20] =	vst v3  }
0x24c: {  	v3 =	vld [tilespmem:s25+$0x30];
	_ =	sdelay $0x4  }
0x24d: {  	vm1 =	veq.f32 v3, v3  }
0x24e: {  	vm1 =	vmand vm1, vm0  }
0x24f: {  	v3 =	vnsel vm1, $0x0, v3  }
0x250: {  	[tilespmem:s24+$0x30] =	vst v3  }
.LBB2_24:
0x251: {  	s24 =	sadd.s32 $0x7F, s19  }
0x252: {  	s25 =	sand.u32 $0x7F, s24  }
0x253: {  	p0 =	slt.s32 s21, $0xFFFFFF82;
	s26 =	sshra.s32 s24, $0x1F;
	p1 =	sne.s32 s25, $0x0  }
0x254: {  	s31 =	sshrl.u32 s26, $0x19;
	p0 =	por !p0, !p1  }
0x255: {  	s21 =	sadd.s32 s31, s24;
	s24 =	simm.s32 $0x1;
	p0 =	por !p0, !p0  }
0x256: {  	s21 =	sshra.s32 s21, $0x7;
	s24 =	simm.s32 @!p0 $0x0  }
0x257: {  	s21 =	ssub.s32 s21, s24  }
0x258: {  	p0 =	sle.s32 s21, s23  }
.Ltmp17:
0x259: {  	_ = 	snop;
	(pc) =	sbr.rel @p0 .LBB2_26-.Ltmp17, $1  }
0x25a: {  	_ =	sdelay $0x3  }
0x25b: {  	s20 =	ssub.s32 s20, s22  }
0x25c: {  	s22 =	sshll.u32 s23, $0x7;
	s20 =	sadd.s32 $0x2580, s20  }
0x25d: {  	s24 =	sadd.s32 s22, s20  }
0x25e: {  	v3 =	vld [tilespmem:s24+$0x0];
	_ =	sdelay $0x3  }
0x25f: {  	s28 =	ssub.s32 s19, s22  }
0x260: {  	v4 =	vmov s28;
	vm1 =	veq.f32 v3, v3  }
0x261: {  	vm2 =	vgt.s32 v4, v0;
	vm1 =	vmand vm1, vm0  }
0x262: {  	s29 =	sshll.u32 s23, $0x9;
	vm1 =	vmand vm2, vm1  }
0x263: {  	s23 =	sshra.s32 s29, $0x2;
	s30 =	sor.u32 $0x10, s22;
	v3 =	vnsel vm1, $0x0, v3  }
0x264: {  	s25 =	sadd.s32 s30, s20;
	[tilespmem:s23+$0x5680] =	vst v3  }
0x265: {  	v3 =	vld [tilespmem:s25+$0x0];
	_ =	sdelay $0x3  }
0x266: {  	s24 =	ssub.s32 s19, s30  }
0x267: {  	v57 =	vmov s24;
	vm1 =	veq.f32 v3, v3  }
0x268: {  	vm2 =	vgt.s32 v57, v0;
	vm1 =	vmand vm1, vm0  }
0x269: {  	vm1 =	vmand vm2, vm1  }
0x26a: {  	s31 =	sor.u32 $0x20, s22;
	v3 =	vnsel vm1, $0x0, v3  }
0x26b: {  	s26 =	sadd.s32 s31, s20;
	[tilespmem:s23+$0x5690] =	vst v3  }
0x26c: {  	v3 =	vld [tilespmem:s26+$0x0];
	_ =	sdelay $0x3  }
0x26d: {  	s24 =	ssub.s32 s19, s31  }
0x26e: {  	v58 =	vmov s24;
	vm1 =	veq.f32 v3, v3  }
0x26f: {  	vm2 =	vgt.s32 v58, v0;
	vm1 =	vmand vm1, vm0  }
0x270: {  	vm1 =	vmand vm2, vm1  }
0x271: {  	s28 =	sor.u32 $0x30, s22;
	v3 =	vnsel vm1, $0x0, v3  }
0x272: {  	s29 =	sadd.s32 s28, s20;
	[tilespmem:s23+$0x56A0] =	vst v3  }
0x273: {  	v3 =	vld [tilespmem:s29+$0x0];
	_ =	sdelay $0x3  }
0x274: {  	s24 =	ssub.s32 s19, s28  }
0x275: {  	v59 =	vmov s24;
	vm1 =	veq.f32 v3, v3  }
0x276: {  	vm2 =	vgt.s32 v59, v0;
	vm1 =	vmand vm1, vm0  }
0x277: {  	vm1 =	vmand vm2, vm1  }
0x278: {  	s30 =	sor.u32 $0x40, s22;
	v3 =	vnsel vm1, $0x0, v3  }
0x279: {  	s31 =	sadd.s32 s30, s20;
	[tilespmem:s23+$0x56B0] =	vst v3  }
0x27a: {  	v3 =	vld [tilespmem:s31+$0x0];
	_ =	sdelay $0x3  }
0x27b: {  	s24 =	ssub.s32 s19, s30  }
0x27c: {  	v60 =	vmov s24;
	vm1 =	veq.f32 v3, v3  }
0x27d: {  	vm2 =	vgt.s32 v60, v0;
	vm1 =	vmand vm1, vm0  }
0x27e: {  	vm1 =	vmand vm2, vm1  }
0x27f: {  	s26 =	sor.u32 $0x50, s22;
	v3 =	vnsel vm1, $0x0, v3  }
0x280: {  	s28 =	sadd.s32 s26, s20;
	[tilespmem:s23+$0x56C0] =	vst v3  }
0x281: {  	v3 =	vld [tilespmem:s28+$0x0];
	_ =	sdelay $0x3  }
0x282: {  	s24 =	ssub.s32 s19, s26  }
0x283: {  	v61 =	vmov s24;
	vm1 =	veq.f32 v3, v3  }
0x284: {  	vm2 =	vgt.s32 v61, v0;
	vm1 =	vmand vm1, vm0  }
0x285: {  	vm1 =	vmand vm2, vm1  }
0x286: {  	s29 =	sor.u32 $0x60, s22;
	v3 =	vnsel vm1, $0x0, v3  }
0x287: {  	s30 =	sadd.s32 s29, s20;
	[tilespmem:s23+$0x56D0] =	vst v3  }
0x288: {  	v3 =	vld [tilespmem:s30+$0x0];
	_ =	sdelay $0x3  }
0x289: {  	s24 =	ssub.s32 s19, s29  }
0x28a: {  	v62 =	vmov s24;
	vm1 =	veq.f32 v3, v3  }
0x28b: {  	vm2 =	vgt.s32 v62, v0;
	vm1 =	vmand vm1, vm0  }
0x28c: {  	vm1 =	vmand vm2, vm1  }
0x28d: {  	s22 =	sor.u32 $0x70, s22;
	v3 =	vnsel vm1, $0x0, v3  }
0x28e: {  	s20 =	sadd.s32 s22, s20;
	[tilespmem:s23+$0x56E0] =	vst v3  }
0x28f: {  	v3 =	vld [tilespmem:s20+$0x0];
	_ =	sdelay $0x3  }
0x290: {  	s31 =	ssub.s32 s19, s22  }
0x291: {  	v63 =	vmov s31;
	vm1 =	veq.f32 v3, v3  }
0x292: {  	vm2 =	vgt.s32 v63, v0;
	vm1 =	vmand vm1, vm0  }
0x293: {  	vm1 =	vmand vm2, vm1  }
0x294: {  	v3 =	vnsel vm1, $0x0, v3  }
0x295: {  	[tilespmem:s23+$0x56F0] =	vst v3  }
.LBB2_26:
0x296: {  	p0 =	sgt.s32 s21, $0x1F  }
.Ltmp18:
0x297: {  	_ = 	snop;
	(pc) =	sbr.rel @p0 .LBB2_30-.Ltmp18, $1  }
0x298: {  	_ =	sdelay $0x3  }
0x299: {  	s19 =	sshll.u32 s21, $0x9  }
0x29a: {  	s19 =	sshra.s32 s19, $0x2  }
0x29b: {  	s19 =	sadd.s32 $0x56C0, s19  }
0x29c: {  	s20 =	ssub.s32 $0x20, s21;
	[tilespmem:s19+$0xFFFFFFC0] =	vst v1  }
0x29d: {  	p0 =	sne.s32 s20, $0x1;
	[tilespmem:s19+$0x30] =	vst v1  }
.Ltmp19:
0x29e: {  	[tilespmem:s19+$0x20] =	vst v1;
	(pc) =	sbr.rel @!p0 .LBB2_29-.Ltmp19, $4  }
0x29f: {  	[tilespmem:s19+$0x10] =	vst v1  }
0x2a0: {  	[tilespmem:s19+$0x0] =	vst v1  }
0x2a1: {  	[tilespmem:s19+$0xFFFFFFF0] =	vst v1  }
0x2a2: {  	s20 =	sadd.s32 $0xFFFFFFFF, s20;
	[tilespmem:s19+$0xFFFFFFE0] =	vst v1  }
.LBB2_28:
0x2a3: {  	p0 =	sne.s32 s20, $0x1;
	s20 =	sadd.s32 $0xFFFFFFFF, s20;
	[tilespmem:s19+$0xFFFFFFD0] =	vst v1;
	s19 =	sadd.s32 $0x80, s19  }
0x2a4: {  	[tilespmem:s19+$0xFFFFFFC0] =	vst v1  }
0x2a5: {  	[tilespmem:s19+$0x30] =	vst v1  }
.Ltmp20:
0x2a6: {  	[tilespmem:s19+$0x20] =	vst v1;
	(pc) =	sbr.rel @p0 .LBB2_28-.Ltmp20, $4  }
0x2a7: {  	[tilespmem:s19+$0x10] =	vst v1  }
0x2a8: {  	[tilespmem:s19+$0x0] =	vst v1  }
0x2a9: {  	[tilespmem:s19+$0xFFFFFFF0] =	vst v1  }
0x2aa: {  	[tilespmem:s19+$0xFFFFFFE0] =	vst v1  }
.Ltmp21:
0x2ab: {  	_ = 	snop;
	(pc) =	sbr.rel .LBB2_29-.Ltmp21, $1  }
0x2ac: {  	_ =	sdelay $0x3  }
.LBB2_4:
.Ltmp22:
0x2ad: {  	(pc) =	sbr.rel .LBB2_8-.Ltmp22, $2  }
0x2ae: {  	_ =	sdelay $0x2  }
0x2af: {  	s25 =	simm.s32 $0x46C0  }
.LBB2_19:
.Ltmp23:
0x2b0: {  	(pc) =	sbr.rel .LBB2_23-.Ltmp23, $2  }
0x2b1: {  	_ =	sdelay $0x2  }
0x2b2: {  	s26 =	simm.s32 $0x56C0  }
.LBB2_6:
.Ltmp24:
0x2b3: {  	(pc) =	sbr.rel .LBB2_8-.Ltmp24, $2  }
0x2b4: {  	_ =	sdelay $0x2  }
0x2b5: {  	s25 =	simm.s32 $0x46C0  }
.LBB2_21:
.Ltmp25:
0x2b6: {  	(pc) =	sbr.rel .LBB2_23-.Ltmp25, $2  }
0x2b7: {  	_ =	sdelay $0x2  }
0x2b8: {  	s26 =	simm.s32 $0x56C0  }
.LBB2_32:
0x2b9: {  	_ =	sfence.sel $0x180000  }
0x2ba: {  	[bflag:$0x0] =	sbarrier.arrive $0xFFFF  }
0x2bb: {  	p0 =	sne.s32 s4, $0x0;
	_ =	strace $0x90000047  }
0x2bc: {  	s0 =	sadd.s32 @!p0 $0x100000, s0;
	[bflag:$0x2] =	sbarrier.arrive $0xFFFF  }
0x2bd: {  	[sflag:s0] =	ssyncadd.tile.s32 @!p0 $0x1;
	_ =	shalt  }
.Lfunc_end2:
_tile_overlayer_lowered:
.L_overlay_start_2:
0x2be: {  	(tag) =	ssettag $0x2  }
0x2bf: {  	s0 =	rddreg [dreg:$0x0];
	s2 =	stileid.u32  }
0x2c0: {  	s1 =	rddreg [dreg:$0x1];
	p0 =	sne.s32 s2, $0x0  }
0x2c1: {  	s3 =	rddreg [dreg:$0x2];
	[bflag:$0x3] =	sbarrier.arrive $0xFFFF;
	s2 =	simm.s32 @!p0 $0x1C06  }
0x2c2: {  	[timem:s3], [sflag:s2] =	dma.local @!p0 [hbm:s0], s1  }
0x2c3: {  	s0 =	simm.s32 @!p0 $0x6  }
0x2c4: {  	_ =	swait.ge @!p0 [sflag:s0], s1  }
0x2c5: {  	s1 =	ssub.s32 @!p0 $0x0, s1;
	[sflag:s0] =	ssyncset.done @!p0 $0x0  }
0x2c6: {  	[sflag:s0] =	ssyncadd.s32 @!p0 s1  }
0x2c7: {  	[bflag:$0x3] =	sbarrier.arrive $0xFFFF  }
0x2c8: {  	_ =	shalt  }

</sc_bundles>
